<compile_context>
chip_gen: v7x
topology: tpu7x:2x2x1
jax: 0.10.2.dev20260603
libtpu: 0.0.44.dev20260713+nightly
codegen_flags: <defaults>
</compile_context>

<pallas_src>
import jax
import jax.numpy as jnp
from jax import lax
from jax.experimental import pallas as pl
from jax.experimental.pallas import tpu as pltpu
from jax.experimental.pallas import tpu_sc as plsc

VOCAB = 1000000
EMB_DIM = 64
MASK_DIM = 50
B = 4096
L = 200
N = B * L

G = 128
KJ = 4
C = G * KJ
NW = 32
ROWS_PER_W = N // (G * NW)
STEPS = ROWS_PER_W // KJ
TB = B // NW
LANES = 16
MW = 48


def _sc_body(sent_hbm, mask_hbm, target_hbm, wtab_hbm, mtab_hbm,
             out_hbm, tout_hbm,
             idx_v, midx_v, tidx_v, wrows, mrows, trows, mtab_v, mtab_sh,
             last2, wsems, msems, tsem):
    nc = plsc.get_sparse_core_info().num_cores
    sid = lax.axis_index("s")
    wid = sid * nc + lax.axis_index("c")

    pltpu.sync_copy(mtab_hbm, mtab_v)

    @pl.when(sid == 0)
    def _stage():
        pltpu.sync_copy(mtab_v.at[:, pl.ds(0, MW)], mtab_sh)

    plsc.subcore_barrier()

    pltpu.sync_copy(target_hbm.at[wid], tidx_v)
    pltpu.async_copy(wtab_hbm.at[tidx_v], trows, tsem).wait()
    pltpu.sync_copy(trows, tout_hbm.at[pl.ds(wid * TB, TB)])

    lane_iota = lax.iota(jnp.int32, LANES)
    col48 = jnp.full((LANES,), MW, jnp.int32)
    col49 = jnp.full((LANES,), MW + 1, jnp.int32)
    zero = jnp.zeros((LANES,), jnp.int32)
    one = jnp.ones((LANES,), jnp.int32)

    w0 = wid * ROWS_PER_W

    def load_and_fire(i, p):
        r0 = w0 + i * KJ
        pltpu.sync_copy(sent_hbm.at[pl.ds(r0, KJ)], idx_v[p])
        pltpu.sync_copy(mask_hbm.at[pl.ds(r0, KJ)], midx_v[p])
        for j in range(KJ):
            pltpu.async_copy(wtab_hbm.at[idx_v[p].at[j]],
                             wrows[p].at[pl.ds(j * G, G)], wsems[p])
            pltpu.async_copy(mtab_sh.at[midx_v[p].at[j]],
                             mrows[p].at[pl.ds(j * G, G)], msems[p])

    def finish(i, p):
        for j in range(KJ):
            for g in range(G // LANES):
                m = midx_v[p][j, pl.ds(g * LANES, LANES)]
                rows16 = jnp.full((LANES,), j * G + g * LANES,
                                  jnp.int32) + lane_iota
                va = plsc.load_gather(mtab_v, [m, col48])
                vb = plsc.load_gather(mtab_v, [m, col49])
                plsc.store_scatter(last2, [rows16, zero], va)
                plsc.store_scatter(last2, [rows16, one], vb)
        for j in range(KJ):
            pltpu.make_async_copy(wtab_hbm.at[idx_v[p].at[j]],
                                  wrows[p].at[pl.ds(j * G, G)],
                                  wsems[p]).wait()
            pltpu.make_async_copy(mtab_sh.at[midx_v[p].at[j]],
                                  mrows[p].at[pl.ds(j * G, G)],
                                  msems[p]).wait()
        base = (w0 + i * KJ) * G
        pltpu.sync_copy(wrows[p],
                        out_hbm.at[pl.ds(base, C), pl.ds(0, EMB_DIM)])
        pltpu.sync_copy(mrows[p],
                        out_hbm.at[pl.ds(base, C), pl.ds(EMB_DIM, MW)])
        pltpu.sync_copy(last2, out_hbm.at[pl.ds(base, C), pl.ds(112, 2)])

    load_and_fire(0, 0)

    def pair(k):
        i0 = k * 2
        @pl.when(i0 + 1 < STEPS)
        def _a():
            load_and_fire(i0 + 1, 1)
        finish(i0, 0)
        @pl.when(i0 + 2 < STEPS)
        def _b():
            load_and_fire(i0 + 2, 0)
        @pl.when(i0 + 1 < STEPS)
        def _c():
            finish(i0 + 1, 1)

    pl.loop(0, (STEPS + 1) // 2)(pair)


@jax.jit
def _sc_cat(sent2d, mask2d, target2d, word_table, mask_table_pad):
    mesh = plsc.VectorSubcoreMesh(core_axis_name="c", subcore_axis_name="s")
    f = pl.kernel(
        _sc_body,
        out_type=(
            jax.ShapeDtypeStruct((N, EMB_DIM + MASK_DIM), jnp.float32),
            jax.ShapeDtypeStruct((B, EMB_DIM), jnp.float32),
        ),
        mesh=mesh,
        compiler_params=pltpu.CompilerParams(use_tc_tiling_on_sc=False,
                                             needs_layout_passes=False),
        scratch_types=[
            [pltpu.VMEM((KJ, G), jnp.int32)] * 2,
            [pltpu.VMEM((KJ, G), jnp.int32)] * 2,
            pltpu.VMEM((TB,), jnp.int32),
            [pltpu.VMEM((C, EMB_DIM), jnp.float32)] * 2,
            [pltpu.VMEM((C, MW), jnp.float32)] * 2,
            pltpu.VMEM((TB, EMB_DIM), jnp.float32),
            pltpu.VMEM((2, EMB_DIM), jnp.float32),
            pltpu.VMEM_SHARED((2, MW), jnp.float32),
            pltpu.VMEM((C, 2), jnp.float32),
            [pltpu.SemaphoreType.DMA] * 2,
            [pltpu.SemaphoreType.DMA] * 2,
            pltpu.SemaphoreType.DMA,
        ],
    )
    return f(sent2d, mask2d, target2d, word_table, mask_table_pad)


def kernel(sent, mask, target, word_table, mask_table):
    sent2d = sent.reshape(N // G, G).astype(jnp.int32)
    mask2d = mask.reshape(N // G, G).astype(jnp.int32)
    target2d = target.reshape(NW, TB).astype(jnp.int32)
    mtab_pad = jnp.pad(mask_table, ((0, 0), (0, EMB_DIM - MASK_DIM)))
    out, tout = _sc_cat(sent2d, mask2d, target2d, word_table, mtab_pad)
    return out.reshape(B, L, EMB_DIM + MASK_DIM), tout

# --- scband reference (transcript-rebuilt; emitter-appended) ---
"""Pipeline reference for scband-simple-cat-26456998543647 (READ-ONLY COPY).

The authoritative reference and input builder live on the scoring server;
editing this copy changes nothing except your own understanding.
"""

import jax, jax.numpy as jnp
import numpy as np

VOCAB = 1000000
EMB_DIM = 64
MASK_DIM = 50
B = 4096
L = 200


def setup_inputs(seed: int = 0) -> dict:
    key = jax.random.key(seed)
    k1, k2, k3, k4, k5 = jax.random.split(key, 5)
    sent = jax.random.randint(k1, (B, L), 0, VOCAB, dtype=jnp.int64) if jax.config.jax_enable_x64 else jax.random.randint(k1, (B, L), 0, VOCAB).astype(jnp.int32)
    mask = jax.random.randint(k2, (B, L), 0, 2).astype(sent.dtype)
    target = jax.random.randint(k3, (B,), 0, VOCAB).astype(sent.dtype)
    word_table = jax.random.normal(k4, (VOCAB, EMB_DIM), dtype=jnp.float32) * 0.02
    mask_table = jax.random.normal(k5, (2, MASK_DIM), dtype=jnp.float32) * 0.02
    return {"sent": sent, "mask": mask, "target": target, "word_table": word_table, "mask_table": mask_table}


def reference(sent, mask, target, word_table, mask_table):
    # SimpleCat.forward with is_elmo=False, is_pos=False, eval mode (dropout = identity)
    sent_vec = jnp.take(word_table, sent, axis=0)          # [B, L, EMB_DIM]
    target_vec = jnp.take(word_table, target, axis=0)      # [B, EMB_DIM]
    mask_vec = jnp.take(mask_table, mask, axis=0)          # [B, L, MASK_DIM]
    sent_vec = jnp.concatenate([sent_vec, mask_vec], axis=2)  # [B, L, EMB_DIM + MASK_DIM]
    return (sent_vec, target_vec)

if __name__ == "__main__":
    import jax
    _d = setup_inputs()
    print(jax.jit(kernel)(*tuple(_d.values())))

</pallas_src>

<mosaic_0001>
#map = affine_map<(d0, d1) -> (0, 0)>
module attributes {stable_mosaic.version = 14 : i64} {
  func.func @_sc_body(%arg0: i32, %arg1: i32, %arg2: memref<6400x128xi32, #tpu.memory_space<hbm>>, %arg3: memref<6400x128xi32, #tpu.memory_space<hbm>>, %arg4: memref<32x128xi32, #tpu.memory_space<hbm>>, %arg5: memref<1000000x64xf32, #tpu.memory_space<hbm>>, %arg6: memref<2x64xf32, #tpu.memory_space<hbm>>, %arg7: memref<819200x114xf32, #tpu.memory_space<hbm>>, %arg8: memref<4096x64xf32, #tpu.memory_space<hbm>>, %arg9: memref<4x128xi32, #tpu.memory_space<vmem>>, %arg10: memref<4x128xi32, #tpu.memory_space<vmem>>, %arg11: memref<4x128xi32, #tpu.memory_space<vmem>>, %arg12: memref<4x128xi32, #tpu.memory_space<vmem>>, %arg13: memref<128xi32, #tpu.memory_space<vmem>>, %arg14: memref<512x64xf32, #tpu.memory_space<vmem>>, %arg15: memref<512x64xf32, #tpu.memory_space<vmem>>, %arg16: memref<512x48xf32, #tpu.memory_space<vmem>>, %arg17: memref<512x48xf32, #tpu.memory_space<vmem>>, %arg18: memref<128x64xf32, #tpu.memory_space<vmem>>, %arg19: memref<2x64xf32, #tpu.memory_space<vmem>>, %arg20: memref<2x48xf32, #tpu.memory_space<vmem_shared>>, %arg21: memref<512x2xf32, #tpu.memory_space<vmem>>, %arg22: memref<!tpu.dma_semaphore, #tpu.memory_space<semaphore_mem>>, %arg23: memref<!tpu.dma_semaphore, #tpu.memory_space<semaphore_mem>>, %arg24: memref<!tpu.dma_semaphore, #tpu.memory_space<semaphore_mem>>, %arg25: memref<!tpu.dma_semaphore, #tpu.memory_space<semaphore_mem>>, %arg26: memref<!tpu.dma_semaphore, #tpu.memory_space<semaphore_mem>>) attributes {dimension_semantics = [#tpu.dimension_semantics<core_parallel>, #tpu.dimension_semantics<subcore_parallel>], iteration_bounds = array<i64: 2, 16>, scalar_prefetch = 0 : i64, scratch_operands = 18 : i64, tpu.core_type = #tpu.core_type<sc_vector_subcore>, window_params = [{transform_indices = #map}, {transform_indices = #map}, {transform_indices = #map}, {transform_indices = #map}, {transform_indices = #map}, {transform_indices = #map}, {transform_indices = #map}]} {
    %mul3A = arith.constant 2 : i32
    %mul3A_0 = arith.muli %arg1, %mul3A : i32
    %add3A = arith.addi %mul3A_0, %arg0 : i32
    "tpu.region"() ({
      %run_scoped3A = tpu.sem_alloc : memref<!tpu.dma_semaphore, #tpu.memory_space<semaphore_mem>>
      tpu.enqueue_dma source(%arg6 : memref<2x64xf32, #tpu.memory_space<hbm>>) target(%arg19 : memref<2x64xf32, #tpu.memory_space<vmem>>) target_semaphore(%run_scoped3A : memref<!tpu.dma_semaphore, #tpu.memory_space<semaphore_mem>>)
      tpu.wait_dma2 semaphore(%run_scoped3A : memref<!tpu.dma_semaphore, #tpu.memory_space<semaphore_mem>>) src(%arg6 : memref<2x64xf32, #tpu.memory_space<hbm>>) dst(%arg19 : memref<2x64xf32, #tpu.memory_space<vmem>>)
      tpu.yield
    }) : () -> ()
    %eq3A = arith.constant 0 : i32
    %eq3A_1 = arith.cmpi eq, %arg1, %eq3A : i32
    %convert_element_type3A = arith.extui %eq3A_1 : i1 to i32
    %cond3A = arith.constant 0 : i32
    %cond3A_2 = arith.cmpi ne, %convert_element_type3A, %cond3A : i32
    scf.if %cond3A_2 {
      "tpu.region"() ({
        %run_scoped3A = tpu.sem_alloc : memref<!tpu.dma_semaphore, #tpu.memory_space<semaphore_mem>>
        %dma_start3A_104 = arith.constant 0 : i32
        %dma_start3A_105 = arith.constant 0 : i32
        %dma_start3A_106 = tpu.memref_slice %arg19[%dma_start3A_104, %dma_start3A_105] : memref<2x64xf32, #tpu.memory_space<vmem>> -> memref<2x48xf32, #tpu.memory_space<vmem>>
        %dma_start3A_107 = arith.constant 0 : i32
        %dma_start3A_108 = arith.constant 0 : i32
        %dma_start3A_109 = tpu.memref_slice %arg19[%dma_start3A_107, %dma_start3A_108] : memref<2x64xf32, #tpu.memory_space<vmem>> -> memref<2x48xf32, #tpu.memory_space<vmem>>
        tpu.enqueue_dma source(%dma_start3A_109 : memref<2x48xf32, #tpu.memory_space<vmem>>) target(%arg20 : memref<2x48xf32, #tpu.memory_space<vmem_shared>>) target_semaphore(%run_scoped3A : memref<!tpu.dma_semaphore, #tpu.memory_space<semaphore_mem>>)
        %dma_wait3A_110 = arith.constant 0 : i32
        %dma_wait3A_111 = arith.constant 0 : i32
        %dma_wait3A_112 = tpu.memref_slice %arg19[%dma_wait3A_110, %dma_wait3A_111] : memref<2x64xf32, #tpu.memory_space<vmem>> -> memref<2x48xf32, #tpu.memory_space<vmem>>
        %dma_wait3A_113 = arith.constant 0 : i32
        %dma_wait3A_114 = arith.constant 0 : i32
        %dma_wait3A_115 = tpu.memref_slice %arg19[%dma_wait3A_113, %dma_wait3A_114] : memref<2x64xf32, #tpu.memory_space<vmem>> -> memref<2x48xf32, #tpu.memory_space<vmem>>
        tpu.wait_dma2 semaphore(%run_scoped3A : memref<!tpu.dma_semaphore, #tpu.memory_space<semaphore_mem>>) src(%dma_wait3A_115 : memref<2x48xf32, #tpu.memory_space<vmem>>) dst(%arg20 : memref<2x48xf32, #tpu.memory_space<vmem_shared>>)
        tpu.yield
      }) : () -> ()
    } else {
    }
    %barrier3A = arith.constant 0 : index
    tpu.barrier barrier_id(%barrier3A)
    "tpu.region"() ({
      %run_scoped3A = tpu.sem_alloc : memref<!tpu.dma_semaphore, #tpu.memory_space<semaphore_mem>>
      %dma_start3A_104 = arith.constant 0 : i32
      %dma_start3A_105 = tpu.memref_slice %arg4[%add3A, %dma_start3A_104] : memref<32x128xi32, #tpu.memory_space<hbm>> -> memref<1x128xi32, #tpu.memory_space<hbm>>
      %dma_start3A_106 = tpu.memref_squeeze %dma_start3A_105 : memref<1x128xi32, #tpu.memory_space<hbm>> -> memref<128xi32, #tpu.memory_space<hbm>>
      %dma_start3A_107 = arith.constant 0 : i32
      %dma_start3A_108 = tpu.memref_slice %arg4[%add3A, %dma_start3A_107] : memref<32x128xi32, #tpu.memory_space<hbm>> -> memref<1x128xi32, #tpu.memory_space<hbm>>
      %dma_start3A_109 = tpu.memref_squeeze %dma_start3A_108 : memref<1x128xi32, #tpu.memory_space<hbm>> -> memref<128xi32, #tpu.memory_space<hbm>>
      tpu.enqueue_dma source(%dma_start3A_109 : memref<128xi32, #tpu.memory_space<hbm>>) target(%arg13 : memref<128xi32, #tpu.memory_space<vmem>>) target_semaphore(%run_scoped3A : memref<!tpu.dma_semaphore, #tpu.memory_space<semaphore_mem>>)
      %dma_wait3A_110 = arith.constant 0 : i32
      %dma_wait3A_111 = tpu.memref_slice %arg4[%add3A, %dma_wait3A_110] : memref<32x128xi32, #tpu.memory_space<hbm>> -> memref<1x128xi32, #tpu.memory_space<hbm>>
      %dma_wait3A_112 = tpu.memref_squeeze %dma_wait3A_111 : memref<1x128xi32, #tpu.memory_space<hbm>> -> memref<128xi32, #tpu.memory_space<hbm>>
      %dma_wait3A_113 = arith.constant 0 : i32
      %dma_wait3A_114 = tpu.memref_slice %arg4[%add3A, %dma_wait3A_113] : memref<32x128xi32, #tpu.memory_space<hbm>> -> memref<1x128xi32, #tpu.memory_space<hbm>>
      %dma_wait3A_115 = tpu.memref_squeeze %dma_wait3A_114 : memref<1x128xi32, #tpu.memory_space<hbm>> -> memref<128xi32, #tpu.memory_space<hbm>>
      tpu.wait_dma2 semaphore(%run_scoped3A : memref<!tpu.dma_semaphore, #tpu.memory_space<semaphore_mem>>) src(%dma_wait3A_115 : memref<128xi32, #tpu.memory_space<hbm>>) dst(%arg13 : memref<128xi32, #tpu.memory_space<vmem>>)
      tpu.yield
    }) : () -> ()
    %dma_start3A = arith.constant 0 : i32
    %dma_start3A_3 = arith.constant 0 : i32
    %dma_start3A_4 = tpu.memref_slice %arg5[%dma_start3A, %dma_start3A_3] : memref<1000000x64xf32, #tpu.memory_space<hbm>> -> memref<1000000x64xf32, #tpu.memory_space<hbm>>
    tpu.enqueue_indirect_dma source(%dma_start3A_4 : memref<1000000x64xf32, #tpu.memory_space<hbm>>) target(%arg18 : memref<128x64xf32, #tpu.memory_space<vmem>>) offsets(%arg13 : memref<128xi32, #tpu.memory_space<vmem>>) semaphore(%arg26 : memref<!tpu.dma_semaphore, #tpu.memory_space<semaphore_mem>>)
    %dma_wait3A = arith.constant 0 : i32
    %dma_wait3A_5 = arith.constant 0 : i32
    %dma_wait3A_6 = tpu.memref_slice %arg5[%dma_wait3A, %dma_wait3A_5] : memref<1000000x64xf32, #tpu.memory_space<hbm>> -> memref<1000000x64xf32, #tpu.memory_space<hbm>>
    tpu.wait_indirect_dma semaphore(%arg26 : memref<!tpu.dma_semaphore, #tpu.memory_space<semaphore_mem>>) src(%dma_wait3A_6 : memref<1000000x64xf32, #tpu.memory_space<hbm>>) dst(%arg18 : memref<128x64xf32, #tpu.memory_space<vmem>>)
    %mul3A_7 = arith.constant 128 : i32
    %mul3A_8 = arith.muli %add3A, %mul3A_7 : i32
    "tpu.region"() ({
      %run_scoped3A = tpu.sem_alloc : memref<!tpu.dma_semaphore, #tpu.memory_space<semaphore_mem>>
      %dma_start3A_104 = arith.constant 0 : i32
      %dma_start3A_105 = tpu.memref_slice %arg8[%mul3A_8, %dma_start3A_104] : memref<4096x64xf32, #tpu.memory_space<hbm>> -> memref<128x64xf32, #tpu.memory_space<hbm>>
      %dma_start3A_106 = arith.constant 0 : i32
      %dma_start3A_107 = tpu.memref_slice %arg8[%mul3A_8, %dma_start3A_106] : memref<4096x64xf32, #tpu.memory_space<hbm>> -> memref<128x64xf32, #tpu.memory_space<hbm>>
      tpu.enqueue_dma source(%arg18 : memref<128x64xf32, #tpu.memory_space<vmem>>) target(%dma_start3A_107 : memref<128x64xf32, #tpu.memory_space<hbm>>) target_semaphore(%run_scoped3A : memref<!tpu.dma_semaphore, #tpu.memory_space<semaphore_mem>>)
      %dma_wait3A_108 = arith.constant 0 : i32
      %dma_wait3A_109 = tpu.memref_slice %arg8[%mul3A_8, %dma_wait3A_108] : memref<4096x64xf32, #tpu.memory_space<hbm>> -> memref<128x64xf32, #tpu.memory_space<hbm>>
      %dma_wait3A_110 = arith.constant 0 : i32
      %dma_wait3A_111 = tpu.memref_slice %arg8[%mul3A_8, %dma_wait3A_110] : memref<4096x64xf32, #tpu.memory_space<hbm>> -> memref<128x64xf32, #tpu.memory_space<hbm>>
      tpu.wait_dma2 semaphore(%run_scoped3A : memref<!tpu.dma_semaphore, #tpu.memory_space<semaphore_mem>>) src(%arg18 : memref<128x64xf32, #tpu.memory_space<vmem>>) dst(%dma_wait3A_111 : memref<128x64xf32, #tpu.memory_space<hbm>>)
      tpu.yield
    }) : () -> ()
    %iota3A = tpu.iota {dimensions = array<i32: 0>} : vector<16xi32>
    %broadcast_in_dim3A = arith.constant 48 : i32
    %broadcast_in_dim3A_9 = vector.broadcast %broadcast_in_dim3A : i32 to vector<16xi32>
    %broadcast_in_dim3A_10 = arith.constant 49 : i32
    %broadcast_in_dim3A_11 = vector.broadcast %broadcast_in_dim3A_10 : i32 to vector<16xi32>
    %broadcast_in_dim3A_12 = arith.constant 0 : i32
    %broadcast_in_dim3A_13 = vector.broadcast %broadcast_in_dim3A_12 : i32 to vector<16xi32>
    %broadcast_in_dim3A_14 = arith.constant 1 : i32
    %broadcast_in_dim3A_15 = vector.broadcast %broadcast_in_dim3A_14 : i32 to vector<16xi32>
    %mul3A_16 = arith.constant 200 : i32
    %mul3A_17 = arith.muli %add3A, %mul3A_16 : i32
    %add3A_18 = arith.constant 0 : i32
    %add3A_19 = arith.addi %mul3A_17, %add3A_18 : i32
    "tpu.region"() ({
      %run_scoped3A = tpu.sem_alloc : memref<!tpu.dma_semaphore, #tpu.memory_space<semaphore_mem>>
      %dma_start3A_104 = arith.constant 0 : i32
      %dma_start3A_105 = tpu.memref_slice %arg2[%add3A_19, %dma_start3A_104] : memref<6400x128xi32, #tpu.memory_space<hbm>> -> memref<4x128xi32, #tpu.memory_space<hbm>>
      %dma_start3A_106 = arith.constant 0 : i32
      %dma_start3A_107 = tpu.memref_slice %arg2[%add3A_19, %dma_start3A_106] : memref<6400x128xi32, #tpu.memory_space<hbm>> -> memref<4x128xi32, #tpu.memory_space<hbm>>
      tpu.enqueue_dma source(%dma_start3A_107 : memref<4x128xi32, #tpu.memory_space<hbm>>) target(%arg9 : memref<4x128xi32, #tpu.memory_space<vmem>>) target_semaphore(%run_scoped3A : memref<!tpu.dma_semaphore, #tpu.memory_space<semaphore_mem>>)
      %dma_wait3A_108 = arith.constant 0 : i32
      %dma_wait3A_109 = tpu.memref_slice %arg2[%add3A_19, %dma_wait3A_108] : memref<6400x128xi32, #tpu.memory_space<hbm>> -> memref<4x128xi32, #tpu.memory_space<hbm>>
      %dma_wait3A_110 = arith.constant 0 : i32
      %dma_wait3A_111 = tpu.memref_slice %arg2[%add3A_19, %dma_wait3A_110] : memref<6400x128xi32, #tpu.memory_space<hbm>> -> memref<4x128xi32, #tpu.memory_space<hbm>>
      tpu.wait_dma2 semaphore(%run_scoped3A : memref<!tpu.dma_semaphore, #tpu.memory_space<semaphore_mem>>) src(%dma_wait3A_111 : memref<4x128xi32, #tpu.memory_space<hbm>>) dst(%arg9 : memref<4x128xi32, #tpu.memory_space<vmem>>)
      tpu.yield
    }) : () -> ()
    "tpu.region"() ({
      %run_scoped3A = tpu.sem_alloc : memref<!tpu.dma_semaphore, #tpu.memory_space<semaphore_mem>>
      %dma_start3A_104 = arith.constant 0 : i32
      %dma_start3A_105 = tpu.memref_slice %arg3[%add3A_19, %dma_start3A_104] : memref<6400x128xi32, #tpu.memory_space<hbm>> -> memref<4x128xi32, #tpu.memory_space<hbm>>
      %dma_start3A_106 = arith.constant 0 : i32
      %dma_start3A_107 = tpu.memref_slice %arg3[%add3A_19, %dma_start3A_106] : memref<6400x128xi32, #tpu.memory_space<hbm>> -> memref<4x128xi32, #tpu.memory_space<hbm>>
      tpu.enqueue_dma source(%dma_start3A_107 : memref<4x128xi32, #tpu.memory_space<hbm>>) target(%arg11 : memref<4x128xi32, #tpu.memory_space<vmem>>) target_semaphore(%run_scoped3A : memref<!tpu.dma_semaphore, #tpu.memory_space<semaphore_mem>>)
      %dma_wait3A_108 = arith.constant 0 : i32
      %dma_wait3A_109 = tpu.memref_slice %arg3[%add3A_19, %dma_wait3A_108] : memref<6400x128xi32, #tpu.memory_space<hbm>> -> memref<4x128xi32, #tpu.memory_space<hbm>>
      %dma_wait3A_110 = arith.constant 0 : i32
      %dma_wait3A_111 = tpu.memref_slice %arg3[%add3A_19, %dma_wait3A_110] : memref<6400x128xi32, #tpu.memory_space<hbm>> -> memref<4x128xi32, #tpu.memory_space<hbm>>
      tpu.wait_dma2 semaphore(%run_scoped3A : memref<!tpu.dma_semaphore, #tpu.memory_space<semaphore_mem>>) src(%dma_wait3A_111 : memref<4x128xi32, #tpu.memory_space<hbm>>) dst(%arg11 : memref<4x128xi32, #tpu.memory_space<vmem>>)
      tpu.yield
    }) : () -> ()
    %dma_start3A_20 = arith.constant 0 : i32
    %dma_start3A_21 = arith.constant 0 : i32
    %dma_start3A_22 = arith.constant 0 : i32
    %dma_start3A_23 = tpu.memref_slice %arg14[%dma_start3A_21, %dma_start3A_22] : memref<512x64xf32, #tpu.memory_space<vmem>> -> memref<128x64xf32, #tpu.memory_space<vmem>>
    %dma_start3A_24 = arith.constant 0 : i32
    %dma_start3A_25 = tpu.memref_slice %arg9[%dma_start3A_20, %dma_start3A_24] : memref<4x128xi32, #tpu.memory_space<vmem>> -> memref<1x128xi32, #tpu.memory_space<vmem>>
    %dma_start3A_26 = tpu.memref_squeeze %dma_start3A_25 : memref<1x128xi32, #tpu.memory_space<vmem>> -> memref<128xi32, #tpu.memory_space<vmem>>
    %dma_start3A_27 = arith.constant 0 : i32
    %dma_start3A_28 = arith.constant 0 : i32
    %dma_start3A_29 = tpu.memref_slice %arg5[%dma_start3A_27, %dma_start3A_28] : memref<1000000x64xf32, #tpu.memory_space<hbm>> -> memref<1000000x64xf32, #tpu.memory_space<hbm>>
    tpu.enqueue_indirect_dma source(%dma_start3A_29 : memref<1000000x64xf32, #tpu.memory_space<hbm>>) target(%dma_start3A_23 : memref<128x64xf32, #tpu.memory_space<vmem>>) offsets(%dma_start3A_26 : memref<128xi32, #tpu.memory_space<vmem>>) semaphore(%arg22 : memref<!tpu.dma_semaphore, #tpu.memory_space<semaphore_mem>>)
    %dma_start3A_30 = arith.constant 0 : i32
    %dma_start3A_31 = arith.constant 0 : i32
    %dma_start3A_32 = arith.constant 0 : i32
    %dma_start3A_33 = tpu.memref_slice %arg16[%dma_start3A_31, %dma_start3A_32] : memref<512x48xf32, #tpu.memory_space<vmem>> -> memref<128x48xf32, #tpu.memory_space<vmem>>
    %dma_start3A_34 = arith.constant 0 : i32
    %dma_start3A_35 = tpu.memref_slice %arg11[%dma_start3A_30, %dma_start3A_34] : memref<4x128xi32, #tpu.memory_space<vmem>> -> memref<1x128xi32, #tpu.memory_space<vmem>>
    %dma_start3A_36 = tpu.memref_squeeze %dma_start3A_35 : memref<1x128xi32, #tpu.memory_space<vmem>> -> memref<128xi32, #tpu.memory_space<vmem>>
    %dma_start3A_37 = arith.constant 0 : i32
    %dma_start3A_38 = arith.constant 0 : i32
    %dma_start3A_39 = tpu.memref_slice %arg20[%dma_start3A_37, %dma_start3A_38] : memref<2x48xf32, #tpu.memory_space<vmem_shared>> -> memref<2x48xf32, #tpu.memory_space<vmem_shared>>
    tpu.enqueue_indirect_dma source(%dma_start3A_39 : memref<2x48xf32, #tpu.memory_space<vmem_shared>>) target(%dma_start3A_33 : memref<128x48xf32, #tpu.memory_space<vmem>>) offsets(%dma_start3A_36 : memref<128xi32, #tpu.memory_space<vmem>>) semaphore(%arg24 : memref<!tpu.dma_semaphore, #tpu.memory_space<semaphore_mem>>)
    %dma_start3A_40 = arith.constant 1 : i32
    %dma_start3A_41 = arith.constant 128 : i32
    %dma_start3A_42 = arith.constant 0 : i32
    %dma_start3A_43 = tpu.memref_slice %arg14[%dma_start3A_41, %dma_start3A_42] : memref<512x64xf32, #tpu.memory_space<vmem>> -> memref<128x64xf32, #tpu.memory_space<vmem>>
    %dma_start3A_44 = arith.constant 0 : i32
    %dma_start3A_45 = tpu.memref_slice %arg9[%dma_start3A_40, %dma_start3A_44] : memref<4x128xi32, #tpu.memory_space<vmem>> -> memref<1x128xi32, #tpu.memory_space<vmem>>
    %dma_start3A_46 = tpu.memref_squeeze %dma_start3A_45 : memref<1x128xi32, #tpu.memory_space<vmem>> -> memref<128xi32, #tpu.memory_space<vmem>>
    %dma_start3A_47 = arith.constant 0 : i32
    %dma_start3A_48 = arith.constant 0 : i32
    %dma_start3A_49 = tpu.memref_slice %arg5[%dma_start3A_47, %dma_start3A_48] : memref<1000000x64xf32, #tpu.memory_space<hbm>> -> memref<1000000x64xf32, #tpu.memory_space<hbm>>
    tpu.enqueue_indirect_dma source(%dma_start3A_49 : memref<1000000x64xf32, #tpu.memory_space<hbm>>) target(%dma_start3A_43 : memref<128x64xf32, #tpu.memory_space<vmem>>) offsets(%dma_start3A_46 : memref<128xi32, #tpu.memory_space<vmem>>) semaphore(%arg22 : memref<!tpu.dma_semaphore, #tpu.memory_space<semaphore_mem>>)
    %dma_start3A_50 = arith.constant 1 : i32
    %dma_start3A_51 = arith.constant 128 : i32
    %dma_start3A_52 = arith.constant 0 : i32
    %dma_start3A_53 = tpu.memref_slice %arg16[%dma_start3A_51, %dma_start3A_52] : memref<512x48xf32, #tpu.memory_space<vmem>> -> memref<128x48xf32, #tpu.memory_space<vmem>>
    %dma_start3A_54 = arith.constant 0 : i32
    %dma_start3A_55 = tpu.memref_slice %arg11[%dma_start3A_50, %dma_start3A_54] : memref<4x128xi32, #tpu.memory_space<vmem>> -> memref<1x128xi32, #tpu.memory_space<vmem>>
    %dma_start3A_56 = tpu.memref_squeeze %dma_start3A_55 : memref<1x128xi32, #tpu.memory_space<vmem>> -> memref<128xi32, #tpu.memory_space<vmem>>
    %dma_start3A_57 = arith.constant 0 : i32
    %dma_start3A_58 = arith.constant 0 : i32
    %dma_start3A_59 = tpu.memref_slice %arg20[%dma_start3A_57, %dma_start3A_58] : memref<2x48xf32, #tpu.memory_space<vmem_shared>> -> memref<2x48xf32, #tpu.memory_space<vmem_shared>>
    tpu.enqueue_indirect_dma source(%dma_start3A_59 : memref<2x48xf32, #tpu.memory_space<vmem_shared>>) target(%dma_start3A_53 : memref<128x48xf32, #tpu.memory_space<vmem>>) offsets(%dma_start3A_56 : memref<128xi32, #tpu.memory_space<vmem>>) semaphore(%arg24 : memref<!tpu.dma_semaphore, #tpu.memory_space<semaphore_mem>>)
    %dma_start3A_60 = arith.constant 2 : i32
    %dma_start3A_61 = arith.constant 256 : i32
    %dma_start3A_62 = arith.constant 0 : i32
    %dma_start3A_63 = tpu.memref_slice %arg14[%dma_start3A_61, %dma_start3A_62] : memref<512x64xf32, #tpu.memory_space<vmem>> -> memref<128x64xf32, #tpu.memory_space<vmem>>
    %dma_start3A_64 = arith.constant 0 : i32
    %dma_start3A_65 = tpu.memref_slice %arg9[%dma_start3A_60, %dma_start3A_64] : memref<4x128xi32, #tpu.memory_space<vmem>> -> memref<1x128xi32, #tpu.memory_space<vmem>>
    %dma_start3A_66 = tpu.memref_squeeze %dma_start3A_65 : memref<1x128xi32, #tpu.memory_space<vmem>> -> memref<128xi32, #tpu.memory_space<vmem>>
    %dma_start3A_67 = arith.constant 0 : i32
    %dma_start3A_68 = arith.constant 0 : i32
    %dma_start3A_69 = tpu.memref_slice %arg5[%dma_start3A_67, %dma_start3A_68] : memref<1000000x64xf32, #tpu.memory_space<hbm>> -> memref<1000000x64xf32, #tpu.memory_space<hbm>>
    tpu.enqueue_indirect_dma source(%dma_start3A_69 : memref<1000000x64xf32, #tpu.memory_space<hbm>>) target(%dma_start3A_63 : memref<128x64xf32, #tpu.memory_space<vmem>>) offsets(%dma_start3A_66 : memref<128xi32, #tpu.memory_space<vmem>>) semaphore(%arg22 : memref<!tpu.dma_semaphore, #tpu.memory_space<semaphore_mem>>)
    %dma_start3A_70 = arith.constant 2 : i32
    %dma_start3A_71 = arith.constant 256 : i32
    %dma_start3A_72 = arith.constant 0 : i32
    %dma_start3A_73 = tpu.memref_slice %arg16[%dma_start3A_71, %dma_start3A_72] : memref<512x48xf32, #tpu.memory_space<vmem>> -> memref<128x48xf32, #tpu.memory_space<vmem>>
    %dma_start3A_74 = arith.constant 0 : i32
    %dma_start3A_75 = tpu.memref_slice %arg11[%dma_start3A_70, %dma_start3A_74] : memref<4x128xi32, #tpu.memory_space<vmem>> -> memref<1x128xi32, #tpu.memory_space<vmem>>
    %dma_start3A_76 = tpu.memref_squeeze %dma_start3A_75 : memref<1x128xi32, #tpu.memory_space<vmem>> -> memref<128xi32, #tpu.memory_space<vmem>>
    %dma_start3A_77 = arith.constant 0 : i32
    %dma_start3A_78 = arith.constant 0 : i32
    %dma_start3A_79 = tpu.memref_slice %arg20[%dma_start3A_77, %dma_start3A_78] : memref<2x48xf32, #tpu.memory_space<vmem_shared>> -> memref<2x48xf32, #tpu.memory_space<vmem_shared>>
    tpu.enqueue_indirect_dma source(%dma_start3A_79 : memref<2x48xf32, #tpu.memory_space<vmem_shared>>) target(%dma_start3A_73 : memref<128x48xf32, #tpu.memory_space<vmem>>) offsets(%dma_start3A_76 : memref<128xi32, #tpu.memory_space<vmem>>) semaphore(%arg24 : memref<!tpu.dma_semaphore, #tpu.memory_space<semaphore_mem>>)
    %dma_start3A_80 = arith.constant 3 : i32
    %dma_start3A_81 = arith.constant 384 : i32
    %dma_start3A_82 = arith.constant 0 : i32
    %dma_start3A_83 = tpu.memref_slice %arg14[%dma_start3A_81, %dma_start3A_82] : memref<512x64xf32, #tpu.memory_space<vmem>> -> memref<128x64xf32, #tpu.memory_space<vmem>>
    %dma_start3A_84 = arith.constant 0 : i32
    %dma_start3A_85 = tpu.memref_slice %arg9[%dma_start3A_80, %dma_start3A_84] : memref<4x128xi32, #tpu.memory_space<vmem>> -> memref<1x128xi32, #tpu.memory_space<vmem>>
    %dma_start3A_86 = tpu.memref_squeeze %dma_start3A_85 : memref<1x128xi32, #tpu.memory_space<vmem>> -> memref<128xi32, #tpu.memory_space<vmem>>
    %dma_start3A_87 = arith.constant 0 : i32
    %dma_start3A_88 = arith.constant 0 : i32
    %dma_start3A_89 = tpu.memref_slice %arg5[%dma_start3A_87, %dma_start3A_88] : memref<1000000x64xf32, #tpu.memory_space<hbm>> -> memref<1000000x64xf32, #tpu.memory_space<hbm>>
    tpu.enqueue_indirect_dma source(%dma_start3A_89 : memref<1000000x64xf32, #tpu.memory_space<hbm>>) target(%dma_start3A_83 : memref<128x64xf32, #tpu.memory_space<vmem>>) offsets(%dma_start3A_86 : memref<128xi32, #tpu.memory_space<vmem>>) semaphore(%arg22 : memref<!tpu.dma_semaphore, #tpu.memory_space<semaphore_mem>>)
    %dma_start3A_90 = arith.constant 3 : i32
    %dma_start3A_91 = arith.constant 384 : i32
    %dma_start3A_92 = arith.constant 0 : i32
    %dma_start3A_93 = tpu.memref_slice %arg16[%dma_start3A_91, %dma_start3A_92] : memref<512x48xf32, #tpu.memory_space<vmem>> -> memref<128x48xf32, #tpu.memory_space<vmem>>
    %dma_start3A_94 = arith.constant 0 : i32
    %dma_start3A_95 = tpu.memref_slice %arg11[%dma_start3A_90, %dma_start3A_94] : memref<4x128xi32, #tpu.memory_space<vmem>> -> memref<1x128xi32, #tpu.memory_space<vmem>>
    %dma_start3A_96 = tpu.memref_squeeze %dma_start3A_95 : memref<1x128xi32, #tpu.memory_space<vmem>> -> memref<128xi32, #tpu.memory_space<vmem>>
    %dma_start3A_97 = arith.constant 0 : i32
    %dma_start3A_98 = arith.constant 0 : i32
    %dma_start3A_99 = tpu.memref_slice %arg20[%dma_start3A_97, %dma_start3A_98] : memref<2x48xf32, #tpu.memory_space<vmem_shared>> -> memref<2x48xf32, #tpu.memory_space<vmem_shared>>
    tpu.enqueue_indirect_dma source(%dma_start3A_99 : memref<2x48xf32, #tpu.memory_space<vmem_shared>>) target(%dma_start3A_93 : memref<128x48xf32, #tpu.memory_space<vmem>>) offsets(%dma_start3A_96 : memref<128xi32, #tpu.memory_space<vmem>>) semaphore(%arg24 : memref<!tpu.dma_semaphore, #tpu.memory_space<semaphore_mem>>)
    %scan3A = arith.constant 0 : i32
    %scan3A_100 = arith.constant 25 : i32
    %scan3A_101 = arith.addi %scan3A, %scan3A_100 : i32
    %scan3A_102 = arith.constant 1 : i32
    scf.for %scan3A_104 = %scan3A to %scan3A_101 step %scan3A_102  : i32 {
      %mul3A_105 = arith.constant 1 : i32
      %mul3A_106 = arith.muli %scan3A_104, %mul3A_105 : i32
      %add3A_107 = arith.constant 0 : i32
      %add3A_108 = arith.addi %add3A_107, %mul3A_106 : i32
      %mul3A_109 = arith.constant 2 : i32
      %mul3A_110 = arith.muli %add3A_108, %mul3A_109 : i32
      %add3A_111 = arith.constant 1 : i32
      %add3A_112 = arith.addi %mul3A_110, %add3A_111 : i32
      %lt3A = arith.constant 50 : i32
      %lt3A_113 = arith.cmpi slt, %add3A_112, %lt3A : i32
      %convert_element_type3A_114 = arith.extui %lt3A_113 : i1 to i32
      %cond3A_115 = arith.constant 0 : i32
      %cond3A_116 = arith.cmpi ne, %convert_element_type3A_114, %cond3A_115 : i32
      scf.if %cond3A_116 {
        %add3A_502 = arith.constant 1 : i32
        %add3A_503 = arith.addi %mul3A_110, %add3A_502 : i32
        %mul3A_504 = arith.constant 4 : i32
        %mul3A_505 = arith.muli %add3A_503, %mul3A_504 : i32
        %add3A_506 = arith.addi %mul3A_17, %mul3A_505 : i32
        "tpu.region"() ({
          %run_scoped3A = tpu.sem_alloc : memref<!tpu.dma_semaphore, #tpu.memory_space<semaphore_mem>>
          %dma_start3A_587 = arith.constant 0 : i32
          %dma_start3A_588 = tpu.memref_slice %arg2[%add3A_506, %dma_start3A_587] : memref<6400x128xi32, #tpu.memory_space<hbm>> -> memref<4x128xi32, #tpu.memory_space<hbm>>
          %dma_start3A_589 = arith.constant 0 : i32
          %dma_start3A_590 = tpu.memref_slice %arg2[%add3A_506, %dma_start3A_589] : memref<6400x128xi32, #tpu.memory_space<hbm>> -> memref<4x128xi32, #tpu.memory_space<hbm>>
          tpu.enqueue_dma source(%dma_start3A_590 : memref<4x128xi32, #tpu.memory_space<hbm>>) target(%arg10 : memref<4x128xi32, #tpu.memory_space<vmem>>) target_semaphore(%run_scoped3A : memref<!tpu.dma_semaphore, #tpu.memory_space<semaphore_mem>>)
          %dma_wait3A_591 = arith.constant 0 : i32
          %dma_wait3A_592 = tpu.memref_slice %arg2[%add3A_506, %dma_wait3A_591] : memref<6400x128xi32, #tpu.memory_space<hbm>> -> memref<4x128xi32, #tpu.memory_space<hbm>>
          %dma_wait3A_593 = arith.constant 0 : i32
          %dma_wait3A_594 = tpu.memref_slice %arg2[%add3A_506, %dma_wait3A_593] : memref<6400x128xi32, #tpu.memory_space<hbm>> -> memref<4x128xi32, #tpu.memory_space<hbm>>
          tpu.wait_dma2 semaphore(%run_scoped3A : memref<!tpu.dma_semaphore, #tpu.memory_space<semaphore_mem>>) src(%dma_wait3A_594 : memref<4x128xi32, #tpu.memory_space<hbm>>) dst(%arg10 : memref<4x128xi32, #tpu.memory_space<vmem>>)
          tpu.yield
        }) : () -> ()
        "tpu.region"() ({
          %run_scoped3A = tpu.sem_alloc : memref<!tpu.dma_semaphore, #tpu.memory_space<semaphore_mem>>
          %dma_start3A_587 = arith.constant 0 : i32
          %dma_start3A_588 = tpu.memref_slice %arg3[%add3A_506, %dma_start3A_587] : memref<6400x128xi32, #tpu.memory_space<hbm>> -> memref<4x128xi32, #tpu.memory_space<hbm>>
          %dma_start3A_589 = arith.constant 0 : i32
          %dma_start3A_590 = tpu.memref_slice %arg3[%add3A_506, %dma_start3A_589] : memref<6400x128xi32, #tpu.memory_space<hbm>> -> memref<4x128xi32, #tpu.memory_space<hbm>>
          tpu.enqueue_dma source(%dma_start3A_590 : memref<4x128xi32, #tpu.memory_space<hbm>>) target(%arg12 : memref<4x128xi32, #tpu.memory_space<vmem>>) target_semaphore(%run_scoped3A : memref<!tpu.dma_semaphore, #tpu.memory_space<semaphore_mem>>)
          %dma_wait3A_591 = arith.constant 0 : i32
          %dma_wait3A_592 = tpu.memref_slice %arg3[%add3A_506, %dma_wait3A_591] : memref<6400x128xi32, #tpu.memory_space<hbm>> -> memref<4x128xi32, #tpu.memory_space<hbm>>
          %dma_wait3A_593 = arith.constant 0 : i32
          %dma_wait3A_594 = tpu.memref_slice %arg3[%add3A_506, %dma_wait3A_593] : memref<6400x128xi32, #tpu.memory_space<hbm>> -> memref<4x128xi32, #tpu.memory_space<hbm>>
          tpu.wait_dma2 semaphore(%run_scoped3A : memref<!tpu.dma_semaphore, #tpu.memory_space<semaphore_mem>>) src(%dma_wait3A_594 : memref<4x128xi32, #tpu.memory_space<hbm>>) dst(%arg12 : memref<4x128xi32, #tpu.memory_space<vmem>>)
          tpu.yield
        }) : () -> ()
        %dma_start3A_507 = arith.constant 0 : i32
        %dma_start3A_508 = arith.constant 0 : i32
        %dma_start3A_509 = arith.constant 0 : i32
        %dma_start3A_510 = tpu.memref_slice %arg15[%dma_start3A_508, %dma_start3A_509] : memref<512x64xf32, #tpu.memory_space<vmem>> -> memref<128x64xf32, #tpu.memory_space<vmem>>
        %dma_start3A_511 = arith.constant 0 : i32
        %dma_start3A_512 = tpu.memref_slice %arg10[%dma_start3A_507, %dma_start3A_511] : memref<4x128xi32, #tpu.memory_space<vmem>> -> memref<1x128xi32, #tpu.memory_space<vmem>>
        %dma_start3A_513 = tpu.memref_squeeze %dma_start3A_512 : memref<1x128xi32, #tpu.memory_space<vmem>> -> memref<128xi32, #tpu.memory_space<vmem>>
        %dma_start3A_514 = arith.constant 0 : i32
        %dma_start3A_515 = arith.constant 0 : i32
        %dma_start3A_516 = tpu.memref_slice %arg5[%dma_start3A_514, %dma_start3A_515] : memref<1000000x64xf32, #tpu.memory_space<hbm>> -> memref<1000000x64xf32, #tpu.memory_space<hbm>>
        tpu.enqueue_indirect_dma source(%dma_start3A_516 : memref<1000000x64xf32, #tpu.memory_space<hbm>>) target(%dma_start3A_510 : memref<128x64xf32, #tpu.memory_space<vmem>>) offsets(%dma_start3A_513 : memref<128xi32, #tpu.memory_space<vmem>>) semaphore(%arg23 : memref<!tpu.dma_semaphore, #tpu.memory_space<semaphore_mem>>)
        %dma_start3A_517 = arith.constant 0 : i32
        %dma_start3A_518 = arith.constant 0 : i32
        %dma_start3A_519 = arith.constant 0 : i32
        %dma_start3A_520 = tpu.memref_slice %arg17[%dma_start3A_518, %dma_start3A_519] : memref<512x48xf32, #tpu.memory_space<vmem>> -> memref<128x48xf32, #tpu.memory_space<vmem>>
        %dma_start3A_521 = arith.constant 0 : i32
        %dma_start3A_522 = tpu.memref_slice %arg12[%dma_start3A_517, %dma_start3A_521] : memref<4x128xi32, #tpu.memory_space<vmem>> -> memref<1x128xi32, #tpu.memory_space<vmem>>
        %dma_start3A_523 = tpu.memref_squeeze %dma_start3A_522 : memref<1x128xi32, #tpu.memory_space<vmem>> -> memref<128xi32, #tpu.memory_space<vmem>>
        %dma_start3A_524 = arith.constant 0 : i32
        %dma_start3A_525 = arith.constant 0 : i32
        %dma_start3A_526 = tpu.memref_slice %arg20[%dma_start3A_524, %dma_start3A_525] : memref<2x48xf32, #tpu.memory_space<vmem_shared>> -> memref<2x48xf32, #tpu.memory_space<vmem_shared>>
        tpu.enqueue_indirect_dma source(%dma_start3A_526 : memref<2x48xf32, #tpu.memory_space<vmem_shared>>) target(%dma_start3A_520 : memref<128x48xf32, #tpu.memory_space<vmem>>) offsets(%dma_start3A_523 : memref<128xi32, #tpu.memory_space<vmem>>) semaphore(%arg25 : memref<!tpu.dma_semaphore, #tpu.memory_space<semaphore_mem>>)
        %dma_start3A_527 = arith.constant 1 : i32
        %dma_start3A_528 = arith.constant 128 : i32
        %dma_start3A_529 = arith.constant 0 : i32
        %dma_start3A_530 = tpu.memref_slice %arg15[%dma_start3A_528, %dma_start3A_529] : memref<512x64xf32, #tpu.memory_space<vmem>> -> memref<128x64xf32, #tpu.memory_space<vmem>>
        %dma_start3A_531 = arith.constant 0 : i32
        %dma_start3A_532 = tpu.memref_slice %arg10[%dma_start3A_527, %dma_start3A_531] : memref<4x128xi32, #tpu.memory_space<vmem>> -> memref<1x128xi32, #tpu.memory_space<vmem>>
        %dma_start3A_533 = tpu.memref_squeeze %dma_start3A_532 : memref<1x128xi32, #tpu.memory_space<vmem>> -> memref<128xi32, #tpu.memory_space<vmem>>
        %dma_start3A_534 = arith.constant 0 : i32
        %dma_start3A_535 = arith.constant 0 : i32
        %dma_start3A_536 = tpu.memref_slice %arg5[%dma_start3A_534, %dma_start3A_535] : memref<1000000x64xf32, #tpu.memory_space<hbm>> -> memref<1000000x64xf32, #tpu.memory_space<hbm>>
        tpu.enqueue_indirect_dma source(%dma_start3A_536 : memref<1000000x64xf32, #tpu.memory_space<hbm>>) target(%dma_start3A_530 : memref<128x64xf32, #tpu.memory_space<vmem>>) offsets(%dma_start3A_533 : memref<128xi32, #tpu.memory_space<vmem>>) semaphore(%arg23 : memref<!tpu.dma_semaphore, #tpu.memory_space<semaphore_mem>>)
        %dma_start3A_537 = arith.constant 1 : i32
        %dma_start3A_538 = arith.constant 128 : i32
        %dma_start3A_539 = arith.constant 0 : i32
        %dma_start3A_540 = tpu.memref_slice %arg17[%dma_start3A_538, %dma_start3A_539] : memref<512x48xf32, #tpu.memory_space<vmem>> -> memref<128x48xf32, #tpu.memory_space<vmem>>
        %dma_start3A_541 = arith.constant 0 : i32
        %dma_start3A_542 = tpu.memref_slice %arg12[%dma_start3A_537, %dma_start3A_541] : memref<4x128xi32, #tpu.memory_space<vmem>> -> memref<1x128xi32, #tpu.memory_space<vmem>>
        %dma_start3A_543 = tpu.memref_squeeze %dma_start3A_542 : memref<1x128xi32, #tpu.memory_space<vmem>> -> memref<128xi32, #tpu.memory_space<vmem>>
        %dma_start3A_544 = arith.constant 0 : i32
        %dma_start3A_545 = arith.constant 0 : i32
        %dma_start3A_546 = tpu.memref_slice %arg20[%dma_start3A_544, %dma_start3A_545] : memref<2x48xf32, #tpu.memory_space<vmem_shared>> -> memref<2x48xf32, #tpu.memory_space<vmem_shared>>
        tpu.enqueue_indirect_dma source(%dma_start3A_546 : memref<2x48xf32, #tpu.memory_space<vmem_shared>>) target(%dma_start3A_540 : memref<128x48xf32, #tpu.memory_space<vmem>>) offsets(%dma_start3A_543 : memref<128xi32, #tpu.memory_space<vmem>>) semaphore(%arg25 : memref<!tpu.dma_semaphore, #tpu.memory_space<semaphore_mem>>)
        %dma_start3A_547 = arith.constant 2 : i32
        %dma_start3A_548 = arith.constant 256 : i32
        %dma_start3A_549 = arith.constant 0 : i32
        %dma_start3A_550 = tpu.memref_slice %arg15[%dma_start3A_548, %dma_start3A_549] : memref<512x64xf32, #tpu.memory_space<vmem>> -> memref<128x64xf32, #tpu.memory_space<vmem>>
        %dma_start3A_551 = arith.constant 0 : i32
        %dma_start3A_552 = tpu.memref_slice %arg10[%dma_start3A_547, %dma_start3A_551] : memref<4x128xi32, #tpu.memory_space<vmem>> -> memref<1x128xi32, #tpu.memory_space<vmem>>
        %dma_start3A_553 = tpu.memref_squeeze %dma_start3A_552 : memref<1x128xi32, #tpu.memory_space<vmem>> -> memref<128xi32, #tpu.memory_space<vmem>>
        %dma_start3A_554 = arith.constant 0 : i32
        %dma_start3A_555 = arith.constant 0 : i32
        %dma_start3A_556 = tpu.memref_slice %arg5[%dma_start3A_554, %dma_start3A_555] : memref<1000000x64xf32, #tpu.memory_space<hbm>> -> memref<1000000x64xf32, #tpu.memory_space<hbm>>
        tpu.enqueue_indirect_dma source(%dma_start3A_556 : memref<1000000x64xf32, #tpu.memory_space<hbm>>) target(%dma_start3A_550 : memref<128x64xf32, #tpu.memory_space<vmem>>) offsets(%dma_start3A_553 : memref<128xi32, #tpu.memory_space<vmem>>) semaphore(%arg23 : memref<!tpu.dma_semaphore, #tpu.memory_space<semaphore_mem>>)
        %dma_start3A_557 = arith.constant 2 : i32
        %dma_start3A_558 = arith.constant 256 : i32
        %dma_start3A_559 = arith.constant 0 : i32
        %dma_start3A_560 = tpu.memref_slice %arg17[%dma_start3A_558, %dma_start3A_559] : memref<512x48xf32, #tpu.memory_space<vmem>> -> memref<128x48xf32, #tpu.memory_space<vmem>>
        %dma_start3A_561 = arith.constant 0 : i32
        %dma_start3A_562 = tpu.memref_slice %arg12[%dma_start3A_557, %dma_start3A_561] : memref<4x128xi32, #tpu.memory_space<vmem>> -> memref<1x128xi32, #tpu.memory_space<vmem>>
        %dma_start3A_563 = tpu.memref_squeeze %dma_start3A_562 : memref<1x128xi32, #tpu.memory_space<vmem>> -> memref<128xi32, #tpu.memory_space<vmem>>
        %dma_start3A_564 = arith.constant 0 : i32
        %dma_start3A_565 = arith.constant 0 : i32
        %dma_start3A_566 = tpu.memref_slice %arg20[%dma_start3A_564, %dma_start3A_565] : memref<2x48xf32, #tpu.memory_space<vmem_shared>> -> memref<2x48xf32, #tpu.memory_space<vmem_shared>>
        tpu.enqueue_indirect_dma source(%dma_start3A_566 : memref<2x48xf32, #tpu.memory_space<vmem_shared>>) target(%dma_start3A_560 : memref<128x48xf32, #tpu.memory_space<vmem>>) offsets(%dma_start3A_563 : memref<128xi32, #tpu.memory_space<vmem>>) semaphore(%arg25 : memref<!tpu.dma_semaphore, #tpu.memory_space<semaphore_mem>>)
        %dma_start3A_567 = arith.constant 3 : i32
        %dma_start3A_568 = arith.constant 384 : i32
        %dma_start3A_569 = arith.constant 0 : i32
        %dma_start3A_570 = tpu.memref_slice %arg15[%dma_start3A_568, %dma_start3A_569] : memref<512x64xf32, #tpu.memory_space<vmem>> -> memref<128x64xf32, #tpu.memory_space<vmem>>
        %dma_start3A_571 = arith.constant 0 : i32
        %dma_start3A_572 = tpu.memref_slice %arg10[%dma_start3A_567, %dma_start3A_571] : memref<4x128xi32, #tpu.memory_space<vmem>> -> memref<1x128xi32, #tpu.memory_space<vmem>>
        %dma_start3A_573 = tpu.memref_squeeze %dma_start3A_572 : memref<1x128xi32, #tpu.memory_space<vmem>> -> memref<128xi32, #tpu.memory_space<vmem>>
        %dma_start3A_574 = arith.constant 0 : i32
        %dma_start3A_575 = arith.constant 0 : i32
        %dma_start3A_576 = tpu.memref_slice %arg5[%dma_start3A_574, %dma_start3A_575] : memref<1000000x64xf32, #tpu.memory_space<hbm>> -> memref<1000000x64xf32, #tpu.memory_space<hbm>>
        tpu.enqueue_indirect_dma source(%dma_start3A_576 : memref<1000000x64xf32, #tpu.memory_space<hbm>>) target(%dma_start3A_570 : memref<128x64xf32, #tpu.memory_space<vmem>>) offsets(%dma_start3A_573 : memref<128xi32, #tpu.memory_space<vmem>>) semaphore(%arg23 : memref<!tpu.dma_semaphore, #tpu.memory_space<semaphore_mem>>)
        %dma_start3A_577 = arith.constant 3 : i32
        %dma_start3A_578 = arith.constant 384 : i32
        %dma_start3A_579 = arith.constant 0 : i32
        %dma_start3A_580 = tpu.memref_slice %arg17[%dma_start3A_578, %dma_start3A_579] : memref<512x48xf32, #tpu.memory_space<vmem>> -> memref<128x48xf32, #tpu.memory_space<vmem>>
        %dma_start3A_581 = arith.constant 0 : i32
        %dma_start3A_582 = tpu.memref_slice %arg12[%dma_start3A_577, %dma_start3A_581] : memref<4x128xi32, #tpu.memory_space<vmem>> -> memref<1x128xi32, #tpu.memory_space<vmem>>
        %dma_start3A_583 = tpu.memref_squeeze %dma_start3A_582 : memref<1x128xi32, #tpu.memory_space<vmem>> -> memref<128xi32, #tpu.memory_space<vmem>>
        %dma_start3A_584 = arith.constant 0 : i32
        %dma_start3A_585 = arith.constant 0 : i32
        %dma_start3A_586 = tpu.memref_slice %arg20[%dma_start3A_584, %dma_start3A_585] : memref<2x48xf32, #tpu.memory_space<vmem_shared>> -> memref<2x48xf32, #tpu.memory_space<vmem_shared>>
        tpu.enqueue_indirect_dma source(%dma_start3A_586 : memref<2x48xf32, #tpu.memory_space<vmem_shared>>) target(%dma_start3A_580 : memref<128x48xf32, #tpu.memory_space<vmem>>) offsets(%dma_start3A_583 : memref<128xi32, #tpu.memory_space<vmem>>) semaphore(%arg25 : memref<!tpu.dma_semaphore, #tpu.memory_space<semaphore_mem>>)
      } else {
      }
      %get3A = arith.constant 0 : i32
      %get3A_117 = arith.index_cast %get3A : i32 to index
      %get3A_118 = arith.constant 0 : index
      %get3A_119 = tpu.vector_load %arg11[%get3A_117, %get3A_118] {strides = array<i32>} : memref<4x128xi32, #tpu.memory_space<vmem>>, vector<16xi32>,
      %broadcast_in_dim3A_120 = arith.constant 0 : i32
      %broadcast_in_dim3A_121 = vector.broadcast %broadcast_in_dim3A_120 : i32 to vector<16xi32>
      %add3A_122 = arith.addi %broadcast_in_dim3A_121, %iota3A : vector<16xi32>
      %gather3A = tpu.vector_load_idx %arg19[%get3A_119, %broadcast_in_dim3A_9] : memref<2x64xf32, #tpu.memory_space<vmem>>[vector<16xi32>, vector<16xi32>], vector<16xf32>,
      %gather3A_123 = tpu.vector_load_idx %arg19[%get3A_119, %broadcast_in_dim3A_11] : memref<2x64xf32, #tpu.memory_space<vmem>>[vector<16xi32>, vector<16xi32>], vector<16xf32>,
      tpu.vector_store_idx %arg21[%add3A_122, %broadcast_in_dim3A_13], %gather3A : memref<512x2xf32, #tpu.memory_space<vmem>>[vector<16xi32>, vector<16xi32>], vector<16xf32>,
      tpu.vector_store_idx %arg21[%add3A_122, %broadcast_in_dim3A_15], %gather3A_123 : memref<512x2xf32, #tpu.memory_space<vmem>>[vector<16xi32>, vector<16xi32>], vector<16xf32>,
      %get3A_124 = arith.constant 0 : i32
      %get3A_125 = arith.index_cast %get3A_124 : i32 to index
      %get3A_126 = arith.constant 16 : index
      %get3A_127 = tpu.vector_load %arg11[%get3A_125, %get3A_126] {strides = array<i32>} : memref<4x128xi32, #tpu.memory_space<vmem>>, vector<16xi32>,
      %broadcast_in_dim3A_128 = arith.constant 16 : i32
      %broadcast_in_dim3A_129 = vector.broadcast %broadcast_in_dim3A_128 : i32 to vector<16xi32>
      %add3A_130 = arith.addi %broadcast_in_dim3A_129, %iota3A : vector<16xi32>
      %gather3A_131 = tpu.vector_load_idx %arg19[%get3A_127, %broadcast_in_dim3A_9] : memref<2x64xf32, #tpu.memory_space<vmem>>[vector<16xi32>, vector<16xi32>], vector<16xf32>,
      %gather3A_132 = tpu.vector_load_idx %arg19[%get3A_127, %broadcast_in_dim3A_11] : memref<2x64xf32, #tpu.memory_space<vmem>>[vector<16xi32>, vector<16xi32>], vector<16xf32>,
      tpu.vector_store_idx %arg21[%add3A_130, %broadcast_in_dim3A_13], %gather3A_131 : memref<512x2xf32, #tpu.memory_space<vmem>>[vector<16xi32>, vector<16xi32>], vector<16xf32>,
      tpu.vector_store_idx %arg21[%add3A_130, %broadcast_in_dim3A_15], %gather3A_132 : memref<512x2xf32, #tpu.memory_space<vmem>>[vector<16xi32>, vector<16xi32>], vector<16xf32>,
      %get3A_133 = arith.constant 0 : i32
      %get3A_134 = arith.index_cast %get3A_133 : i32 to index
      %get3A_135 = arith.constant 32 : index
      %get3A_136 = tpu.vector_load %arg11[%get3A_134, %get3A_135] {strides = array<i32>} : memref<4x128xi32, #tpu.memory_space<vmem>>, vector<16xi32>,
      %broadcast_in_dim3A_137 = arith.constant 32 : i32
      %broadcast_in_dim3A_138 = vector.broadcast %broadcast_in_dim3A_137 : i32 to vector<16xi32>
      %add3A_139 = arith.addi %broadcast_in_dim3A_138, %iota3A : vector<16xi32>
      %gather3A_140 = tpu.vector_load_idx %arg19[%get3A_136, %broadcast_in_dim3A_9] : memref<2x64xf32, #tpu.memory_space<vmem>>[vector<16xi32>, vector<16xi32>], vector<16xf32>,
      %gather3A_141 = tpu.vector_load_idx %arg19[%get3A_136, %broadcast_in_dim3A_11] : memref<2x64xf32, #tpu.memory_space<vmem>>[vector<16xi32>, vector<16xi32>], vector<16xf32>,
      tpu.vector_store_idx %arg21[%add3A_139, %broadcast_in_dim3A_13], %gather3A_140 : memref<512x2xf32, #tpu.memory_space<vmem>>[vector<16xi32>, vector<16xi32>], vector<16xf32>,
      tpu.vector_store_idx %arg21[%add3A_139, %broadcast_in_dim3A_15], %gather3A_141 : memref<512x2xf32, #tpu.memory_space<vmem>>[vector<16xi32>, vector<16xi32>], vector<16xf32>,
      %get3A_142 = arith.constant 0 : i32
      %get3A_143 = arith.index_cast %get3A_142 : i32 to index
      %get3A_144 = arith.constant 48 : index
      %get3A_145 = tpu.vector_load %arg11[%get3A_143, %get3A_144] {strides = array<i32>} : memref<4x128xi32, #tpu.memory_space<vmem>>, vector<16xi32>,
      %broadcast_in_dim3A_146 = arith.constant 48 : i32
      %broadcast_in_dim3A_147 = vector.broadcast %broadcast_in_dim3A_146 : i32 to vector<16xi32>
      %add3A_148 = arith.addi %broadcast_in_dim3A_147, %iota3A : vector<16xi32>
      %gather3A_149 = tpu.vector_load_idx %arg19[%get3A_145, %broadcast_in_dim3A_9] : memref<2x64xf32, #tpu.memory_space<vmem>>[vector<16xi32>, vector<16xi32>], vector<16xf32>,
      %gather3A_150 = tpu.vector_load_idx %arg19[%get3A_145, %broadcast_in_dim3A_11] : memref<2x64xf32, #tpu.memory_space<vmem>>[vector<16xi32>, vector<16xi32>], vector<16xf32>,
      tpu.vector_store_idx %arg21[%add3A_148, %broadcast_in_dim3A_13], %gather3A_149 : memref<512x2xf32, #tpu.memory_space<vmem>>[vector<16xi32>, vector<16xi32>], vector<16xf32>,
      tpu.vector_store_idx %arg21[%add3A_148, %broadcast_in_dim3A_15], %gather3A_150 : memref<512x2xf32, #tpu.memory_space<vmem>>[vector<16xi32>, vector<16xi32>], vector<16xf32>,
      %get3A_151 = arith.constant 0 : i32
      %get3A_152 = arith.index_cast %get3A_151 : i32 to index
      %get3A_153 = arith.constant 64 : index
      %get3A_154 = tpu.vector_load %arg11[%get3A_152, %get3A_153] {strides = array<i32>} : memref<4x128xi32, #tpu.memory_space<vmem>>, vector<16xi32>,
      %broadcast_in_dim3A_155 = arith.constant 64 : i32
      %broadcast_in_dim3A_156 = vector.broadcast %broadcast_in_dim3A_155 : i32 to vector<16xi32>
      %add3A_157 = arith.addi %broadcast_in_dim3A_156, %iota3A : vector<16xi32>
      %gather3A_158 = tpu.vector_load_idx %arg19[%get3A_154, %broadcast_in_dim3A_9] : memref<2x64xf32, #tpu.memory_space<vmem>>[vector<16xi32>, vector<16xi32>], vector<16xf32>,
      %gather3A_159 = tpu.vector_load_idx %arg19[%get3A_154, %broadcast_in_dim3A_11] : memref<2x64xf32, #tpu.memory_space<vmem>>[vector<16xi32>, vector<16xi32>], vector<16xf32>,
      tpu.vector_store_idx %arg21[%add3A_157, %broadcast_in_dim3A_13], %gather3A_158 : memref<512x2xf32, #tpu.memory_space<vmem>>[vector<16xi32>, vector<16xi32>], vector<16xf32>,
      tpu.vector_store_idx %arg21[%add3A_157, %broadcast_in_dim3A_15], %gather3A_159 : memref<512x2xf32, #tpu.memory_space<vmem>>[vector<16xi32>, vector<16xi32>], vector<16xf32>,
      %get3A_160 = arith.constant 0 : i32
      %get3A_161 = arith.index_cast %get3A_160 : i32 to index
      %get3A_162 = arith.constant 80 : index
      %get3A_163 = tpu.vector_load %arg11[%get3A_161, %get3A_162] {strides = array<i32>} : memref<4x128xi32, #tpu.memory_space<vmem>>, vector<16xi32>,
      %broadcast_in_dim3A_164 = arith.constant 80 : i32
      %broadcast_in_dim3A_165 = vector.broadcast %broadcast_in_dim3A_164 : i32 to vector<16xi32>
      %add3A_166 = arith.addi %broadcast_in_dim3A_165, %iota3A : vector<16xi32>
      %gather3A_167 = tpu.vector_load_idx %arg19[%get3A_163, %broadcast_in_dim3A_9] : memref<2x64xf32, #tpu.memory_space<vmem>>[vector<16xi32>, vector<16xi32>], vector<16xf32>,
      %gather3A_168 = tpu.vector_load_idx %arg19[%get3A_163, %broadcast_in_dim3A_11] : memref<2x64xf32, #tpu.memory_space<vmem>>[vector<16xi32>, vector<16xi32>], vector<16xf32>,
      tpu.vector_store_idx %arg21[%add3A_166, %broadcast_in_dim3A_13], %gather3A_167 : memref<512x2xf32, #tpu.memory_space<vmem>>[vector<16xi32>, vector<16xi32>], vector<16xf32>,
      tpu.vector_store_idx %arg21[%add3A_166, %broadcast_in_dim3A_15], %gather3A_168 : memref<512x2xf32, #tpu.memory_space<vmem>>[vector<16xi32>, vector<16xi32>], vector<16xf32>,
      %get3A_169 = arith.constant 0 : i32
      %get3A_170 = arith.index_cast %get3A_169 : i32 to index
      %get3A_171 = arith.constant 96 : index
      %get3A_172 = tpu.vector_load %arg11[%get3A_170, %get3A_171] {strides = array<i32>} : memref<4x128xi32, #tpu.memory_space<vmem>>, vector<16xi32>,
      %broadcast_in_dim3A_173 = arith.constant 96 : i32
      %broadcast_in_dim3A_174 = vector.broadcast %broadcast_in_dim3A_173 : i32 to vector<16xi32>
      %add3A_175 = arith.addi %broadcast_in_dim3A_174, %iota3A : vector<16xi32>
      %gather3A_176 = tpu.vector_load_idx %arg19[%get3A_172, %broadcast_in_dim3A_9] : memref<2x64xf32, #tpu.memory_space<vmem>>[vector<16xi32>, vector<16xi32>], vector<16xf32>,
      %gather3A_177 = tpu.vector_load_idx %arg19[%get3A_172, %broadcast_in_dim3A_11] : memref<2x64xf32, #tpu.memory_space<vmem>>[vector<16xi32>, vector<16xi32>], vector<16xf32>,
      tpu.vector_store_idx %arg21[%add3A_175, %broadcast_in_dim3A_13], %gather3A_176 : memref<512x2xf32, #tpu.memory_space<vmem>>[vector<16xi32>, vector<16xi32>], vector<16xf32>,
      tpu.vector_store_idx %arg21[%add3A_175, %broadcast_in_dim3A_15], %gather3A_177 : memref<512x2xf32, #tpu.memory_space<vmem>>[vector<16xi32>, vector<16xi32>], vector<16xf32>,
      %get3A_178 = arith.constant 0 : i32
      %get3A_179 = arith.index_cast %get3A_178 : i32 to index
      %get3A_180 = arith.constant 112 : index
      %get3A_181 = tpu.vector_load %arg11[%get3A_179, %get3A_180] {strides = array<i32>} : memref<4x128xi32, #tpu.memory_space<vmem>>, vector<16xi32>,
      %broadcast_in_dim3A_182 = arith.constant 112 : i32
      %broadcast_in_dim3A_183 = vector.broadcast %broadcast_in_dim3A_182 : i32 to vector<16xi32>
      %add3A_184 = arith.addi %broadcast_in_dim3A_183, %iota3A : vector<16xi32>
      %gather3A_185 = tpu.vector_load_idx %arg19[%get3A_181, %broadcast_in_dim3A_9] : memref<2x64xf32, #tpu.memory_space<vmem>>[vector<16xi32>, vector<16xi32>], vector<16xf32>,
      %gather3A_186 = tpu.vector_load_idx %arg19[%get3A_181, %broadcast_in_dim3A_11] : memref<2x64xf32, #tpu.memory_space<vmem>>[vector<16xi32>, vector<16xi32>], vector<16xf32>,
      tpu.vector_store_idx %arg21[%add3A_184, %broadcast_in_dim3A_13], %gather3A_185 : memref<512x2xf32, #tpu.memory_space<vmem>>[vector<16xi32>, vector<16xi32>], vector<16xf32>,
      tpu.vector_store_idx %arg21[%add3A_184, %broadcast_in_dim3A_15], %gather3A_186 : memref<512x2xf32, #tpu.memory_space<vmem>>[vector<16xi32>, vector<16xi32>], vector<16xf32>,
      %get3A_187 = arith.constant 1 : i32
      %get3A_188 = arith.index_cast %get3A_187 : i32 to index
      %get3A_189 = arith.constant 0 : index
      %get3A_190 = tpu.vector_load %arg11[%get3A_188, %get3A_189] {strides = array<i32>} : memref<4x128xi32, #tpu.memory_space<vmem>>, vector<16xi32>,
      %broadcast_in_dim3A_191 = arith.constant 128 : i32
      %broadcast_in_dim3A_192 = vector.broadcast %broadcast_in_dim3A_191 : i32 to vector<16xi32>
      %add3A_193 = arith.addi %broadcast_in_dim3A_192, %iota3A : vector<16xi32>
      %gather3A_194 = tpu.vector_load_idx %arg19[%get3A_190, %broadcast_in_dim3A_9] : memref<2x64xf32, #tpu.memory_space<vmem>>[vector<16xi32>, vector<16xi32>], vector<16xf32>,
      %gather3A_195 = tpu.vector_load_idx %arg19[%get3A_190, %broadcast_in_dim3A_11] : memref<2x64xf32, #tpu.memory_space<vmem>>[vector<16xi32>, vector<16xi32>], vector<16xf32>,
      tpu.vector_store_idx %arg21[%add3A_193, %broadcast_in_dim3A_13], %gather3A_194 : memref<512x2xf32, #tpu.memory_space<vmem>>[vector<16xi32>, vector<16xi32>], vector<16xf32>,
      tpu.vector_store_idx %arg21[%add3A_193, %broadcast_in_dim3A_15], %gather3A_195 : memref<512x2xf32, #tpu.memory_space<vmem>>[vector<16xi32>, vector<16xi32>], vector<16xf32>,
      %get3A_196 = arith.constant 1 : i32
      %get3A_197 = arith.index_cast %get3A_196 : i32 to index
      %get3A_198 = arith.constant 16 : index
      %get3A_199 = tpu.vector_load %arg11[%get3A_197, %get3A_198] {strides = array<i32>} : memref<4x128xi32, #tpu.memory_space<vmem>>, vector<16xi32>,
      %broadcast_in_dim3A_200 = arith.constant 144 : i32
      %broadcast_in_dim3A_201 = vector.broadcast %broadcast_in_dim3A_200 : i32 to vector<16xi32>
      %add3A_202 = arith.addi %broadcast_in_dim3A_201, %iota3A : vector<16xi32>
      %gather3A_203 = tpu.vector_load_idx %arg19[%get3A_199, %broadcast_in_dim3A_9] : memref<2x64xf32, #tpu.memory_space<vmem>>[vector<16xi32>, vector<16xi32>], vector<16xf32>,
      %gather3A_204 = tpu.vector_load_idx %arg19[%get3A_199, %broadcast_in_dim3A_11] : memref<2x64xf32, #tpu.memory_space<vmem>>[vector<16xi32>, vector<16xi32>], vector<16xf32>,
      tpu.vector_store_idx %arg21[%add3A_202, %broadcast_in_dim3A_13], %gather3A_203 : memref<512x2xf32, #tpu.memory_space<vmem>>[vector<16xi32>, vector<16xi32>], vector<16xf32>,
      tpu.vector_store_idx %arg21[%add3A_202, %broadcast_in_dim3A_15], %gather3A_204 : memref<512x2xf32, #tpu.memory_space<vmem>>[vector<16xi32>, vector<16xi32>], vector<16xf32>,
      %get3A_205 = arith.constant 1 : i32
      %get3A_206 = arith.index_cast %get3A_205 : i32 to index
      %get3A_207 = arith.constant 32 : index
      %get3A_208 = tpu.vector_load %arg11[%get3A_206, %get3A_207] {strides = array<i32>} : memref<4x128xi32, #tpu.memory_space<vmem>>, vector<16xi32>,
      %broadcast_in_dim3A_209 = arith.constant 160 : i32
      %broadcast_in_dim3A_210 = vector.broadcast %broadcast_in_dim3A_209 : i32 to vector<16xi32>
      %add3A_211 = arith.addi %broadcast_in_dim3A_210, %iota3A : vector<16xi32>
      %gather3A_212 = tpu.vector_load_idx %arg19[%get3A_208, %broadcast_in_dim3A_9] : memref<2x64xf32, #tpu.memory_space<vmem>>[vector<16xi32>, vector<16xi32>], vector<16xf32>,
      %gather3A_213 = tpu.vector_load_idx %arg19[%get3A_208, %broadcast_in_dim3A_11] : memref<2x64xf32, #tpu.memory_space<vmem>>[vector<16xi32>, vector<16xi32>], vector<16xf32>,
      tpu.vector_store_idx %arg21[%add3A_211, %broadcast_in_dim3A_13], %gather3A_212 : memref<512x2xf32, #tpu.memory_space<vmem>>[vector<16xi32>, vector<16xi32>], vector<16xf32>,
      tpu.vector_store_idx %arg21[%add3A_211, %broadcast_in_dim3A_15], %gather3A_213 : memref<512x2xf32, #tpu.memory_space<vmem>>[vector<16xi32>, vector<16xi32>], vector<16xf32>,
      %get3A_214 = arith.constant 1 : i32
      %get3A_215 = arith.index_cast %get3A_214 : i32 to index
      %get3A_216 = arith.constant 48 : index
      %get3A_217 = tpu.vector_load %arg11[%get3A_215, %get3A_216] {strides = array<i32>} : memref<4x128xi32, #tpu.memory_space<vmem>>, vector<16xi32>,
      %broadcast_in_dim3A_218 = arith.constant 176 : i32
      %broadcast_in_dim3A_219 = vector.broadcast %broadcast_in_dim3A_218 : i32 to vector<16xi32>
      %add3A_220 = arith.addi %broadcast_in_dim3A_219, %iota3A : vector<16xi32>
      %gather3A_221 = tpu.vector_load_idx %arg19[%get3A_217, %broadcast_in_dim3A_9] : memref<2x64xf32, #tpu.memory_space<vmem>>[vector<16xi32>, vector<16xi32>], vector<16xf32>,
      %gather3A_222 = tpu.vector_load_idx %arg19[%get3A_217, %broadcast_in_dim3A_11] : memref<2x64xf32, #tpu.memory_space<vmem>>[vector<16xi32>, vector<16xi32>], vector<16xf32>,
      tpu.vector_store_idx %arg21[%add3A_220, %broadcast_in_dim3A_13], %gather3A_221 : memref<512x2xf32, #tpu.memory_space<vmem>>[vector<16xi32>, vector<16xi32>], vector<16xf32>,
      tpu.vector_store_idx %arg21[%add3A_220, %broadcast_in_dim3A_15], %gather3A_222 : memref<512x2xf32, #tpu.memory_space<vmem>>[vector<16xi32>, vector<16xi32>], vector<16xf32>,
      %get3A_223 = arith.constant 1 : i32
      %get3A_224 = arith.index_cast %get3A_223 : i32 to index
      %get3A_225 = arith.constant 64 : index
      %get3A_226 = tpu.vector_load %arg11[%get3A_224, %get3A_225] {strides = array<i32>} : memref<4x128xi32, #tpu.memory_space<vmem>>, vector<16xi32>,
      %broadcast_in_dim3A_227 = arith.constant 192 : i32
      %broadcast_in_dim3A_228 = vector.broadcast %broadcast_in_dim3A_227 : i32 to vector<16xi32>
      %add3A_229 = arith.addi %broadcast_in_dim3A_228, %iota3A : vector<16xi32>
      %gather3A_230 = tpu.vector_load_idx %arg19[%get3A_226, %broadcast_in_dim3A_9] : memref<2x64xf32, #tpu.memory_space<vmem>>[vector<16xi32>, vector<16xi32>], vector<16xf32>,
      %gather3A_231 = tpu.vector_load_idx %arg19[%get3A_226, %broadcast_in_dim3A_11] : memref<2x64xf32, #tpu.memory_space<vmem>>[vector<16xi32>, vector<16xi32>], vector<16xf32>,
      tpu.vector_store_idx %arg21[%add3A_229, %broadcast_in_dim3A_13], %gather3A_230 : memref<512x2xf32, #tpu.memory_space<vmem>>[vector<16xi32>, vector<16xi32>], vector<16xf32>,
      tpu.vector_store_idx %arg21[%add3A_229, %broadcast_in_dim3A_15], %gather3A_231 : memref<512x2xf32, #tpu.memory_space<vmem>>[vector<16xi32>, vector<16xi32>], vector<16xf32>,
      %get3A_232 = arith.constant 1 : i32
      %get3A_233 = arith.index_cast %get3A_232 : i32 to index
      %get3A_234 = arith.constant 80 : index
      %get3A_235 = tpu.vector_load %arg11[%get3A_233, %get3A_234] {strides = array<i32>} : memref<4x128xi32, #tpu.memory_space<vmem>>, vector<16xi32>,
      %broadcast_in_dim3A_236 = arith.constant 208 : i32
      %broadcast_in_dim3A_237 = vector.broadcast %broadcast_in_dim3A_236 : i32 to vector<16xi32>
      %add3A_238 = arith.addi %broadcast_in_dim3A_237, %iota3A : vector<16xi32>
      %gather3A_239 = tpu.vector_load_idx %arg19[%get3A_235, %broadcast_in_dim3A_9] : memref<2x64xf32, #tpu.memory_space<vmem>>[vector<16xi32>, vector<16xi32>], vector<16xf32>,
      %gather3A_240 = tpu.vector_load_idx %arg19[%get3A_235, %broadcast_in_dim3A_11] : memref<2x64xf32, #tpu.memory_space<vmem>>[vector<16xi32>, vector<16xi32>], vector<16xf32>,
      tpu.vector_store_idx %arg21[%add3A_238, %broadcast_in_dim3A_13], %gather3A_239 : memref<512x2xf32, #tpu.memory_space<vmem>>[vector<16xi32>, vector<16xi32>], vector<16xf32>,
      tpu.vector_store_idx %arg21[%add3A_238, %broadcast_in_dim3A_15], %gather3A_240 : memref<512x2xf32, #tpu.memory_space<vmem>>[vector<16xi32>, vector<16xi32>], vector<16xf32>,
      %get3A_241 = arith.constant 1 : i32
      %get3A_242 = arith.index_cast %get3A_241 : i32 to index
      %get3A_243 = arith.constant 96 : index
      %get3A_244 = tpu.vector_load %arg11[%get3A_242, %get3A_243] {strides = array<i32>} : memref<4x128xi32, #tpu.memory_space<vmem>>, vector<16xi32>,
      %broadcast_in_dim3A_245 = arith.constant 224 : i32
      %broadcast_in_dim3A_246 = vector.broadcast %broadcast_in_dim3A_245 : i32 to vector<16xi32>
      %add3A_247 = arith.addi %broadcast_in_dim3A_246, %iota3A : vector<16xi32>
      %gather3A_248 = tpu.vector_load_idx %arg19[%get3A_244, %broadcast_in_dim3A_9] : memref<2x64xf32, #tpu.memory_space<vmem>>[vector<16xi32>, vector<16xi32>], vector<16xf32>,
      %gather3A_249 = tpu.vector_load_idx %arg19[%get3A_244, %broadcast_in_dim3A_11] : memref<2x64xf32, #tpu.memory_space<vmem>>[vector<16xi32>, vector<16xi32>], vector<16xf32>,
      tpu.vector_store_idx %arg21[%add3A_247, %broadcast_in_dim3A_13], %gather3A_248 : memref<512x2xf32, #tpu.memory_space<vmem>>[vector<16xi32>, vector<16xi32>], vector<16xf32>,
      tpu.vector_store_idx %arg21[%add3A_247, %broadcast_in_dim3A_15], %gather3A_249 : memref<512x2xf32, #tpu.memory_space<vmem>>[vector<16xi32>, vector<16xi32>], vector<16xf32>,
      %get3A_250 = arith.constant 1 : i32
      %get3A_251 = arith.index_cast %get3A_250 : i32 to index
      %get3A_252 = arith.constant 112 : index
      %get3A_253 = tpu.vector_load %arg11[%get3A_251, %get3A_252] {strides = array<i32>} : memref<4x128xi32, #tpu.memory_space<vmem>>, vector<16xi32>,
      %broadcast_in_dim3A_254 = arith.constant 240 : i32
      %broadcast_in_dim3A_255 = vector.broadcast %broadcast_in_dim3A_254 : i32 to vector<16xi32>
      %add3A_256 = arith.addi %broadcast_in_dim3A_255, %iota3A : vector<16xi32>
      %gather3A_257 = tpu.vector_load_idx %arg19[%get3A_253, %broadcast_in_dim3A_9] : memref<2x64xf32, #tpu.memory_space<vmem>>[vector<16xi32>, vector<16xi32>], vector<16xf32>,
      %gather3A_258 = tpu.vector_load_idx %arg19[%get3A_253, %broadcast_in_dim3A_11] : memref<2x64xf32, #tpu.memory_space<vmem>>[vector<16xi32>, vector<16xi32>], vector<16xf32>,
      tpu.vector_store_idx %arg21[%add3A_256, %broadcast_in_dim3A_13], %gather3A_257 : memref<512x2xf32, #tpu.memory_space<vmem>>[vector<16xi32>, vector<16xi32>], vector<16xf32>,
      tpu.vector_store_idx %arg21[%add3A_256, %broadcast_in_dim3A_15], %gather3A_258 : memref<512x2xf32, #tpu.memory_space<vmem>>[vector<16xi32>, vector<16xi32>], vector<16xf32>,
      %get3A_259 = arith.constant 2 : i32
      %get3A_260 = arith.index_cast %get3A_259 : i32 to index
      %get3A_261 = arith.constant 0 : index
      %get3A_262 = tpu.vector_load %arg11[%get3A_260, %get3A_261] {strides = array<i32>} : memref<4x128xi32, #tpu.memory_space<vmem>>, vector<16xi32>,
      %broadcast_in_dim3A_263 = arith.constant 256 : i32
      %broadcast_in_dim3A_264 = vector.broadcast %broadcast_in_dim3A_263 : i32 to vector<16xi32>
      %add3A_265 = arith.addi %broadcast_in_dim3A_264, %iota3A : vector<16xi32>
      %gather3A_266 = tpu.vector_load_idx %arg19[%get3A_262, %broadcast_in_dim3A_9] : memref<2x64xf32, #tpu.memory_space<vmem>>[vector<16xi32>, vector<16xi32>], vector<16xf32>,
      %gather3A_267 = tpu.vector_load_idx %arg19[%get3A_262, %broadcast_in_dim3A_11] : memref<2x64xf32, #tpu.memory_space<vmem>>[vector<16xi32>, vector<16xi32>], vector<16xf32>,
      tpu.vector_store_idx %arg21[%add3A_265, %broadcast_in_dim3A_13], %gather3A_266 : memref<512x2xf32, #tpu.memory_space<vmem>>[vector<16xi32>, vector<16xi32>], vector<16xf32>,
      tpu.vector_store_idx %arg21[%add3A_265, %broadcast_in_dim3A_15], %gather3A_267 : memref<512x2xf32, #tpu.memory_space<vmem>>[vector<16xi32>, vector<16xi32>], vector<16xf32>,
      %get3A_268 = arith.constant 2 : i32
      %get3A_269 = arith.index_cast %get3A_268 : i32 to index
      %get3A_270 = arith.constant 16 : index
      %get3A_271 = tpu.vector_load %arg11[%get3A_269, %get3A_270] {strides = array<i32>} : memref<4x128xi32, #tpu.memory_space<vmem>>, vector<16xi32>,
      %broadcast_in_dim3A_272 = arith.constant 272 : i32
      %broadcast_in_dim3A_273 = vector.broadcast %broadcast_in_dim3A_272 : i32 to vector<16xi32>
      %add3A_274 = arith.addi %broadcast_in_dim3A_273, %iota3A : vector<16xi32>
      %gather3A_275 = tpu.vector_load_idx %arg19[%get3A_271, %broadcast_in_dim3A_9] : memref<2x64xf32, #tpu.memory_space<vmem>>[vector<16xi32>, vector<16xi32>], vector<16xf32>,
      %gather3A_276 = tpu.vector_load_idx %arg19[%get3A_271, %broadcast_in_dim3A_11] : memref<2x64xf32, #tpu.memory_space<vmem>>[vector<16xi32>, vector<16xi32>], vector<16xf32>,
      tpu.vector_store_idx %arg21[%add3A_274, %broadcast_in_dim3A_13], %gather3A_275 : memref<512x2xf32, #tpu.memory_space<vmem>>[vector<16xi32>, vector<16xi32>], vector<16xf32>,
      tpu.vector_store_idx %arg21[%add3A_274, %broadcast_in_dim3A_15], %gather3A_276 : memref<512x2xf32, #tpu.memory_space<vmem>>[vector<16xi32>, vector<16xi32>], vector<16xf32>,
      %get3A_277 = arith.constant 2 : i32
      %get3A_278 = arith.index_cast %get3A_277 : i32 to index
      %get3A_279 = arith.constant 32 : index
      %get3A_280 = tpu.vector_load %arg11[%get3A_278, %get3A_279] {strides = array<i32>} : memref<4x128xi32, #tpu.memory_space<vmem>>, vector<16xi32>,
      %broadcast_in_dim3A_281 = arith.constant 288 : i32
      %broadcast_in_dim3A_282 = vector.broadcast %broadcast_in_dim3A_281 : i32 to vector<16xi32>
      %add3A_283 = arith.addi %broadcast_in_dim3A_282, %iota3A : vector<16xi32>
      %gather3A_284 = tpu.vector_load_idx %arg19[%get3A_280, %broadcast_in_dim3A_9] : memref<2x64xf32, #tpu.memory_space<vmem>>[vector<16xi32>, vector<16xi32>], vector<16xf32>,
      %gather3A_285 = tpu.vector_load_idx %arg19[%get3A_280, %broadcast_in_dim3A_11] : memref<2x64xf32, #tpu.memory_space<vmem>>[vector<16xi32>, vector<16xi32>], vector<16xf32>,
      tpu.vector_store_idx %arg21[%add3A_283, %broadcast_in_dim3A_13], %gather3A_284 : memref<512x2xf32, #tpu.memory_space<vmem>>[vector<16xi32>, vector<16xi32>], vector<16xf32>,
      tpu.vector_store_idx %arg21[%add3A_283, %broadcast_in_dim3A_15], %gather3A_285 : memref<512x2xf32, #tpu.memory_space<vmem>>[vector<16xi32>, vector<16xi32>], vector<16xf32>,
      %get3A_286 = arith.constant 2 : i32
      %get3A_287 = arith.index_cast %get3A_286 : i32 to index
      %get3A_288 = arith.constant 48 : index
      %get3A_289 = tpu.vector_load %arg11[%get3A_287, %get3A_288] {strides = array<i32>} : memref<4x128xi32, #tpu.memory_space<vmem>>, vector<16xi32>,
      %broadcast_in_dim3A_290 = arith.constant 304 : i32
      %broadcast_in_dim3A_291 = vector.broadcast %broadcast_in_dim3A_290 : i32 to vector<16xi32>
      %add3A_292 = arith.addi %broadcast_in_dim3A_291, %iota3A : vector<16xi32>
      %gather3A_293 = tpu.vector_load_idx %arg19[%get3A_289, %broadcast_in_dim3A_9] : memref<2x64xf32, #tpu.memory_space<vmem>>[vector<16xi32>, vector<16xi32>], vector<16xf32>,
      %gather3A_294 = tpu.vector_load_idx %arg19[%get3A_289, %broadcast_in_dim3A_11] : memref<2x64xf32, #tpu.memory_space<vmem>>[vector<16xi32>, vector<16xi32>], vector<16xf32>,
      tpu.vector_store_idx %arg21[%add3A_292, %broadcast_in_dim3A_13], %gather3A_293 : memref<512x2xf32, #tpu.memory_space<vmem>>[vector<16xi32>, vector<16xi32>], vector<16xf32>,
      tpu.vector_store_idx %arg21[%add3A_292, %broadcast_in_dim3A_15], %gather3A_294 : memref<512x2xf32, #tpu.memory_space<vmem>>[vector<16xi32>, vector<16xi32>], vector<16xf32>,
      %get3A_295 = arith.constant 2 : i32
      %get3A_296 = arith.index_cast %get3A_295 : i32 to index
      %get3A_297 = arith.constant 64 : index
      %get3A_298 = tpu.vector_load %arg11[%get3A_296, %get3A_297] {strides = array<i32>} : memref<4x128xi32, #tpu.memory_space<vmem>>, vector<16xi32>,
      %broadcast_in_dim3A_299 = arith.constant 320 : i32
      %broadcast_in_dim3A_300 = vector.broadcast %broadcast_in_dim3A_299 : i32 to vector<16xi32>
      %add3A_301 = arith.addi %broadcast_in_dim3A_300, %iota3A : vector<16xi32>
      %gather3A_302 = tpu.vector_load_idx %arg19[%get3A_298, %broadcast_in_dim3A_9] : memref<2x64xf32, #tpu.memory_space<vmem>>[vector<16xi32>, vector<16xi32>], vector<16xf32>,
      %gather3A_303 = tpu.vector_load_idx %arg19[%get3A_298, %broadcast_in_dim3A_11] : memref<2x64xf32, #tpu.memory_space<vmem>>[vector<16xi32>, vector<16xi32>], vector<16xf32>,
      tpu.vector_store_idx %arg21[%add3A_301, %broadcast_in_dim3A_13], %gather3A_302 : memref<512x2xf32, #tpu.memory_space<vmem>>[vector<16xi32>, vector<16xi32>], vector<16xf32>,
      tpu.vector_store_idx %arg21[%add3A_301, %broadcast_in_dim3A_15], %gather3A_303 : memref<512x2xf32, #tpu.memory_space<vmem>>[vector<16xi32>, vector<16xi32>], vector<16xf32>,
      %get3A_304 = arith.constant 2 : i32
      %get3A_305 = arith.index_cast %get3A_304 : i32 to index
      %get3A_306 = arith.constant 80 : index
      %get3A_307 = tpu.vector_load %arg11[%get3A_305, %get3A_306] {strides = array<i32>} : memref<4x128xi32, #tpu.memory_space<vmem>>, vector<16xi32>,
      %broadcast_in_dim3A_308 = arith.constant 336 : i32
      %broadcast_in_dim3A_309 = vector.broadcast %broadcast_in_dim3A_308 : i32 to vector<16xi32>
      %add3A_310 = arith.addi %broadcast_in_dim3A_309, %iota3A : vector<16xi32>
      %gather3A_311 = tpu.vector_load_idx %arg19[%get3A_307, %broadcast_in_dim3A_9] : memref<2x64xf32, #tpu.memory_space<vmem>>[vector<16xi32>, vector<16xi32>], vector<16xf32>,
      %gather3A_312 = tpu.vector_load_idx %arg19[%get3A_307, %broadcast_in_dim3A_11] : memref<2x64xf32, #tpu.memory_space<vmem>>[vector<16xi32>, vector<16xi32>], vector<16xf32>,
      tpu.vector_store_idx %arg21[%add3A_310, %broadcast_in_dim3A_13], %gather3A_311 : memref<512x2xf32, #tpu.memory_space<vmem>>[vector<16xi32>, vector<16xi32>], vector<16xf32>,
      tpu.vector_store_idx %arg21[%add3A_310, %broadcast_in_dim3A_15], %gather3A_312 : memref<512x2xf32, #tpu.memory_space<vmem>>[vector<16xi32>, vector<16xi32>], vector<16xf32>,
      %get3A_313 = arith.constant 2 : i32
      %get3A_314 = arith.index_cast %get3A_313 : i32 to index
      %get3A_315 = arith.constant 96 : index
      %get3A_316 = tpu.vector_load %arg11[%get3A_314, %get3A_315] {strides = array<i32>} : memref<4x128xi32, #tpu.memory_space<vmem>>, vector<16xi32>,
      %broadcast_in_dim3A_317 = arith.constant 352 : i32
      %broadcast_in_dim3A_318 = vector.broadcast %broadcast_in_dim3A_317 : i32 to vector<16xi32>
      %add3A_319 = arith.addi %broadcast_in_dim3A_318, %iota3A : vector<16xi32>
      %gather3A_320 = tpu.vector_load_idx %arg19[%get3A_316, %broadcast_in_dim3A_9] : memref<2x64xf32, #tpu.memory_space<vmem>>[vector<16xi32>, vector<16xi32>], vector<16xf32>,
      %gather3A_321 = tpu.vector_load_idx %arg19[%get3A_316, %broadcast_in_dim3A_11] : memref<2x64xf32, #tpu.memory_space<vmem>>[vector<16xi32>, vector<16xi32>], vector<16xf32>,
      tpu.vector_store_idx %arg21[%add3A_319, %broadcast_in_dim3A_13], %gather3A_320 : memref<512x2xf32, #tpu.memory_space<vmem>>[vector<16xi32>, vector<16xi32>], vector<16xf32>,
      tpu.vector_store_idx %arg21[%add3A_319, %broadcast_in_dim3A_15], %gather3A_321 : memref<512x2xf32, #tpu.memory_space<vmem>>[vector<16xi32>, vector<16xi32>], vector<16xf32>,
      %get3A_322 = arith.constant 2 : i32
      %get3A_323 = arith.index_cast %get3A_322 : i32 to index
      %get3A_324 = arith.constant 112 : index
      %get3A_325 = tpu.vector_load %arg11[%get3A_323, %get3A_324] {strides = array<i32>} : memref<4x128xi32, #tpu.memory_space<vmem>>, vector<16xi32>,
      %broadcast_in_dim3A_326 = arith.constant 368 : i32
      %broadcast_in_dim3A_327 = vector.broadcast %broadcast_in_dim3A_326 : i32 to vector<16xi32>
      %add3A_328 = arith.addi %broadcast_in_dim3A_327, %iota3A : vector<16xi32>
      %gather3A_329 = tpu.vector_load_idx %arg19[%get3A_325, %broadcast_in_dim3A_9] : memref<2x64xf32, #tpu.memory_space<vmem>>[vector<16xi32>, vector<16xi32>], vector<16xf32>,
      %gather3A_330 = tpu.vector_load_idx %arg19[%get3A_325, %broadcast_in_dim3A_11] : memref<2x64xf32, #tpu.memory_space<vmem>>[vector<16xi32>, vector<16xi32>], vector<16xf32>,
      tpu.vector_store_idx %arg21[%add3A_328, %broadcast_in_dim3A_13], %gather3A_329 : memref<512x2xf32, #tpu.memory_space<vmem>>[vector<16xi32>, vector<16xi32>], vector<16xf32>,
      tpu.vector_store_idx %arg21[%add3A_328, %broadcast_in_dim3A_15], %gather3A_330 : memref<512x2xf32, #tpu.memory_space<vmem>>[vector<16xi32>, vector<16xi32>], vector<16xf32>,
      %get3A_331 = arith.constant 3 : i32
      %get3A_332 = arith.index_cast %get3A_331 : i32 to index
      %get3A_333 = arith.constant 0 : index
      %get3A_334 = tpu.vector_load %arg11[%get3A_332, %get3A_333] {strides = array<i32>} : memref<4x128xi32, #tpu.memory_space<vmem>>, vector<16xi32>,
      %broadcast_in_dim3A_335 = arith.constant 384 : i32
      %broadcast_in_dim3A_336 = vector.broadcast %broadcast_in_dim3A_335 : i32 to vector<16xi32>
      %add3A_337 = arith.addi %broadcast_in_dim3A_336, %iota3A : vector<16xi32>
      %gather3A_338 = tpu.vector_load_idx %arg19[%get3A_334, %broadcast_in_dim3A_9] : memref<2x64xf32, #tpu.memory_space<vmem>>[vector<16xi32>, vector<16xi32>], vector<16xf32>,
      %gather3A_339 = tpu.vector_load_idx %arg19[%get3A_334, %broadcast_in_dim3A_11] : memref<2x64xf32, #tpu.memory_space<vmem>>[vector<16xi32>, vector<16xi32>], vector<16xf32>,
      tpu.vector_store_idx %arg21[%add3A_337, %broadcast_in_dim3A_13], %gather3A_338 : memref<512x2xf32, #tpu.memory_space<vmem>>[vector<16xi32>, vector<16xi32>], vector<16xf32>,
      tpu.vector_store_idx %arg21[%add3A_337, %broadcast_in_dim3A_15], %gather3A_339 : memref<512x2xf32, #tpu.memory_space<vmem>>[vector<16xi32>, vector<16xi32>], vector<16xf32>,
      %get3A_340 = arith.constant 3 : i32
      %get3A_341 = arith.index_cast %get3A_340 : i32 to index
      %get3A_342 = arith.constant 16 : index
      %get3A_343 = tpu.vector_load %arg11[%get3A_341, %get3A_342] {strides = array<i32>} : memref<4x128xi32, #tpu.memory_space<vmem>>, vector<16xi32>,
      %broadcast_in_dim3A_344 = arith.constant 400 : i32
      %broadcast_in_dim3A_345 = vector.broadcast %broadcast_in_dim3A_344 : i32 to vector<16xi32>
      %add3A_346 = arith.addi %broadcast_in_dim3A_345, %iota3A : vector<16xi32>
      %gather3A_347 = tpu.vector_load_idx %arg19[%get3A_343, %broadcast_in_dim3A_9] : memref<2x64xf32, #tpu.memory_space<vmem>>[vector<16xi32>, vector<16xi32>], vector<16xf32>,
      %gather3A_348 = tpu.vector_load_idx %arg19[%get3A_343, %broadcast_in_dim3A_11] : memref<2x64xf32, #tpu.memory_space<vmem>>[vector<16xi32>, vector<16xi32>], vector<16xf32>,
      tpu.vector_store_idx %arg21[%add3A_346, %broadcast_in_dim3A_13], %gather3A_347 : memref<512x2xf32, #tpu.memory_space<vmem>>[vector<16xi32>, vector<16xi32>], vector<16xf32>,
      tpu.vector_store_idx %arg21[%add3A_346, %broadcast_in_dim3A_15], %gather3A_348 : memref<512x2xf32, #tpu.memory_space<vmem>>[vector<16xi32>, vector<16xi32>], vector<16xf32>,
      %get3A_349 = arith.constant 3 : i32
      %get3A_350 = arith.index_cast %get3A_349 : i32 to index
      %get3A_351 = arith.constant 32 : index
      %get3A_352 = tpu.vector_load %arg11[%get3A_350, %get3A_351] {strides = array<i32>} : memref<4x128xi32, #tpu.memory_space<vmem>>, vector<16xi32>,
      %broadcast_in_dim3A_353 = arith.constant 416 : i32
      %broadcast_in_dim3A_354 = vector.broadcast %broadcast_in_dim3A_353 : i32 to vector<16xi32>
      %add3A_355 = arith.addi %broadcast_in_dim3A_354, %iota3A : vector<16xi32>
      %gather3A_356 = tpu.vector_load_idx %arg19[%get3A_352, %broadcast_in_dim3A_9] : memref<2x64xf32, #tpu.memory_space<vmem>>[vector<16xi32>, vector<16xi32>], vector<16xf32>,
      %gather3A_357 = tpu.vector_load_idx %arg19[%get3A_352, %broadcast_in_dim3A_11] : memref<2x64xf32, #tpu.memory_space<vmem>>[vector<16xi32>, vector<16xi32>], vector<16xf32>,
      tpu.vector_store_idx %arg21[%add3A_355, %broadcast_in_dim3A_13], %gather3A_356 : memref<512x2xf32, #tpu.memory_space<vmem>>[vector<16xi32>, vector<16xi32>], vector<16xf32>,
      tpu.vector_store_idx %arg21[%add3A_355, %broadcast_in_dim3A_15], %gather3A_357 : memref<512x2xf32, #tpu.memory_space<vmem>>[vector<16xi32>, vector<16xi32>], vector<16xf32>,
      %get3A_358 = arith.constant 3 : i32
      %get3A_359 = arith.index_cast %get3A_358 : i32 to index
      %get3A_360 = arith.constant 48 : index
      %get3A_361 = tpu.vector_load %arg11[%get3A_359, %get3A_360] {strides = array<i32>} : memref<4x128xi32, #tpu.memory_space<vmem>>, vector<16xi32>,
      %broadcast_in_dim3A_362 = arith.constant 432 : i32
      %broadcast_in_dim3A_363 = vector.broadcast %broadcast_in_dim3A_362 : i32 to vector<16xi32>
      %add3A_364 = arith.addi %broadcast_in_dim3A_363, %iota3A : vector<16xi32>
      %gather3A_365 = tpu.vector_load_idx %arg19[%get3A_361, %broadcast_in_dim3A_9] : memref<2x64xf32, #tpu.memory_space<vmem>>[vector<16xi32>, vector<16xi32>], vector<16xf32>,
      %gather3A_366 = tpu.vector_load_idx %arg19[%get3A_361, %broadcast_in_dim3A_11] : memref<2x64xf32, #tpu.memory_space<vmem>>[vector<16xi32>, vector<16xi32>], vector<16xf32>,
      tpu.vector_store_idx %arg21[%add3A_364, %broadcast_in_dim3A_13], %gather3A_365 : memref<512x2xf32, #tpu.memory_space<vmem>>[vector<16xi32>, vector<16xi32>], vector<16xf32>,
      tpu.vector_store_idx %arg21[%add3A_364, %broadcast_in_dim3A_15], %gather3A_366 : memref<512x2xf32, #tpu.memory_space<vmem>>[vector<16xi32>, vector<16xi32>], vector<16xf32>,
      %get3A_367 = arith.constant 3 : i32
      %get3A_368 = arith.index_cast %get3A_367 : i32 to index
      %get3A_369 = arith.constant 64 : index
      %get3A_370 = tpu.vector_load %arg11[%get3A_368, %get3A_369] {strides = array<i32>} : memref<4x128xi32, #tpu.memory_space<vmem>>, vector<16xi32>,
      %broadcast_in_dim3A_371 = arith.constant 448 : i32
      %broadcast_in_dim3A_372 = vector.broadcast %broadcast_in_dim3A_371 : i32 to vector<16xi32>
      %add3A_373 = arith.addi %broadcast_in_dim3A_372, %iota3A : vector<16xi32>
      %gather3A_374 = tpu.vector_load_idx %arg19[%get3A_370, %broadcast_in_dim3A_9] : memref<2x64xf32, #tpu.memory_space<vmem>>[vector<16xi32>, vector<16xi32>], vector<16xf32>,
      %gather3A_375 = tpu.vector_load_idx %arg19[%get3A_370, %broadcast_in_dim3A_11] : memref<2x64xf32, #tpu.memory_space<vmem>>[vector<16xi32>, vector<16xi32>], vector<16xf32>,
      tpu.vector_store_idx %arg21[%add3A_373, %broadcast_in_dim3A_13], %gather3A_374 : memref<512x2xf32, #tpu.memory_space<vmem>>[vector<16xi32>, vector<16xi32>], vector<16xf32>,
      tpu.vector_store_idx %arg21[%add3A_373, %broadcast_in_dim3A_15], %gather3A_375 : memref<512x2xf32, #tpu.memory_space<vmem>>[vector<16xi32>, vector<16xi32>], vector<16xf32>,
      %get3A_376 = arith.constant 3 : i32
      %get3A_377 = arith.index_cast %get3A_376 : i32 to index
      %get3A_378 = arith.constant 80 : index
      %get3A_379 = tpu.vector_load %arg11[%get3A_377, %get3A_378] {strides = array<i32>} : memref<4x128xi32, #tpu.memory_space<vmem>>, vector<16xi32>,
      %broadcast_in_dim3A_380 = arith.constant 464 : i32
      %broadcast_in_dim3A_381 = vector.broadcast %broadcast_in_dim3A_380 : i32 to vector<16xi32>
      %add3A_382 = arith.addi %broadcast_in_dim3A_381, %iota3A : vector<16xi32>
      %gather3A_383 = tpu.vector_load_idx %arg19[%get3A_379, %broadcast_in_dim3A_9] : memref<2x64xf32, #tpu.memory_space<vmem>>[vector<16xi32>, vector<16xi32>], vector<16xf32>,
      %gather3A_384 = tpu.vector_load_idx %arg19[%get3A_379, %broadcast_in_dim3A_11] : memref<2x64xf32, #tpu.memory_space<vmem>>[vector<16xi32>, vector<16xi32>], vector<16xf32>,
      tpu.vector_store_idx %arg21[%add3A_382, %broadcast_in_dim3A_13], %gather3A_383 : memref<512x2xf32, #tpu.memory_space<vmem>>[vector<16xi32>, vector<16xi32>], vector<16xf32>,
      tpu.vector_store_idx %arg21[%add3A_382, %broadcast_in_dim3A_15], %gather3A_384 : memref<512x2xf32, #tpu.memory_space<vmem>>[vector<16xi32>, vector<16xi32>], vector<16xf32>,
      %get3A_385 = arith.constant 3 : i32
      %get3A_386 = arith.index_cast %get3A_385 : i32 to index
      %get3A_387 = arith.constant 96 : index
      %get3A_388 = tpu.vector_load %arg11[%get3A_386, %get3A_387] {strides = array<i32>} : memref<4x128xi32, #tpu.memory_space<vmem>>, vector<16xi32>,
      %broadcast_in_dim3A_389 = arith.constant 480 : i32
      %broadcast_in_dim3A_390 = vector.broadcast %broadcast_in_dim3A_389 : i32 to vector<16xi32>
      %add3A_391 = arith.addi %broadcast_in_dim3A_390, %iota3A : vector<16xi32>
      %gather3A_392 = tpu.vector_load_idx %arg19[%get3A_388, %broadcast_in_dim3A_9] : memref<2x64xf32, #tpu.memory_space<vmem>>[vector<16xi32>, vector<16xi32>], vector<16xf32>,
      %gather3A_393 = tpu.vector_load_idx %arg19[%get3A_388, %broadcast_in_dim3A_11] : memref<2x64xf32, #tpu.memory_space<vmem>>[vector<16xi32>, vector<16xi32>], vector<16xf32>,
      tpu.vector_store_idx %arg21[%add3A_391, %broadcast_in_dim3A_13], %gather3A_392 : memref<512x2xf32, #tpu.memory_space<vmem>>[vector<16xi32>, vector<16xi32>], vector<16xf32>,
      tpu.vector_store_idx %arg21[%add3A_391, %broadcast_in_dim3A_15], %gather3A_393 : memref<512x2xf32, #tpu.memory_space<vmem>>[vector<16xi32>, vector<16xi32>], vector<16xf32>,
      %get3A_394 = arith.constant 3 : i32
      %get3A_395 = arith.index_cast %get3A_394 : i32 to index
      %get3A_396 = arith.constant 112 : index
      %get3A_397 = tpu.vector_load %arg11[%get3A_395, %get3A_396] {strides = array<i32>} : memref<4x128xi32, #tpu.memory_space<vmem>>, vector<16xi32>,
      %broadcast_in_dim3A_398 = arith.constant 496 : i32
      %broadcast_in_dim3A_399 = vector.broadcast %broadcast_in_dim3A_398 : i32 to vector<16xi32>
      %add3A_400 = arith.addi %broadcast_in_dim3A_399, %iota3A : vector<16xi32>
      %gather3A_401 = tpu.vector_load_idx %arg19[%get3A_397, %broadcast_in_dim3A_9] : memref<2x64xf32, #tpu.memory_space<vmem>>[vector<16xi32>, vector<16xi32>], vector<16xf32>,
      %gather3A_402 = tpu.vector_load_idx %arg19[%get3A_397, %broadcast_in_dim3A_11] : memref<2x64xf32, #tpu.memory_space<vmem>>[vector<16xi32>, vector<16xi32>], vector<16xf32>,
      tpu.vector_store_idx %arg21[%add3A_400, %broadcast_in_dim3A_13], %gather3A_401 : memref<512x2xf32, #tpu.memory_space<vmem>>[vector<16xi32>, vector<16xi32>], vector<16xf32>,
      tpu.vector_store_idx %arg21[%add3A_400, %broadcast_in_dim3A_15], %gather3A_402 : memref<512x2xf32, #tpu.memory_space<vmem>>[vector<16xi32>, vector<16xi32>], vector<16xf32>,
      %dma_wait3A_403 = arith.constant 0 : i32
      %dma_wait3A_404 = arith.constant 0 : i32
      %dma_wait3A_405 = arith.constant 0 : i32
      %dma_wait3A_406 = tpu.memref_slice %arg14[%dma_wait3A_404, %dma_wait3A_405] : memref<512x64xf32, #tpu.memory_space<vmem>> -> memref<128x64xf32, #tpu.memory_space<vmem>>
      %dma_wait3A_407 = arith.constant 0 : i32
      %dma_wait3A_408 = tpu.memref_slice %arg9[%dma_wait3A_403, %dma_wait3A_407] : memref<4x128xi32, #tpu.memory_space<vmem>> -> memref<1x128xi32, #tpu.memory_space<vmem>>
      %dma_wait3A_409 = tpu.memref_squeeze %dma_wait3A_408 : memref<1x128xi32, #tpu.memory_space<vmem>> -> memref<128xi32, #tpu.memory_space<vmem>>
      %dma_wait3A_410 = arith.constant 0 : i32
      %dma_wait3A_411 = arith.constant 0 : i32
      %dma_wait3A_412 = tpu.memref_slice %arg5[%dma_wait3A_410, %dma_wait3A_411] : memref<1000000x64xf32, #tpu.memory_space<hbm>> -> memref<1000000x64xf32, #tpu.memory_space<hbm>>
      tpu.wait_indirect_dma semaphore(%arg22 : memref<!tpu.dma_semaphore, #tpu.memory_space<semaphore_mem>>) src(%dma_wait3A_412 : memref<1000000x64xf32, #tpu.memory_space<hbm>>) dst(%dma_wait3A_406 : memref<128x64xf32, #tpu.memory_space<vmem>>)
      %dma_wait3A_413 = arith.constant 0 : i32
      %dma_wait3A_414 = arith.constant 0 : i32
      %dma_wait3A_415 = arith.constant 0 : i32
      %dma_wait3A_416 = tpu.memref_slice %arg16[%dma_wait3A_414, %dma_wait3A_415] : memref<512x48xf32, #tpu.memory_space<vmem>> -> memref<128x48xf32, #tpu.memory_space<vmem>>
      %dma_wait3A_417 = arith.constant 0 : i32
      %dma_wait3A_418 = tpu.memref_slice %arg11[%dma_wait3A_413, %dma_wait3A_417] : memref<4x128xi32, #tpu.memory_space<vmem>> -> memref<1x128xi32, #tpu.memory_space<vmem>>
      %dma_wait3A_419 = tpu.memref_squeeze %dma_wait3A_418 : memref<1x128xi32, #tpu.memory_space<vmem>> -> memref<128xi32, #tpu.memory_space<vmem>>
      %dma_wait3A_420 = arith.constant 0 : i32
      %dma_wait3A_421 = arith.constant 0 : i32
      %dma_wait3A_422 = tpu.memref_slice %arg20[%dma_wait3A_420, %dma_wait3A_421] : memref<2x48xf32, #tpu.memory_space<vmem_shared>> -> memref<2x48xf32, #tpu.memory_space<vmem_shared>>
      tpu.wait_indirect_dma semaphore(%arg24 : memref<!tpu.dma_semaphore, #tpu.memory_space<semaphore_mem>>) src(%dma_wait3A_422 : memref<2x48xf32, #tpu.memory_space<vmem_shared>>) dst(%dma_wait3A_416 : memref<128x48xf32, #tpu.memory_space<vmem>>)
      %dma_wait3A_423 = arith.constant 1 : i32
      %dma_wait3A_424 = arith.constant 128 : i32
      %dma_wait3A_425 = arith.constant 0 : i32
      %dma_wait3A_426 = tpu.memref_slice %arg14[%dma_wait3A_424, %dma_wait3A_425] : memref<512x64xf32, #tpu.memory_space<vmem>> -> memref<128x64xf32, #tpu.memory_space<vmem>>
      %dma_wait3A_427 = arith.constant 0 : i32
      %dma_wait3A_428 = tpu.memref_slice %arg9[%dma_wait3A_423, %dma_wait3A_427] : memref<4x128xi32, #tpu.memory_space<vmem>> -> memref<1x128xi32, #tpu.memory_space<vmem>>
      %dma_wait3A_429 = tpu.memref_squeeze %dma_wait3A_428 : memref<1x128xi32, #tpu.memory_space<vmem>> -> memref<128xi32, #tpu.memory_space<vmem>>
      %dma_wait3A_430 = arith.constant 0 : i32
      %dma_wait3A_431 = arith.constant 0 : i32
      %dma_wait3A_432 = tpu.memref_slice %arg5[%dma_wait3A_430, %dma_wait3A_431] : memref<1000000x64xf32, #tpu.memory_space<hbm>> -> memref<1000000x64xf32, #tpu.memory_space<hbm>>
      tpu.wait_indirect_dma semaphore(%arg22 : memref<!tpu.dma_semaphore, #tpu.memory_space<semaphore_mem>>) src(%dma_wait3A_432 : memref<1000000x64xf32, #tpu.memory_space<hbm>>) dst(%dma_wait3A_426 : memref<128x64xf32, #tpu.memory_space<vmem>>)
      %dma_wait3A_433 = arith.constant 1 : i32
      %dma_wait3A_434 = arith.constant 128 : i32
      %dma_wait3A_435 = arith.constant 0 : i32
      %dma_wait3A_436 = tpu.memref_slice %arg16[%dma_wait3A_434, %dma_wait3A_435] : memref<512x48xf32, #tpu.memory_space<vmem>> -> memref<128x48xf32, #tpu.memory_space<vmem>>
      %dma_wait3A_437 = arith.constant 0 : i32
      %dma_wait3A_438 = tpu.memref_slice %arg11[%dma_wait3A_433, %dma_wait3A_437] : memref<4x128xi32, #tpu.memory_space<vmem>> -> memref<1x128xi32, #tpu.memory_space<vmem>>
      %dma_wait3A_439 = tpu.memref_squeeze %dma_wait3A_438 : memref<1x128xi32, #tpu.memory_space<vmem>> -> memref<128xi32, #tpu.memory_space<vmem>>
      %dma_wait3A_440 = arith.constant 0 : i32
      %dma_wait3A_441 = arith.constant 0 : i32
      %dma_wait3A_442 = tpu.memref_slice %arg20[%dma_wait3A_440, %dma_wait3A_441] : memref<2x48xf32, #tpu.memory_space<vmem_shared>> -> memref<2x48xf32, #tpu.memory_space<vmem_shared>>
      tpu.wait_indirect_dma semaphore(%arg24 : memref<!tpu.dma_semaphore, #tpu.memory_space<semaphore_mem>>) src(%dma_wait3A_442 : memref<2x48xf32, #tpu.memory_space<vmem_shared>>) dst(%dma_wait3A_436 : memref<128x48xf32, #tpu.memory_space<vmem>>)
      %dma_wait3A_443 = arith.constant 2 : i32
      %dma_wait3A_444 = arith.constant 256 : i32
      %dma_wait3A_445 = arith.constant 0 : i32
      %dma_wait3A_446 = tpu.memref_slice %arg14[%dma_wait3A_444, %dma_wait3A_445] : memref<512x64xf32, #tpu.memory_space<vmem>> -> memref<128x64xf32, #tpu.memory_space<vmem>>
      %dma_wait3A_447 = arith.constant 0 : i32
      %dma_wait3A_448 = tpu.memref_slice %arg9[%dma_wait3A_443, %dma_wait3A_447] : memref<4x128xi32, #tpu.memory_space<vmem>> -> memref<1x128xi32, #tpu.memory_space<vmem>>
      %dma_wait3A_449 = tpu.memref_squeeze %dma_wait3A_448 : memref<1x128xi32, #tpu.memory_space<vmem>> -> memref<128xi32, #tpu.memory_space<vmem>>
      %dma_wait3A_450 = arith.constant 0 : i32
      %dma_wait3A_451 = arith.constant 0 : i32
      %dma_wait3A_452 = tpu.memref_slice %arg5[%dma_wait3A_450, %dma_wait3A_451] : memref<1000000x64xf32, #tpu.memory_space<hbm>> -> memref<1000000x64xf32, #tpu.memory_space<hbm>>
      tpu.wait_indirect_dma semaphore(%arg22 : memref<!tpu.dma_semaphore, #tpu.memory_space<semaphore_mem>>) src(%dma_wait3A_452 : memref<1000000x64xf32, #tpu.memory_space<hbm>>) dst(%dma_wait3A_446 : memref<128x64xf32, #tpu.memory_space<vmem>>)
      %dma_wait3A_453 = arith.constant 2 : i32
      %dma_wait3A_454 = arith.constant 256 : i32
      %dma_wait3A_455 = arith.constant 0 : i32
      %dma_wait3A_456 = tpu.memref_slice %arg16[%dma_wait3A_454, %dma_wait3A_455] : memref<512x48xf32, #tpu.memory_space<vmem>> -> memref<128x48xf32, #tpu.memory_space<vmem>>
      %dma_wait3A_457 = arith.constant 0 : i32
      %dma_wait3A_458 = tpu.memref_slice %arg11[%dma_wait3A_453, %dma_wait3A_457] : memref<4x128xi32, #tpu.memory_space<vmem>> -> memref<1x128xi32, #tpu.memory_space<vmem>>
      %dma_wait3A_459 = tpu.memref_squeeze %dma_wait3A_458 : memref<1x128xi32, #tpu.memory_space<vmem>> -> memref<128xi32, #tpu.memory_space<vmem>>
      %dma_wait3A_460 = arith.constant 0 : i32
      %dma_wait3A_461 = arith.constant 0 : i32
      %dma_wait3A_462 = tpu.memref_slice %arg20[%dma_wait3A_460, %dma_wait3A_461] : memref<2x48xf32, #tpu.memory_space<vmem_shared>> -> memref<2x48xf32, #tpu.memory_space<vmem_shared>>
      tpu.wait_indirect_dma semaphore(%arg24 : memref<!tpu.dma_semaphore, #tpu.memory_space<semaphore_mem>>) src(%dma_wait3A_462 : memref<2x48xf32, #tpu.memory_space<vmem_shared>>) dst(%dma_wait3A_456 : memref<128x48xf32, #tpu.memory_space<vmem>>)
      %dma_wait3A_463 = arith.constant 3 : i32
      %dma_wait3A_464 = arith.constant 384 : i32
      %dma_wait3A_465 = arith.constant 0 : i32
      %dma_wait3A_466 = tpu.memref_slice %arg14[%dma_wait3A_464, %dma_wait3A_465] : memref<512x64xf32, #tpu.memory_space<vmem>> -> memref<128x64xf32, #tpu.memory_space<vmem>>
      %dma_wait3A_467 = arith.constant 0 : i32
      %dma_wait3A_468 = tpu.memref_slice %arg9[%dma_wait3A_463, %dma_wait3A_467] : memref<4x128xi32, #tpu.memory_space<vmem>> -> memref<1x128xi32, #tpu.memory_space<vmem>>
      %dma_wait3A_469 = tpu.memref_squeeze %dma_wait3A_468 : memref<1x128xi32, #tpu.memory_space<vmem>> -> memref<128xi32, #tpu.memory_space<vmem>>
      %dma_wait3A_470 = arith.constant 0 : i32
      %dma_wait3A_471 = arith.constant 0 : i32
      %dma_wait3A_472 = tpu.memref_slice %arg5[%dma_wait3A_470, %dma_wait3A_471] : memref<1000000x64xf32, #tpu.memory_space<hbm>> -> memref<1000000x64xf32, #tpu.memory_space<hbm>>
      tpu.wait_indirect_dma semaphore(%arg22 : memref<!tpu.dma_semaphore, #tpu.memory_space<semaphore_mem>>) src(%dma_wait3A_472 : memref<1000000x64xf32, #tpu.memory_space<hbm>>) dst(%dma_wait3A_466 : memref<128x64xf32, #tpu.memory_space<vmem>>)
      %dma_wait3A_473 = arith.constant 3 : i32
      %dma_wait3A_474 = arith.constant 384 : i32
      %dma_wait3A_475 = arith.constant 0 : i32
      %dma_wait3A_476 = tpu.memref_slice %arg16[%dma_wait3A_474, %dma_wait3A_475] : memref<512x48xf32, #tpu.memory_space<vmem>> -> memref<128x48xf32, #tpu.memory_space<vmem>>
      %dma_wait3A_477 = arith.constant 0 : i32
      %dma_wait3A_478 = tpu.memref_slice %arg11[%dma_wait3A_473, %dma_wait3A_477] : memref<4x128xi32, #tpu.memory_space<vmem>> -> memref<1x128xi32, #tpu.memory_space<vmem>>
      %dma_wait3A_479 = tpu.memref_squeeze %dma_wait3A_478 : memref<1x128xi32, #tpu.memory_space<vmem>> -> memref<128xi32, #tpu.memory_space<vmem>>
      %dma_wait3A_480 = arith.constant 0 : i32
      %dma_wait3A_481 = arith.constant 0 : i32
      %dma_wait3A_482 = tpu.memref_slice %arg20[%dma_wait3A_480, %dma_wait3A_481] : memref<2x48xf32, #tpu.memory_space<vmem_shared>> -> memref<2x48xf32, #tpu.memory_space<vmem_shared>>
      tpu.wait_indirect_dma semaphore(%arg24 : memref<!tpu.dma_semaphore, #tpu.memory_space<semaphore_mem>>) src(%dma_wait3A_482 : memref<2x48xf32, #tpu.memory_space<vmem_shared>>) dst(%dma_wait3A_476 : memref<128x48xf32, #tpu.memory_space<vmem>>)
      %mul3A_483 = arith.constant 4 : i32
      %mul3A_484 = arith.muli %mul3A_110, %mul3A_483 : i32
      %add3A_485 = arith.addi %mul3A_17, %mul3A_484 : i32
      %mul3A_486 = arith.constant 128 : i32
      %mul3A_487 = arith.muli %add3A_485, %mul3A_486 : i32
      "tpu.region"() ({
        %run_scoped3A = tpu.sem_alloc : memref<!tpu.dma_semaphore, #tpu.memory_space<semaphore_mem>>
        %dma_start3A_502 = arith.constant 0 : i32
        %dma_start3A_503 = tpu.memref_slice %arg7[%mul3A_487, %dma_start3A_502] : memref<819200x114xf32, #tpu.memory_space<hbm>> -> memref<512x64xf32, #tpu.memory_space<hbm>>
        %dma_start3A_504 = arith.constant 0 : i32
        %dma_start3A_505 = tpu.memref_slice %arg7[%mul3A_487, %dma_start3A_504] : memref<819200x114xf32, #tpu.memory_space<hbm>> -> memref<512x64xf32, #tpu.memory_space<hbm>>
        tpu.enqueue_dma source(%arg14 : memref<512x64xf32, #tpu.memory_space<vmem>>) target(%dma_start3A_505 : memref<512x64xf32, #tpu.memory_space<hbm>>) target_semaphore(%run_scoped3A : memref<!tpu.dma_semaphore, #tpu.memory_space<semaphore_mem>>)
        %dma_wait3A_506 = arith.constant 0 : i32
        %dma_wait3A_507 = tpu.memref_slice %arg7[%mul3A_487, %dma_wait3A_506] : memref<819200x114xf32, #tpu.memory_space<hbm>> -> memref<512x64xf32, #tpu.memory_space<hbm>>
        %dma_wait3A_508 = arith.constant 0 : i32
        %dma_wait3A_509 = tpu.memref_slice %arg7[%mul3A_487, %dma_wait3A_508] : memref<819200x114xf32, #tpu.memory_space<hbm>> -> memref<512x64xf32, #tpu.memory_space<hbm>>
        tpu.wait_dma2 semaphore(%run_scoped3A : memref<!tpu.dma_semaphore, #tpu.memory_space<semaphore_mem>>) src(%arg14 : memref<512x64xf32, #tpu.memory_space<vmem>>) dst(%dma_wait3A_509 : memref<512x64xf32, #tpu.memory_space<hbm>>)
        tpu.yield
      }) : () -> ()
      "tpu.region"() ({
        %run_scoped3A = tpu.sem_alloc : memref<!tpu.dma_semaphore, #tpu.memory_space<semaphore_mem>>
        %dma_start3A_502 = arith.constant 64 : i32
        %dma_start3A_503 = tpu.memref_slice %arg7[%mul3A_487, %dma_start3A_502] : memref<819200x114xf32, #tpu.memory_space<hbm>> -> memref<512x48xf32, #tpu.memory_space<hbm>>
        %dma_start3A_504 = arith.constant 64 : i32
        %dma_start3A_505 = tpu.memref_slice %arg7[%mul3A_487, %dma_start3A_504] : memref<819200x114xf32, #tpu.memory_space<hbm>> -> memref<512x48xf32, #tpu.memory_space<hbm>>
        tpu.enqueue_dma source(%arg16 : memref<512x48xf32, #tpu.memory_space<vmem>>) target(%dma_start3A_505 : memref<512x48xf32, #tpu.memory_space<hbm>>) target_semaphore(%run_scoped3A : memref<!tpu.dma_semaphore, #tpu.memory_space<semaphore_mem>>)
        %dma_wait3A_506 = arith.constant 64 : i32
        %dma_wait3A_507 = tpu.memref_slice %arg7[%mul3A_487, %dma_wait3A_506] : memref<819200x114xf32, #tpu.memory_space<hbm>> -> memref<512x48xf32, #tpu.memory_space<hbm>>
        %dma_wait3A_508 = arith.constant 64 : i32
        %dma_wait3A_509 = tpu.memref_slice %arg7[%mul3A_487, %dma_wait3A_508] : memref<819200x114xf32, #tpu.memory_space<hbm>> -> memref<512x48xf32, #tpu.memory_space<hbm>>
        tpu.wait_dma2 semaphore(%run_scoped3A : memref<!tpu.dma_semaphore, #tpu.memory_space<semaphore_mem>>) src(%arg16 : memref<512x48xf32, #tpu.memory_space<vmem>>) dst(%dma_wait3A_509 : memref<512x48xf32, #tpu.memory_space<hbm>>)
        tpu.yield
      }) : () -> ()
      "tpu.region"() ({
        %run_scoped3A = tpu.sem_alloc : memref<!tpu.dma_semaphore, #tpu.memory_space<semaphore_mem>>
        %dma_start3A_502 = arith.constant 112 : i32
        %dma_start3A_503 = tpu.memref_slice %arg7[%mul3A_487, %dma_start3A_502] : memref<819200x114xf32, #tpu.memory_space<hbm>> -> memref<512x2xf32, #tpu.memory_space<hbm>>
        %dma_start3A_504 = arith.constant 112 : i32
        %dma_start3A_505 = tpu.memref_slice %arg7[%mul3A_487, %dma_start3A_504] : memref<819200x114xf32, #tpu.memory_space<hbm>> -> memref<512x2xf32, #tpu.memory_space<hbm>>
        tpu.enqueue_dma source(%arg21 : memref<512x2xf32, #tpu.memory_space<vmem>>) target(%dma_start3A_505 : memref<512x2xf32, #tpu.memory_space<hbm>>) target_semaphore(%run_scoped3A : memref<!tpu.dma_semaphore, #tpu.memory_space<semaphore_mem>>)
        %dma_wait3A_506 = arith.constant 112 : i32
        %dma_wait3A_507 = tpu.memref_slice %arg7[%mul3A_487, %dma_wait3A_506] : memref<819200x114xf32, #tpu.memory_space<hbm>> -> memref<512x2xf32, #tpu.memory_space<hbm>>
        %dma_wait3A_508 = arith.constant 112 : i32
        %dma_wait3A_509 = tpu.memref_slice %arg7[%mul3A_487, %dma_wait3A_508] : memref<819200x114xf32, #tpu.memory_space<hbm>> -> memref<512x2xf32, #tpu.memory_space<hbm>>
        tpu.wait_dma2 semaphore(%run_scoped3A : memref<!tpu.dma_semaphore, #tpu.memory_space<semaphore_mem>>) src(%arg21 : memref<512x2xf32, #tpu.memory_space<vmem>>) dst(%dma_wait3A_509 : memref<512x2xf32, #tpu.memory_space<hbm>>)
        tpu.yield
      }) : () -> ()
      %add3A_488 = arith.constant 2 : i32
      %add3A_489 = arith.addi %mul3A_110, %add3A_488 : i32
      %lt3A_490 = arith.constant 50 : i32
      %lt3A_491 = arith.cmpi slt, %add3A_489, %lt3A_490 : i32
      %convert_element_type3A_492 = arith.extui %lt3A_491 : i1 to i32
      %cond3A_493 = arith.constant 0 : i32
      %cond3A_494 = arith.cmpi ne, %convert_element_type3A_492, %cond3A_493 : i32
      scf.if %cond3A_494 {
        %add3A_502 = arith.constant 2 : i32
        %add3A_503 = arith.addi %mul3A_110, %add3A_502 : i32
        %mul3A_504 = arith.constant 4 : i32
        %mul3A_505 = arith.muli %add3A_503, %mul3A_504 : i32
        %add3A_506 = arith.addi %mul3A_17, %mul3A_505 : i32
        "tpu.region"() ({
          %run_scoped3A = tpu.sem_alloc : memref<!tpu.dma_semaphore, #tpu.memory_space<semaphore_mem>>
          %dma_start3A_587 = arith.constant 0 : i32
          %dma_start3A_588 = tpu.memref_slice %arg2[%add3A_506, %dma_start3A_587] : memref<6400x128xi32, #tpu.memory_space<hbm>> -> memref<4x128xi32, #tpu.memory_space<hbm>>
          %dma_start3A_589 = arith.constant 0 : i32
          %dma_start3A_590 = tpu.memref_slice %arg2[%add3A_506, %dma_start3A_589] : memref<6400x128xi32, #tpu.memory_space<hbm>> -> memref<4x128xi32, #tpu.memory_space<hbm>>
          tpu.enqueue_dma source(%dma_start3A_590 : memref<4x128xi32, #tpu.memory_space<hbm>>) target(%arg9 : memref<4x128xi32, #tpu.memory_space<vmem>>) target_semaphore(%run_scoped3A : memref<!tpu.dma_semaphore, #tpu.memory_space<semaphore_mem>>)
          %dma_wait3A_591 = arith.constant 0 : i32
          %dma_wait3A_592 = tpu.memref_slice %arg2[%add3A_506, %dma_wait3A_591] : memref<6400x128xi32, #tpu.memory_space<hbm>> -> memref<4x128xi32, #tpu.memory_space<hbm>>
          %dma_wait3A_593 = arith.constant 0 : i32
          %dma_wait3A_594 = tpu.memref_slice %arg2[%add3A_506, %dma_wait3A_593] : memref<6400x128xi32, #tpu.memory_space<hbm>> -> memref<4x128xi32, #tpu.memory_space<hbm>>
          tpu.wait_dma2 semaphore(%run_scoped3A : memref<!tpu.dma_semaphore, #tpu.memory_space<semaphore_mem>>) src(%dma_wait3A_594 : memref<4x128xi32, #tpu.memory_space<hbm>>) dst(%arg9 : memref<4x128xi32, #tpu.memory_space<vmem>>)
          tpu.yield
        }) : () -> ()
        "tpu.region"() ({
          %run_scoped3A = tpu.sem_alloc : memref<!tpu.dma_semaphore, #tpu.memory_space<semaphore_mem>>
          %dma_start3A_587 = arith.constant 0 : i32
          %dma_start3A_588 = tpu.memref_slice %arg3[%add3A_506, %dma_start3A_587] : memref<6400x128xi32, #tpu.memory_space<hbm>> -> memref<4x128xi32, #tpu.memory_space<hbm>>
          %dma_start3A_589 = arith.constant 0 : i32
          %dma_start3A_590 = tpu.memref_slice %arg3[%add3A_506, %dma_start3A_589] : memref<6400x128xi32, #tpu.memory_space<hbm>> -> memref<4x128xi32, #tpu.memory_space<hbm>>
          tpu.enqueue_dma source(%dma_start3A_590 : memref<4x128xi32, #tpu.memory_space<hbm>>) target(%arg11 : memref<4x128xi32, #tpu.memory_space<vmem>>) target_semaphore(%run_scoped3A : memref<!tpu.dma_semaphore, #tpu.memory_space<semaphore_mem>>)
          %dma_wait3A_591 = arith.constant 0 : i32
          %dma_wait3A_592 = tpu.memref_slice %arg3[%add3A_506, %dma_wait3A_591] : memref<6400x128xi32, #tpu.memory_space<hbm>> -> memref<4x128xi32, #tpu.memory_space<hbm>>
          %dma_wait3A_593 = arith.constant 0 : i32
          %dma_wait3A_594 = tpu.memref_slice %arg3[%add3A_506, %dma_wait3A_593] : memref<6400x128xi32, #tpu.memory_space<hbm>> -> memref<4x128xi32, #tpu.memory_space<hbm>>
          tpu.wait_dma2 semaphore(%run_scoped3A : memref<!tpu.dma_semaphore, #tpu.memory_space<semaphore_mem>>) src(%dma_wait3A_594 : memref<4x128xi32, #tpu.memory_space<hbm>>) dst(%arg11 : memref<4x128xi32, #tpu.memory_space<vmem>>)
          tpu.yield
        }) : () -> ()
        %dma_start3A_507 = arith.constant 0 : i32
        %dma_start3A_508 = arith.constant 0 : i32
        %dma_start3A_509 = arith.constant 0 : i32
        %dma_start3A_510 = tpu.memref_slice %arg14[%dma_start3A_508, %dma_start3A_509] : memref<512x64xf32, #tpu.memory_space<vmem>> -> memref<128x64xf32, #tpu.memory_space<vmem>>
        %dma_start3A_511 = arith.constant 0 : i32
        %dma_start3A_512 = tpu.memref_slice %arg9[%dma_start3A_507, %dma_start3A_511] : memref<4x128xi32, #tpu.memory_space<vmem>> -> memref<1x128xi32, #tpu.memory_space<vmem>>
        %dma_start3A_513 = tpu.memref_squeeze %dma_start3A_512 : memref<1x128xi32, #tpu.memory_space<vmem>> -> memref<128xi32, #tpu.memory_space<vmem>>
        %dma_start3A_514 = arith.constant 0 : i32
        %dma_start3A_515 = arith.constant 0 : i32
        %dma_start3A_516 = tpu.memref_slice %arg5[%dma_start3A_514, %dma_start3A_515] : memref<1000000x64xf32, #tpu.memory_space<hbm>> -> memref<1000000x64xf32, #tpu.memory_space<hbm>>
        tpu.enqueue_indirect_dma source(%dma_start3A_516 : memref<1000000x64xf32, #tpu.memory_space<hbm>>) target(%dma_start3A_510 : memref<128x64xf32, #tpu.memory_space<vmem>>) offsets(%dma_start3A_513 : memref<128xi32, #tpu.memory_space<vmem>>) semaphore(%arg22 : memref<!tpu.dma_semaphore, #tpu.memory_space<semaphore_mem>>)
        %dma_start3A_517 = arith.constant 0 : i32
        %dma_start3A_518 = arith.constant 0 : i32
        %dma_start3A_519 = arith.constant 0 : i32
        %dma_start3A_520 = tpu.memref_slice %arg16[%dma_start3A_518, %dma_start3A_519] : memref<512x48xf32, #tpu.memory_space<vmem>> -> memref<128x48xf32, #tpu.memory_space<vmem>>
        %dma_start3A_521 = arith.constant 0 : i32
        %dma_start3A_522 = tpu.memref_slice %arg11[%dma_start3A_517, %dma_start3A_521] : memref<4x128xi32, #tpu.memory_space<vmem>> -> memref<1x128xi32, #tpu.memory_space<vmem>>
        %dma_start3A_523 = tpu.memref_squeeze %dma_start3A_522 : memref<1x128xi32, #tpu.memory_space<vmem>> -> memref<128xi32, #tpu.memory_space<vmem>>
        %dma_start3A_524 = arith.constant 0 : i32
        %dma_start3A_525 = arith.constant 0 : i32
        %dma_start3A_526 = tpu.memref_slice %arg20[%dma_start3A_524, %dma_start3A_525] : memref<2x48xf32, #tpu.memory_space<vmem_shared>> -> memref<2x48xf32, #tpu.memory_space<vmem_shared>>
        tpu.enqueue_indirect_dma source(%dma_start3A_526 : memref<2x48xf32, #tpu.memory_space<vmem_shared>>) target(%dma_start3A_520 : memref<128x48xf32, #tpu.memory_space<vmem>>) offsets(%dma_start3A_523 : memref<128xi32, #tpu.memory_space<vmem>>) semaphore(%arg24 : memref<!tpu.dma_semaphore, #tpu.memory_space<semaphore_mem>>)
        %dma_start3A_527 = arith.constant 1 : i32
        %dma_start3A_528 = arith.constant 128 : i32
        %dma_start3A_529 = arith.constant 0 : i32
        %dma_start3A_530 = tpu.memref_slice %arg14[%dma_start3A_528, %dma_start3A_529] : memref<512x64xf32, #tpu.memory_space<vmem>> -> memref<128x64xf32, #tpu.memory_space<vmem>>
        %dma_start3A_531 = arith.constant 0 : i32
        %dma_start3A_532 = tpu.memref_slice %arg9[%dma_start3A_527, %dma_start3A_531] : memref<4x128xi32, #tpu.memory_space<vmem>> -> memref<1x128xi32, #tpu.memory_space<vmem>>
        %dma_start3A_533 = tpu.memref_squeeze %dma_start3A_532 : memref<1x128xi32, #tpu.memory_space<vmem>> -> memref<128xi32, #tpu.memory_space<vmem>>
        %dma_start3A_534 = arith.constant 0 : i32
        %dma_start3A_535 = arith.constant 0 : i32
        %dma_start3A_536 = tpu.memref_slice %arg5[%dma_start3A_534, %dma_start3A_535] : memref<1000000x64xf32, #tpu.memory_space<hbm>> -> memref<1000000x64xf32, #tpu.memory_space<hbm>>
        tpu.enqueue_indirect_dma source(%dma_start3A_536 : memref<1000000x64xf32, #tpu.memory_space<hbm>>) target(%dma_start3A_530 : memref<128x64xf32, #tpu.memory_space<vmem>>) offsets(%dma_start3A_533 : memref<128xi32, #tpu.memory_space<vmem>>) semaphore(%arg22 : memref<!tpu.dma_semaphore, #tpu.memory_space<semaphore_mem>>)
        %dma_start3A_537 = arith.constant 1 : i32
        %dma_start3A_538 = arith.constant 128 : i32
        %dma_start3A_539 = arith.constant 0 : i32
        %dma_start3A_540 = tpu.memref_slice %arg16[%dma_start3A_538, %dma_start3A_539] : memref<512x48xf32, #tpu.memory_space<vmem>> -> memref<128x48xf32, #tpu.memory_space<vmem>>
        %dma_start3A_541 = arith.constant 0 : i32
        %dma_start3A_542 = tpu.memref_slice %arg11[%dma_start3A_537, %dma_start3A_541] : memref<4x128xi32, #tpu.memory_space<vmem>> -> memref<1x128xi32, #tpu.memory_space<vmem>>
        %dma_start3A_543 = tpu.memref_squeeze %dma_start3A_542 : memref<1x128xi32, #tpu.memory_space<vmem>> -> memref<128xi32, #tpu.memory_space<vmem>>
        %dma_start3A_544 = arith.constant 0 : i32
        %dma_start3A_545 = arith.constant 0 : i32
        %dma_start3A_546 = tpu.memref_slice %arg20[%dma_start3A_544, %dma_start3A_545] : memref<2x48xf32, #tpu.memory_space<vmem_shared>> -> memref<2x48xf32, #tpu.memory_space<vmem_shared>>
        tpu.enqueue_indirect_dma source(%dma_start3A_546 : memref<2x48xf32, #tpu.memory_space<vmem_shared>>) target(%dma_start3A_540 : memref<128x48xf32, #tpu.memory_space<vmem>>) offsets(%dma_start3A_543 : memref<128xi32, #tpu.memory_space<vmem>>) semaphore(%arg24 : memref<!tpu.dma_semaphore, #tpu.memory_space<semaphore_mem>>)
        %dma_start3A_547 = arith.constant 2 : i32
        %dma_start3A_548 = arith.constant 256 : i32
        %dma_start3A_549 = arith.constant 0 : i32
        %dma_start3A_550 = tpu.memref_slice %arg14[%dma_start3A_548, %dma_start3A_549] : memref<512x64xf32, #tpu.memory_space<vmem>> -> memref<128x64xf32, #tpu.memory_space<vmem>>
        %dma_start3A_551 = arith.constant 0 : i32
        %dma_start3A_552 = tpu.memref_slice %arg9[%dma_start3A_547, %dma_start3A_551] : memref<4x128xi32, #tpu.memory_space<vmem>> -> memref<1x128xi32, #tpu.memory_space<vmem>>
        %dma_start3A_553 = tpu.memref_squeeze %dma_start3A_552 : memref<1x128xi32, #tpu.memory_space<vmem>> -> memref<128xi32, #tpu.memory_space<vmem>>
        %dma_start3A_554 = arith.constant 0 : i32
        %dma_start3A_555 = arith.constant 0 : i32
        %dma_start3A_556 = tpu.memref_slice %arg5[%dma_start3A_554, %dma_start3A_555] : memref<1000000x64xf32, #tpu.memory_space<hbm>> -> memref<1000000x64xf32, #tpu.memory_space<hbm>>
        tpu.enqueue_indirect_dma source(%dma_start3A_556 : memref<1000000x64xf32, #tpu.memory_space<hbm>>) target(%dma_start3A_550 : memref<128x64xf32, #tpu.memory_space<vmem>>) offsets(%dma_start3A_553 : memref<128xi32, #tpu.memory_space<vmem>>) semaphore(%arg22 : memref<!tpu.dma_semaphore, #tpu.memory_space<semaphore_mem>>)
        %dma_start3A_557 = arith.constant 2 : i32
        %dma_start3A_558 = arith.constant 256 : i32
        %dma_start3A_559 = arith.constant 0 : i32
        %dma_start3A_560 = tpu.memref_slice %arg16[%dma_start3A_558, %dma_start3A_559] : memref<512x48xf32, #tpu.memory_space<vmem>> -> memref<128x48xf32, #tpu.memory_space<vmem>>
        %dma_start3A_561 = arith.constant 0 : i32
        %dma_start3A_562 = tpu.memref_slice %arg11[%dma_start3A_557, %dma_start3A_561] : memref<4x128xi32, #tpu.memory_space<vmem>> -> memref<1x128xi32, #tpu.memory_space<vmem>>
        %dma_start3A_563 = tpu.memref_squeeze %dma_start3A_562 : memref<1x128xi32, #tpu.memory_space<vmem>> -> memref<128xi32, #tpu.memory_space<vmem>>
        %dma_start3A_564 = arith.constant 0 : i32
        %dma_start3A_565 = arith.constant 0 : i32
        %dma_start3A_566 = tpu.memref_slice %arg20[%dma_start3A_564, %dma_start3A_565] : memref<2x48xf32, #tpu.memory_space<vmem_shared>> -> memref<2x48xf32, #tpu.memory_space<vmem_shared>>
        tpu.enqueue_indirect_dma source(%dma_start3A_566 : memref<2x48xf32, #tpu.memory_space<vmem_shared>>) target(%dma_start3A_560 : memref<128x48xf32, #tpu.memory_space<vmem>>) offsets(%dma_start3A_563 : memref<128xi32, #tpu.memory_space<vmem>>) semaphore(%arg24 : memref<!tpu.dma_semaphore, #tpu.memory_space<semaphore_mem>>)
        %dma_start3A_567 = arith.constant 3 : i32
        %dma_start3A_568 = arith.constant 384 : i32
        %dma_start3A_569 = arith.constant 0 : i32
        %dma_start3A_570 = tpu.memref_slice %arg14[%dma_start3A_568, %dma_start3A_569] : memref<512x64xf32, #tpu.memory_space<vmem>> -> memref<128x64xf32, #tpu.memory_space<vmem>>
        %dma_start3A_571 = arith.constant 0 : i32
        %dma_start3A_572 = tpu.memref_slice %arg9[%dma_start3A_567, %dma_start3A_571] : memref<4x128xi32, #tpu.memory_space<vmem>> -> memref<1x128xi32, #tpu.memory_space<vmem>>
        %dma_start3A_573 = tpu.memref_squeeze %dma_start3A_572 : memref<1x128xi32, #tpu.memory_space<vmem>> -> memref<128xi32, #tpu.memory_space<vmem>>
        %dma_start3A_574 = arith.constant 0 : i32
        %dma_start3A_575 = arith.constant 0 : i32
        %dma_start3A_576 = tpu.memref_slice %arg5[%dma_start3A_574, %dma_start3A_575] : memref<1000000x64xf32, #tpu.memory_space<hbm>> -> memref<1000000x64xf32, #tpu.memory_space<hbm>>
        tpu.enqueue_indirect_dma source(%dma_start3A_576 : memref<1000000x64xf32, #tpu.memory_space<hbm>>) target(%dma_start3A_570 : memref<128x64xf32, #tpu.memory_space<vmem>>) offsets(%dma_start3A_573 : memref<128xi32, #tpu.memory_space<vmem>>) semaphore(%arg22 : memref<!tpu.dma_semaphore, #tpu.memory_space<semaphore_mem>>)
        %dma_start3A_577 = arith.constant 3 : i32
        %dma_start3A_578 = arith.constant 384 : i32
        %dma_start3A_579 = arith.constant 0 : i32
        %dma_start3A_580 = tpu.memref_slice %arg16[%dma_start3A_578, %dma_start3A_579] : memref<512x48xf32, #tpu.memory_space<vmem>> -> memref<128x48xf32, #tpu.memory_space<vmem>>
        %dma_start3A_581 = arith.constant 0 : i32
        %dma_start3A_582 = tpu.memref_slice %arg11[%dma_start3A_577, %dma_start3A_581] : memref<4x128xi32, #tpu.memory_space<vmem>> -> memref<1x128xi32, #tpu.memory_space<vmem>>
        %dma_start3A_583 = tpu.memref_squeeze %dma_start3A_582 : memref<1x128xi32, #tpu.memory_space<vmem>> -> memref<128xi32, #tpu.memory_space<vmem>>
        %dma_start3A_584 = arith.constant 0 : i32
        %dma_start3A_585 = arith.constant 0 : i32
        %dma_start3A_586 = tpu.memref_slice %arg20[%dma_start3A_584, %dma_start3A_585] : memref<2x48xf32, #tpu.memory_space<vmem_shared>> -> memref<2x48xf32, #tpu.memory_space<vmem_shared>>
        tpu.enqueue_indirect_dma source(%dma_start3A_586 : memref<2x48xf32, #tpu.memory_space<vmem_shared>>) target(%dma_start3A_580 : memref<128x48xf32, #tpu.memory_space<vmem>>) offsets(%dma_start3A_583 : memref<128xi32, #tpu.memory_space<vmem>>) semaphore(%arg24 : memref<!tpu.dma_semaphore, #tpu.memory_space<semaphore_mem>>)
      } else {
      }
      %add3A_495 = arith.constant 1 : i32
      %add3A_496 = arith.addi %mul3A_110, %add3A_495 : i32
      %lt3A_497 = arith.constant 50 : i32
      %lt3A_498 = arith.cmpi slt, %add3A_496, %lt3A_497 : i32
      %convert_element_type3A_499 = arith.extui %lt3A_498 : i1 to i32
      %cond3A_500 = arith.constant 0 : i32
      %cond3A_501 = arith.cmpi ne, %convert_element_type3A_499, %cond3A_500 : i32
      scf.if %cond3A_501 {
        %add3A_502 = arith.constant 1 : i32
        %add3A_503 = arith.addi %mul3A_110, %add3A_502 : i32
        %get3A_504 = arith.constant 0 : i32
        %get3A_505 = arith.index_cast %get3A_504 : i32 to index
        %get3A_506 = arith.constant 0 : index
        %get3A_507 = tpu.vector_load %arg12[%get3A_505, %get3A_506] {strides = array<i32>} : memref<4x128xi32, #tpu.memory_space<vmem>>, vector<16xi32>,
        %broadcast_in_dim3A_508 = arith.constant 0 : i32
        %broadcast_in_dim3A_509 = vector.broadcast %broadcast_in_dim3A_508 : i32 to vector<16xi32>
        %add3A_510 = arith.addi %broadcast_in_dim3A_509, %iota3A : vector<16xi32>
        %gather3A_511 = tpu.vector_load_idx %arg19[%get3A_507, %broadcast_in_dim3A_9] : memref<2x64xf32, #tpu.memory_space<vmem>>[vector<16xi32>, vector<16xi32>], vector<16xf32>,
        %gather3A_512 = tpu.vector_load_idx %arg19[%get3A_507, %broadcast_in_dim3A_11] : memref<2x64xf32, #tpu.memory_space<vmem>>[vector<16xi32>, vector<16xi32>], vector<16xf32>,
        tpu.vector_store_idx %arg21[%add3A_510, %broadcast_in_dim3A_13], %gather3A_511 : memref<512x2xf32, #tpu.memory_space<vmem>>[vector<16xi32>, vector<16xi32>], vector<16xf32>,
        tpu.vector_store_idx %arg21[%add3A_510, %broadcast_in_dim3A_15], %gather3A_512 : memref<512x2xf32, #tpu.memory_space<vmem>>[vector<16xi32>, vector<16xi32>], vector<16xf32>,
        %get3A_513 = arith.constant 0 : i32
        %get3A_514 = arith.index_cast %get3A_513 : i32 to index
        %get3A_515 = arith.constant 16 : index
        %get3A_516 = tpu.vector_load %arg12[%get3A_514, %get3A_515] {strides = array<i32>} : memref<4x128xi32, #tpu.memory_space<vmem>>, vector<16xi32>,
        %broadcast_in_dim3A_517 = arith.constant 16 : i32
        %broadcast_in_dim3A_518 = vector.broadcast %broadcast_in_dim3A_517 : i32 to vector<16xi32>
        %add3A_519 = arith.addi %broadcast_in_dim3A_518, %iota3A : vector<16xi32>
        %gather3A_520 = tpu.vector_load_idx %arg19[%get3A_516, %broadcast_in_dim3A_9] : memref<2x64xf32, #tpu.memory_space<vmem>>[vector<16xi32>, vector<16xi32>], vector<16xf32>,
        %gather3A_521 = tpu.vector_load_idx %arg19[%get3A_516, %broadcast_in_dim3A_11] : memref<2x64xf32, #tpu.memory_space<vmem>>[vector<16xi32>, vector<16xi32>], vector<16xf32>,
        tpu.vector_store_idx %arg21[%add3A_519, %broadcast_in_dim3A_13], %gather3A_520 : memref<512x2xf32, #tpu.memory_space<vmem>>[vector<16xi32>, vector<16xi32>], vector<16xf32>,
        tpu.vector_store_idx %arg21[%add3A_519, %broadcast_in_dim3A_15], %gather3A_521 : memref<512x2xf32, #tpu.memory_space<vmem>>[vector<16xi32>, vector<16xi32>], vector<16xf32>,
        %get3A_522 = arith.constant 0 : i32
        %get3A_523 = arith.index_cast %get3A_522 : i32 to index
        %get3A_524 = arith.constant 32 : index
        %get3A_525 = tpu.vector_load %arg12[%get3A_523, %get3A_524] {strides = array<i32>} : memref<4x128xi32, #tpu.memory_space<vmem>>, vector<16xi32>,
        %broadcast_in_dim3A_526 = arith.constant 32 : i32
        %broadcast_in_dim3A_527 = vector.broadcast %broadcast_in_dim3A_526 : i32 to vector<16xi32>
        %add3A_528 = arith.addi %broadcast_in_dim3A_527, %iota3A : vector<16xi32>
        %gather3A_529 = tpu.vector_load_idx %arg19[%get3A_525, %broadcast_in_dim3A_9] : memref<2x64xf32, #tpu.memory_space<vmem>>[vector<16xi32>, vector<16xi32>], vector<16xf32>,
        %gather3A_530 = tpu.vector_load_idx %arg19[%get3A_525, %broadcast_in_dim3A_11] : memref<2x64xf32, #tpu.memory_space<vmem>>[vector<16xi32>, vector<16xi32>], vector<16xf32>,
        tpu.vector_store_idx %arg21[%add3A_528, %broadcast_in_dim3A_13], %gather3A_529 : memref<512x2xf32, #tpu.memory_space<vmem>>[vector<16xi32>, vector<16xi32>], vector<16xf32>,
        tpu.vector_store_idx %arg21[%add3A_528, %broadcast_in_dim3A_15], %gather3A_530 : memref<512x2xf32, #tpu.memory_space<vmem>>[vector<16xi32>, vector<16xi32>], vector<16xf32>,
        %get3A_531 = arith.constant 0 : i32
        %get3A_532 = arith.index_cast %get3A_531 : i32 to index
        %get3A_533 = arith.constant 48 : index
        %get3A_534 = tpu.vector_load %arg12[%get3A_532, %get3A_533] {strides = array<i32>} : memref<4x128xi32, #tpu.memory_space<vmem>>, vector<16xi32>,
        %broadcast_in_dim3A_535 = arith.constant 48 : i32
        %broadcast_in_dim3A_536 = vector.broadcast %broadcast_in_dim3A_535 : i32 to vector<16xi32>
        %add3A_537 = arith.addi %broadcast_in_dim3A_536, %iota3A : vector<16xi32>
        %gather3A_538 = tpu.vector_load_idx %arg19[%get3A_534, %broadcast_in_dim3A_9] : memref<2x64xf32, #tpu.memory_space<vmem>>[vector<16xi32>, vector<16xi32>], vector<16xf32>,
        %gather3A_539 = tpu.vector_load_idx %arg19[%get3A_534, %broadcast_in_dim3A_11] : memref<2x64xf32, #tpu.memory_space<vmem>>[vector<16xi32>, vector<16xi32>], vector<16xf32>,
        tpu.vector_store_idx %arg21[%add3A_537, %broadcast_in_dim3A_13], %gather3A_538 : memref<512x2xf32, #tpu.memory_space<vmem>>[vector<16xi32>, vector<16xi32>], vector<16xf32>,
        tpu.vector_store_idx %arg21[%add3A_537, %broadcast_in_dim3A_15], %gather3A_539 : memref<512x2xf32, #tpu.memory_space<vmem>>[vector<16xi32>, vector<16xi32>], vector<16xf32>,
        %get3A_540 = arith.constant 0 : i32
        %get3A_541 = arith.index_cast %get3A_540 : i32 to index
        %get3A_542 = arith.constant 64 : index
        %get3A_543 = tpu.vector_load %arg12[%get3A_541, %get3A_542] {strides = array<i32>} : memref<4x128xi32, #tpu.memory_space<vmem>>, vector<16xi32>,
        %broadcast_in_dim3A_544 = arith.constant 64 : i32
        %broadcast_in_dim3A_545 = vector.broadcast %broadcast_in_dim3A_544 : i32 to vector<16xi32>
        %add3A_546 = arith.addi %broadcast_in_dim3A_545, %iota3A : vector<16xi32>
        %gather3A_547 = tpu.vector_load_idx %arg19[%get3A_543, %broadcast_in_dim3A_9] : memref<2x64xf32, #tpu.memory_space<vmem>>[vector<16xi32>, vector<16xi32>], vector<16xf32>,
        %gather3A_548 = tpu.vector_load_idx %arg19[%get3A_543, %broadcast_in_dim3A_11] : memref<2x64xf32, #tpu.memory_space<vmem>>[vector<16xi32>, vector<16xi32>], vector<16xf32>,
        tpu.vector_store_idx %arg21[%add3A_546, %broadcast_in_dim3A_13], %gather3A_547 : memref<512x2xf32, #tpu.memory_space<vmem>>[vector<16xi32>, vector<16xi32>], vector<16xf32>,
        tpu.vector_store_idx %arg21[%add3A_546, %broadcast_in_dim3A_15], %gather3A_548 : memref<512x2xf32, #tpu.memory_space<vmem>>[vector<16xi32>, vector<16xi32>], vector<16xf32>,
        %get3A_549 = arith.constant 0 : i32
        %get3A_550 = arith.index_cast %get3A_549 : i32 to index
        %get3A_551 = arith.constant 80 : index
        %get3A_552 = tpu.vector_load %arg12[%get3A_550, %get3A_551] {strides = array<i32>} : memref<4x128xi32, #tpu.memory_space<vmem>>, vector<16xi32>,
        %broadcast_in_dim3A_553 = arith.constant 80 : i32
        %broadcast_in_dim3A_554 = vector.broadcast %broadcast_in_dim3A_553 : i32 to vector<16xi32>
        %add3A_555 = arith.addi %broadcast_in_dim3A_554, %iota3A : vector<16xi32>
        %gather3A_556 = tpu.vector_load_idx %arg19[%get3A_552, %broadcast_in_dim3A_9] : memref<2x64xf32, #tpu.memory_space<vmem>>[vector<16xi32>, vector<16xi32>], vector<16xf32>,
        %gather3A_557 = tpu.vector_load_idx %arg19[%get3A_552, %broadcast_in_dim3A_11] : memref<2x64xf32, #tpu.memory_space<vmem>>[vector<16xi32>, vector<16xi32>], vector<16xf32>,
        tpu.vector_store_idx %arg21[%add3A_555, %broadcast_in_dim3A_13], %gather3A_556 : memref<512x2xf32, #tpu.memory_space<vmem>>[vector<16xi32>, vector<16xi32>], vector<16xf32>,
        tpu.vector_store_idx %arg21[%add3A_555, %broadcast_in_dim3A_15], %gather3A_557 : memref<512x2xf32, #tpu.memory_space<vmem>>[vector<16xi32>, vector<16xi32>], vector<16xf32>,
        %get3A_558 = arith.constant 0 : i32
        %get3A_559 = arith.index_cast %get3A_558 : i32 to index
        %get3A_560 = arith.constant 96 : index
        %get3A_561 = tpu.vector_load %arg12[%get3A_559, %get3A_560] {strides = array<i32>} : memref<4x128xi32, #tpu.memory_space<vmem>>, vector<16xi32>,
        %broadcast_in_dim3A_562 = arith.constant 96 : i32
        %broadcast_in_dim3A_563 = vector.broadcast %broadcast_in_dim3A_562 : i32 to vector<16xi32>
        %add3A_564 = arith.addi %broadcast_in_dim3A_563, %iota3A : vector<16xi32>
        %gather3A_565 = tpu.vector_load_idx %arg19[%get3A_561, %broadcast_in_dim3A_9] : memref<2x64xf32, #tpu.memory_space<vmem>>[vector<16xi32>, vector<16xi32>], vector<16xf32>,
        %gather3A_566 = tpu.vector_load_idx %arg19[%get3A_561, %broadcast_in_dim3A_11] : memref<2x64xf32, #tpu.memory_space<vmem>>[vector<16xi32>, vector<16xi32>], vector<16xf32>,
        tpu.vector_store_idx %arg21[%add3A_564, %broadcast_in_dim3A_13], %gather3A_565 : memref<512x2xf32, #tpu.memory_space<vmem>>[vector<16xi32>, vector<16xi32>], vector<16xf32>,
        tpu.vector_store_idx %arg21[%add3A_564, %broadcast_in_dim3A_15], %gather3A_566 : memref<512x2xf32, #tpu.memory_space<vmem>>[vector<16xi32>, vector<16xi32>], vector<16xf32>,
        %get3A_567 = arith.constant 0 : i32
        %get3A_568 = arith.index_cast %get3A_567 : i32 to index
        %get3A_569 = arith.constant 112 : index
        %get3A_570 = tpu.vector_load %arg12[%get3A_568, %get3A_569] {strides = array<i32>} : memref<4x128xi32, #tpu.memory_space<vmem>>, vector<16xi32>,
        %broadcast_in_dim3A_571 = arith.constant 112 : i32
        %broadcast_in_dim3A_572 = vector.broadcast %broadcast_in_dim3A_571 : i32 to vector<16xi32>
        %add3A_573 = arith.addi %broadcast_in_dim3A_572, %iota3A : vector<16xi32>
        %gather3A_574 = tpu.vector_load_idx %arg19[%get3A_570, %broadcast_in_dim3A_9] : memref<2x64xf32, #tpu.memory_space<vmem>>[vector<16xi32>, vector<16xi32>], vector<16xf32>,
        %gather3A_575 = tpu.vector_load_idx %arg19[%get3A_570, %broadcast_in_dim3A_11] : memref<2x64xf32, #tpu.memory_space<vmem>>[vector<16xi32>, vector<16xi32>], vector<16xf32>,
        tpu.vector_store_idx %arg21[%add3A_573, %broadcast_in_dim3A_13], %gather3A_574 : memref<512x2xf32, #tpu.memory_space<vmem>>[vector<16xi32>, vector<16xi32>], vector<16xf32>,
        tpu.vector_store_idx %arg21[%add3A_573, %broadcast_in_dim3A_15], %gather3A_575 : memref<512x2xf32, #tpu.memory_space<vmem>>[vector<16xi32>, vector<16xi32>], vector<16xf32>,
        %get3A_576 = arith.constant 1 : i32
        %get3A_577 = arith.index_cast %get3A_576 : i32 to index
        %get3A_578 = arith.constant 0 : index
        %get3A_579 = tpu.vector_load %arg12[%get3A_577, %get3A_578] {strides = array<i32>} : memref<4x128xi32, #tpu.memory_space<vmem>>, vector<16xi32>,
        %broadcast_in_dim3A_580 = arith.constant 128 : i32
        %broadcast_in_dim3A_581 = vector.broadcast %broadcast_in_dim3A_580 : i32 to vector<16xi32>
        %add3A_582 = arith.addi %broadcast_in_dim3A_581, %iota3A : vector<16xi32>
        %gather3A_583 = tpu.vector_load_idx %arg19[%get3A_579, %broadcast_in_dim3A_9] : memref<2x64xf32, #tpu.memory_space<vmem>>[vector<16xi32>, vector<16xi32>], vector<16xf32>,
        %gather3A_584 = tpu.vector_load_idx %arg19[%get3A_579, %broadcast_in_dim3A_11] : memref<2x64xf32, #tpu.memory_space<vmem>>[vector<16xi32>, vector<16xi32>], vector<16xf32>,
        tpu.vector_store_idx %arg21[%add3A_582, %broadcast_in_dim3A_13], %gather3A_583 : memref<512x2xf32, #tpu.memory_space<vmem>>[vector<16xi32>, vector<16xi32>], vector<16xf32>,
        tpu.vector_store_idx %arg21[%add3A_582, %broadcast_in_dim3A_15], %gather3A_584 : memref<512x2xf32, #tpu.memory_space<vmem>>[vector<16xi32>, vector<16xi32>], vector<16xf32>,
        %get3A_585 = arith.constant 1 : i32
        %get3A_586 = arith.index_cast %get3A_585 : i32 to index
        %get3A_587 = arith.constant 16 : index
        %get3A_588 = tpu.vector_load %arg12[%get3A_586, %get3A_587] {strides = array<i32>} : memref<4x128xi32, #tpu.memory_space<vmem>>, vector<16xi32>,
        %broadcast_in_dim3A_589 = arith.constant 144 : i32
        %broadcast_in_dim3A_590 = vector.broadcast %broadcast_in_dim3A_589 : i32 to vector<16xi32>
        %add3A_591 = arith.addi %broadcast_in_dim3A_590, %iota3A : vector<16xi32>
        %gather3A_592 = tpu.vector_load_idx %arg19[%get3A_588, %broadcast_in_dim3A_9] : memref<2x64xf32, #tpu.memory_space<vmem>>[vector<16xi32>, vector<16xi32>], vector<16xf32>,
        %gather3A_593 = tpu.vector_load_idx %arg19[%get3A_588, %broadcast_in_dim3A_11] : memref<2x64xf32, #tpu.memory_space<vmem>>[vector<16xi32>, vector<16xi32>], vector<16xf32>,
        tpu.vector_store_idx %arg21[%add3A_591, %broadcast_in_dim3A_13], %gather3A_592 : memref<512x2xf32, #tpu.memory_space<vmem>>[vector<16xi32>, vector<16xi32>], vector<16xf32>,
        tpu.vector_store_idx %arg21[%add3A_591, %broadcast_in_dim3A_15], %gather3A_593 : memref<512x2xf32, #tpu.memory_space<vmem>>[vector<16xi32>, vector<16xi32>], vector<16xf32>,
        %get3A_594 = arith.constant 1 : i32
        %get3A_595 = arith.index_cast %get3A_594 : i32 to index
        %get3A_596 = arith.constant 32 : index
        %get3A_597 = tpu.vector_load %arg12[%get3A_595, %get3A_596] {strides = array<i32>} : memref<4x128xi32, #tpu.memory_space<vmem>>, vector<16xi32>,
        %broadcast_in_dim3A_598 = arith.constant 160 : i32
        %broadcast_in_dim3A_599 = vector.broadcast %broadcast_in_dim3A_598 : i32 to vector<16xi32>
        %add3A_600 = arith.addi %broadcast_in_dim3A_599, %iota3A : vector<16xi32>
        %gather3A_601 = tpu.vector_load_idx %arg19[%get3A_597, %broadcast_in_dim3A_9] : memref<2x64xf32, #tpu.memory_space<vmem>>[vector<16xi32>, vector<16xi32>], vector<16xf32>,
        %gather3A_602 = tpu.vector_load_idx %arg19[%get3A_597, %broadcast_in_dim3A_11] : memref<2x64xf32, #tpu.memory_space<vmem>>[vector<16xi32>, vector<16xi32>], vector<16xf32>,
        tpu.vector_store_idx %arg21[%add3A_600, %broadcast_in_dim3A_13], %gather3A_601 : memref<512x2xf32, #tpu.memory_space<vmem>>[vector<16xi32>, vector<16xi32>], vector<16xf32>,
        tpu.vector_store_idx %arg21[%add3A_600, %broadcast_in_dim3A_15], %gather3A_602 : memref<512x2xf32, #tpu.memory_space<vmem>>[vector<16xi32>, vector<16xi32>], vector<16xf32>,
        %get3A_603 = arith.constant 1 : i32
        %get3A_604 = arith.index_cast %get3A_603 : i32 to index
        %get3A_605 = arith.constant 48 : index
        %get3A_606 = tpu.vector_load %arg12[%get3A_604, %get3A_605] {strides = array<i32>} : memref<4x128xi32, #tpu.memory_space<vmem>>, vector<16xi32>,
        %broadcast_in_dim3A_607 = arith.constant 176 : i32
        %broadcast_in_dim3A_608 = vector.broadcast %broadcast_in_dim3A_607 : i32 to vector<16xi32>
        %add3A_609 = arith.addi %broadcast_in_dim3A_608, %iota3A : vector<16xi32>
        %gather3A_610 = tpu.vector_load_idx %arg19[%get3A_606, %broadcast_in_dim3A_9] : memref<2x64xf32, #tpu.memory_space<vmem>>[vector<16xi32>, vector<16xi32>], vector<16xf32>,
        %gather3A_611 = tpu.vector_load_idx %arg19[%get3A_606, %broadcast_in_dim3A_11] : memref<2x64xf32, #tpu.memory_space<vmem>>[vector<16xi32>, vector<16xi32>], vector<16xf32>,
        tpu.vector_store_idx %arg21[%add3A_609, %broadcast_in_dim3A_13], %gather3A_610 : memref<512x2xf32, #tpu.memory_space<vmem>>[vector<16xi32>, vector<16xi32>], vector<16xf32>,
        tpu.vector_store_idx %arg21[%add3A_609, %broadcast_in_dim3A_15], %gather3A_611 : memref<512x2xf32, #tpu.memory_space<vmem>>[vector<16xi32>, vector<16xi32>], vector<16xf32>,
        %get3A_612 = arith.constant 1 : i32
        %get3A_613 = arith.index_cast %get3A_612 : i32 to index
        %get3A_614 = arith.constant 64 : index
        %get3A_615 = tpu.vector_load %arg12[%get3A_613, %get3A_614] {strides = array<i32>} : memref<4x128xi32, #tpu.memory_space<vmem>>, vector<16xi32>,
        %broadcast_in_dim3A_616 = arith.constant 192 : i32
        %broadcast_in_dim3A_617 = vector.broadcast %broadcast_in_dim3A_616 : i32 to vector<16xi32>
        %add3A_618 = arith.addi %broadcast_in_dim3A_617, %iota3A : vector<16xi32>
        %gather3A_619 = tpu.vector_load_idx %arg19[%get3A_615, %broadcast_in_dim3A_9] : memref<2x64xf32, #tpu.memory_space<vmem>>[vector<16xi32>, vector<16xi32>], vector<16xf32>,
        %gather3A_620 = tpu.vector_load_idx %arg19[%get3A_615, %broadcast_in_dim3A_11] : memref<2x64xf32, #tpu.memory_space<vmem>>[vector<16xi32>, vector<16xi32>], vector<16xf32>,
        tpu.vector_store_idx %arg21[%add3A_618, %broadcast_in_dim3A_13], %gather3A_619 : memref<512x2xf32, #tpu.memory_space<vmem>>[vector<16xi32>, vector<16xi32>], vector<16xf32>,
        tpu.vector_store_idx %arg21[%add3A_618, %broadcast_in_dim3A_15], %gather3A_620 : memref<512x2xf32, #tpu.memory_space<vmem>>[vector<16xi32>, vector<16xi32>], vector<16xf32>,
        %get3A_621 = arith.constant 1 : i32
        %get3A_622 = arith.index_cast %get3A_621 : i32 to index
        %get3A_623 = arith.constant 80 : index
        %get3A_624 = tpu.vector_load %arg12[%get3A_622, %get3A_623] {strides = array<i32>} : memref<4x128xi32, #tpu.memory_space<vmem>>, vector<16xi32>,
        %broadcast_in_dim3A_625 = arith.constant 208 : i32
        %broadcast_in_dim3A_626 = vector.broadcast %broadcast_in_dim3A_625 : i32 to vector<16xi32>
        %add3A_627 = arith.addi %broadcast_in_dim3A_626, %iota3A : vector<16xi32>
        %gather3A_628 = tpu.vector_load_idx %arg19[%get3A_624, %broadcast_in_dim3A_9] : memref<2x64xf32, #tpu.memory_space<vmem>>[vector<16xi32>, vector<16xi32>], vector<16xf32>,
        %gather3A_629 = tpu.vector_load_idx %arg19[%get3A_624, %broadcast_in_dim3A_11] : memref<2x64xf32, #tpu.memory_space<vmem>>[vector<16xi32>, vector<16xi32>], vector<16xf32>,
        tpu.vector_store_idx %arg21[%add3A_627, %broadcast_in_dim3A_13], %gather3A_628 : memref<512x2xf32, #tpu.memory_space<vmem>>[vector<16xi32>, vector<16xi32>], vector<16xf32>,
        tpu.vector_store_idx %arg21[%add3A_627, %broadcast_in_dim3A_15], %gather3A_629 : memref<512x2xf32, #tpu.memory_space<vmem>>[vector<16xi32>, vector<16xi32>], vector<16xf32>,
        %get3A_630 = arith.constant 1 : i32
        %get3A_631 = arith.index_cast %get3A_630 : i32 to index
        %get3A_632 = arith.constant 96 : index
        %get3A_633 = tpu.vector_load %arg12[%get3A_631, %get3A_632] {strides = array<i32>} : memref<4x128xi32, #tpu.memory_space<vmem>>, vector<16xi32>,
        %broadcast_in_dim3A_634 = arith.constant 224 : i32
        %broadcast_in_dim3A_635 = vector.broadcast %broadcast_in_dim3A_634 : i32 to vector<16xi32>
        %add3A_636 = arith.addi %broadcast_in_dim3A_635, %iota3A : vector<16xi32>
        %gather3A_637 = tpu.vector_load_idx %arg19[%get3A_633, %broadcast_in_dim3A_9] : memref<2x64xf32, #tpu.memory_space<vmem>>[vector<16xi32>, vector<16xi32>], vector<16xf32>,
        %gather3A_638 = tpu.vector_load_idx %arg19[%get3A_633, %broadcast_in_dim3A_11] : memref<2x64xf32, #tpu.memory_space<vmem>>[vector<16xi32>, vector<16xi32>], vector<16xf32>,
        tpu.vector_store_idx %arg21[%add3A_636, %broadcast_in_dim3A_13], %gather3A_637 : memref<512x2xf32, #tpu.memory_space<vmem>>[vector<16xi32>, vector<16xi32>], vector<16xf32>,
        tpu.vector_store_idx %arg21[%add3A_636, %broadcast_in_dim3A_15], %gather3A_638 : memref<512x2xf32, #tpu.memory_space<vmem>>[vector<16xi32>, vector<16xi32>], vector<16xf32>,
        %get3A_639 = arith.constant 1 : i32
        %get3A_640 = arith.index_cast %get3A_639 : i32 to index
        %get3A_641 = arith.constant 112 : index
        %get3A_642 = tpu.vector_load %arg12[%get3A_640, %get3A_641] {strides = array<i32>} : memref<4x128xi32, #tpu.memory_space<vmem>>, vector<16xi32>,
        %broadcast_in_dim3A_643 = arith.constant 240 : i32
        %broadcast_in_dim3A_644 = vector.broadcast %broadcast_in_dim3A_643 : i32 to vector<16xi32>
        %add3A_645 = arith.addi %broadcast_in_dim3A_644, %iota3A : vector<16xi32>
        %gather3A_646 = tpu.vector_load_idx %arg19[%get3A_642, %broadcast_in_dim3A_9] : memref<2x64xf32, #tpu.memory_space<vmem>>[vector<16xi32>, vector<16xi32>], vector<16xf32>,
        %gather3A_647 = tpu.vector_load_idx %arg19[%get3A_642, %broadcast_in_dim3A_11] : memref<2x64xf32, #tpu.memory_space<vmem>>[vector<16xi32>, vector<16xi32>], vector<16xf32>,
        tpu.vector_store_idx %arg21[%add3A_645, %broadcast_in_dim3A_13], %gather3A_646 : memref<512x2xf32, #tpu.memory_space<vmem>>[vector<16xi32>, vector<16xi32>], vector<16xf32>,
        tpu.vector_store_idx %arg21[%add3A_645, %broadcast_in_dim3A_15], %gather3A_647 : memref<512x2xf32, #tpu.memory_space<vmem>>[vector<16xi32>, vector<16xi32>], vector<16xf32>,
        %get3A_648 = arith.constant 2 : i32
        %get3A_649 = arith.index_cast %get3A_648 : i32 to index
        %get3A_650 = arith.constant 0 : index
        %get3A_651 = tpu.vector_load %arg12[%get3A_649, %get3A_650] {strides = array<i32>} : memref<4x128xi32, #tpu.memory_space<vmem>>, vector<16xi32>,
        %broadcast_in_dim3A_652 = arith.constant 256 : i32
        %broadcast_in_dim3A_653 = vector.broadcast %broadcast_in_dim3A_652 : i32 to vector<16xi32>
        %add3A_654 = arith.addi %broadcast_in_dim3A_653, %iota3A : vector<16xi32>
        %gather3A_655 = tpu.vector_load_idx %arg19[%get3A_651, %broadcast_in_dim3A_9] : memref<2x64xf32, #tpu.memory_space<vmem>>[vector<16xi32>, vector<16xi32>], vector<16xf32>,
        %gather3A_656 = tpu.vector_load_idx %arg19[%get3A_651, %broadcast_in_dim3A_11] : memref<2x64xf32, #tpu.memory_space<vmem>>[vector<16xi32>, vector<16xi32>], vector<16xf32>,
        tpu.vector_store_idx %arg21[%add3A_654, %broadcast_in_dim3A_13], %gather3A_655 : memref<512x2xf32, #tpu.memory_space<vmem>>[vector<16xi32>, vector<16xi32>], vector<16xf32>,
        tpu.vector_store_idx %arg21[%add3A_654, %broadcast_in_dim3A_15], %gather3A_656 : memref<512x2xf32, #tpu.memory_space<vmem>>[vector<16xi32>, vector<16xi32>], vector<16xf32>,
        %get3A_657 = arith.constant 2 : i32
        %get3A_658 = arith.index_cast %get3A_657 : i32 to index
        %get3A_659 = arith.constant 16 : index
        %get3A_660 = tpu.vector_load %arg12[%get3A_658, %get3A_659] {strides = array<i32>} : memref<4x128xi32, #tpu.memory_space<vmem>>, vector<16xi32>,
        %broadcast_in_dim3A_661 = arith.constant 272 : i32
        %broadcast_in_dim3A_662 = vector.broadcast %broadcast_in_dim3A_661 : i32 to vector<16xi32>
        %add3A_663 = arith.addi %broadcast_in_dim3A_662, %iota3A : vector<16xi32>
        %gather3A_664 = tpu.vector_load_idx %arg19[%get3A_660, %broadcast_in_dim3A_9] : memref<2x64xf32, #tpu.memory_space<vmem>>[vector<16xi32>, vector<16xi32>], vector<16xf32>,
        %gather3A_665 = tpu.vector_load_idx %arg19[%get3A_660, %broadcast_in_dim3A_11] : memref<2x64xf32, #tpu.memory_space<vmem>>[vector<16xi32>, vector<16xi32>], vector<16xf32>,
        tpu.vector_store_idx %arg21[%add3A_663, %broadcast_in_dim3A_13], %gather3A_664 : memref<512x2xf32, #tpu.memory_space<vmem>>[vector<16xi32>, vector<16xi32>], vector<16xf32>,
        tpu.vector_store_idx %arg21[%add3A_663, %broadcast_in_dim3A_15], %gather3A_665 : memref<512x2xf32, #tpu.memory_space<vmem>>[vector<16xi32>, vector<16xi32>], vector<16xf32>,
        %get3A_666 = arith.constant 2 : i32
        %get3A_667 = arith.index_cast %get3A_666 : i32 to index
        %get3A_668 = arith.constant 32 : index
        %get3A_669 = tpu.vector_load %arg12[%get3A_667, %get3A_668] {strides = array<i32>} : memref<4x128xi32, #tpu.memory_space<vmem>>, vector<16xi32>,
        %broadcast_in_dim3A_670 = arith.constant 288 : i32
        %broadcast_in_dim3A_671 = vector.broadcast %broadcast_in_dim3A_670 : i32 to vector<16xi32>
        %add3A_672 = arith.addi %broadcast_in_dim3A_671, %iota3A : vector<16xi32>
        %gather3A_673 = tpu.vector_load_idx %arg19[%get3A_669, %broadcast_in_dim3A_9] : memref<2x64xf32, #tpu.memory_space<vmem>>[vector<16xi32>, vector<16xi32>], vector<16xf32>,
        %gather3A_674 = tpu.vector_load_idx %arg19[%get3A_669, %broadcast_in_dim3A_11] : memref<2x64xf32, #tpu.memory_space<vmem>>[vector<16xi32>, vector<16xi32>], vector<16xf32>,
        tpu.vector_store_idx %arg21[%add3A_672, %broadcast_in_dim3A_13], %gather3A_673 : memref<512x2xf32, #tpu.memory_space<vmem>>[vector<16xi32>, vector<16xi32>], vector<16xf32>,
        tpu.vector_store_idx %arg21[%add3A_672, %broadcast_in_dim3A_15], %gather3A_674 : memref<512x2xf32, #tpu.memory_space<vmem>>[vector<16xi32>, vector<16xi32>], vector<16xf32>,
        %get3A_675 = arith.constant 2 : i32
        %get3A_676 = arith.index_cast %get3A_675 : i32 to index
        %get3A_677 = arith.constant 48 : index
        %get3A_678 = tpu.vector_load %arg12[%get3A_676, %get3A_677] {strides = array<i32>} : memref<4x128xi32, #tpu.memory_space<vmem>>, vector<16xi32>,
        %broadcast_in_dim3A_679 = arith.constant 304 : i32
        %broadcast_in_dim3A_680 = vector.broadcast %broadcast_in_dim3A_679 : i32 to vector<16xi32>
        %add3A_681 = arith.addi %broadcast_in_dim3A_680, %iota3A : vector<16xi32>
        %gather3A_682 = tpu.vector_load_idx %arg19[%get3A_678, %broadcast_in_dim3A_9] : memref<2x64xf32, #tpu.memory_space<vmem>>[vector<16xi32>, vector<16xi32>], vector<16xf32>,
        %gather3A_683 = tpu.vector_load_idx %arg19[%get3A_678, %broadcast_in_dim3A_11] : memref<2x64xf32, #tpu.memory_space<vmem>>[vector<16xi32>, vector<16xi32>], vector<16xf32>,
        tpu.vector_store_idx %arg21[%add3A_681, %broadcast_in_dim3A_13], %gather3A_682 : memref<512x2xf32, #tpu.memory_space<vmem>>[vector<16xi32>, vector<16xi32>], vector<16xf32>,
        tpu.vector_store_idx %arg21[%add3A_681, %broadcast_in_dim3A_15], %gather3A_683 : memref<512x2xf32, #tpu.memory_space<vmem>>[vector<16xi32>, vector<16xi32>], vector<16xf32>,
        %get3A_684 = arith.constant 2 : i32
        %get3A_685 = arith.index_cast %get3A_684 : i32 to index
        %get3A_686 = arith.constant 64 : index
        %get3A_687 = tpu.vector_load %arg12[%get3A_685, %get3A_686] {strides = array<i32>} : memref<4x128xi32, #tpu.memory_space<vmem>>, vector<16xi32>,
        %broadcast_in_dim3A_688 = arith.constant 320 : i32
        %broadcast_in_dim3A_689 = vector.broadcast %broadcast_in_dim3A_688 : i32 to vector<16xi32>
        %add3A_690 = arith.addi %broadcast_in_dim3A_689, %iota3A : vector<16xi32>
        %gather3A_691 = tpu.vector_load_idx %arg19[%get3A_687, %broadcast_in_dim3A_9] : memref<2x64xf32, #tpu.memory_space<vmem>>[vector<16xi32>, vector<16xi32>], vector<16xf32>,
        %gather3A_692 = tpu.vector_load_idx %arg19[%get3A_687, %broadcast_in_dim3A_11] : memref<2x64xf32, #tpu.memory_space<vmem>>[vector<16xi32>, vector<16xi32>], vector<16xf32>,
        tpu.vector_store_idx %arg21[%add3A_690, %broadcast_in_dim3A_13], %gather3A_691 : memref<512x2xf32, #tpu.memory_space<vmem>>[vector<16xi32>, vector<16xi32>], vector<16xf32>,
        tpu.vector_store_idx %arg21[%add3A_690, %broadcast_in_dim3A_15], %gather3A_692 : memref<512x2xf32, #tpu.memory_space<vmem>>[vector<16xi32>, vector<16xi32>], vector<16xf32>,
        %get3A_693 = arith.constant 2 : i32
        %get3A_694 = arith.index_cast %get3A_693 : i32 to index
        %get3A_695 = arith.constant 80 : index
        %get3A_696 = tpu.vector_load %arg12[%get3A_694, %get3A_695] {strides = array<i32>} : memref<4x128xi32, #tpu.memory_space<vmem>>, vector<16xi32>,
        %broadcast_in_dim3A_697 = arith.constant 336 : i32
        %broadcast_in_dim3A_698 = vector.broadcast %broadcast_in_dim3A_697 : i32 to vector<16xi32>
        %add3A_699 = arith.addi %broadcast_in_dim3A_698, %iota3A : vector<16xi32>
        %gather3A_700 = tpu.vector_load_idx %arg19[%get3A_696, %broadcast_in_dim3A_9] : memref<2x64xf32, #tpu.memory_space<vmem>>[vector<16xi32>, vector<16xi32>], vector<16xf32>,
        %gather3A_701 = tpu.vector_load_idx %arg19[%get3A_696, %broadcast_in_dim3A_11] : memref<2x64xf32, #tpu.memory_space<vmem>>[vector<16xi32>, vector<16xi32>], vector<16xf32>,
        tpu.vector_store_idx %arg21[%add3A_699, %broadcast_in_dim3A_13], %gather3A_700 : memref<512x2xf32, #tpu.memory_space<vmem>>[vector<16xi32>, vector<16xi32>], vector<16xf32>,
        tpu.vector_store_idx %arg21[%add3A_699, %broadcast_in_dim3A_15], %gather3A_701 : memref<512x2xf32, #tpu.memory_space<vmem>>[vector<16xi32>, vector<16xi32>], vector<16xf32>,
        %get3A_702 = arith.constant 2 : i32
        %get3A_703 = arith.index_cast %get3A_702 : i32 to index
        %get3A_704 = arith.constant 96 : index
        %get3A_705 = tpu.vector_load %arg12[%get3A_703, %get3A_704] {strides = array<i32>} : memref<4x128xi32, #tpu.memory_space<vmem>>, vector<16xi32>,
        %broadcast_in_dim3A_706 = arith.constant 352 : i32
        %broadcast_in_dim3A_707 = vector.broadcast %broadcast_in_dim3A_706 : i32 to vector<16xi32>
        %add3A_708 = arith.addi %broadcast_in_dim3A_707, %iota3A : vector<16xi32>
        %gather3A_709 = tpu.vector_load_idx %arg19[%get3A_705, %broadcast_in_dim3A_9] : memref<2x64xf32, #tpu.memory_space<vmem>>[vector<16xi32>, vector<16xi32>], vector<16xf32>,
        %gather3A_710 = tpu.vector_load_idx %arg19[%get3A_705, %broadcast_in_dim3A_11] : memref<2x64xf32, #tpu.memory_space<vmem>>[vector<16xi32>, vector<16xi32>], vector<16xf32>,
        tpu.vector_store_idx %arg21[%add3A_708, %broadcast_in_dim3A_13], %gather3A_709 : memref<512x2xf32, #tpu.memory_space<vmem>>[vector<16xi32>, vector<16xi32>], vector<16xf32>,
        tpu.vector_store_idx %arg21[%add3A_708, %broadcast_in_dim3A_15], %gather3A_710 : memref<512x2xf32, #tpu.memory_space<vmem>>[vector<16xi32>, vector<16xi32>], vector<16xf32>,
        %get3A_711 = arith.constant 2 : i32
        %get3A_712 = arith.index_cast %get3A_711 : i32 to index
        %get3A_713 = arith.constant 112 : index
        %get3A_714 = tpu.vector_load %arg12[%get3A_712, %get3A_713] {strides = array<i32>} : memref<4x128xi32, #tpu.memory_space<vmem>>, vector<16xi32>,
        %broadcast_in_dim3A_715 = arith.constant 368 : i32
        %broadcast_in_dim3A_716 = vector.broadcast %broadcast_in_dim3A_715 : i32 to vector<16xi32>
        %add3A_717 = arith.addi %broadcast_in_dim3A_716, %iota3A : vector<16xi32>
        %gather3A_718 = tpu.vector_load_idx %arg19[%get3A_714, %broadcast_in_dim3A_9] : memref<2x64xf32, #tpu.memory_space<vmem>>[vector<16xi32>, vector<16xi32>], vector<16xf32>,
        %gather3A_719 = tpu.vector_load_idx %arg19[%get3A_714, %broadcast_in_dim3A_11] : memref<2x64xf32, #tpu.memory_space<vmem>>[vector<16xi32>, vector<16xi32>], vector<16xf32>,
        tpu.vector_store_idx %arg21[%add3A_717, %broadcast_in_dim3A_13], %gather3A_718 : memref<512x2xf32, #tpu.memory_space<vmem>>[vector<16xi32>, vector<16xi32>], vector<16xf32>,
        tpu.vector_store_idx %arg21[%add3A_717, %broadcast_in_dim3A_15], %gather3A_719 : memref<512x2xf32, #tpu.memory_space<vmem>>[vector<16xi32>, vector<16xi32>], vector<16xf32>,
        %get3A_720 = arith.constant 3 : i32
        %get3A_721 = arith.index_cast %get3A_720 : i32 to index
        %get3A_722 = arith.constant 0 : index
        %get3A_723 = tpu.vector_load %arg12[%get3A_721, %get3A_722] {strides = array<i32>} : memref<4x128xi32, #tpu.memory_space<vmem>>, vector<16xi32>,
        %broadcast_in_dim3A_724 = arith.constant 384 : i32
        %broadcast_in_dim3A_725 = vector.broadcast %broadcast_in_dim3A_724 : i32 to vector<16xi32>
        %add3A_726 = arith.addi %broadcast_in_dim3A_725, %iota3A : vector<16xi32>
        %gather3A_727 = tpu.vector_load_idx %arg19[%get3A_723, %broadcast_in_dim3A_9] : memref<2x64xf32, #tpu.memory_space<vmem>>[vector<16xi32>, vector<16xi32>], vector<16xf32>,
        %gather3A_728 = tpu.vector_load_idx %arg19[%get3A_723, %broadcast_in_dim3A_11] : memref<2x64xf32, #tpu.memory_space<vmem>>[vector<16xi32>, vector<16xi32>], vector<16xf32>,
        tpu.vector_store_idx %arg21[%add3A_726, %broadcast_in_dim3A_13], %gather3A_727 : memref<512x2xf32, #tpu.memory_space<vmem>>[vector<16xi32>, vector<16xi32>], vector<16xf32>,
        tpu.vector_store_idx %arg21[%add3A_726, %broadcast_in_dim3A_15], %gather3A_728 : memref<512x2xf32, #tpu.memory_space<vmem>>[vector<16xi32>, vector<16xi32>], vector<16xf32>,
        %get3A_729 = arith.constant 3 : i32
        %get3A_730 = arith.index_cast %get3A_729 : i32 to index
        %get3A_731 = arith.constant 16 : index
        %get3A_732 = tpu.vector_load %arg12[%get3A_730, %get3A_731] {strides = array<i32>} : memref<4x128xi32, #tpu.memory_space<vmem>>, vector<16xi32>,
        %broadcast_in_dim3A_733 = arith.constant 400 : i32
        %broadcast_in_dim3A_734 = vector.broadcast %broadcast_in_dim3A_733 : i32 to vector<16xi32>
        %add3A_735 = arith.addi %broadcast_in_dim3A_734, %iota3A : vector<16xi32>
        %gather3A_736 = tpu.vector_load_idx %arg19[%get3A_732, %broadcast_in_dim3A_9] : memref<2x64xf32, #tpu.memory_space<vmem>>[vector<16xi32>, vector<16xi32>], vector<16xf32>,
        %gather3A_737 = tpu.vector_load_idx %arg19[%get3A_732, %broadcast_in_dim3A_11] : memref<2x64xf32, #tpu.memory_space<vmem>>[vector<16xi32>, vector<16xi32>], vector<16xf32>,
        tpu.vector_store_idx %arg21[%add3A_735, %broadcast_in_dim3A_13], %gather3A_736 : memref<512x2xf32, #tpu.memory_space<vmem>>[vector<16xi32>, vector<16xi32>], vector<16xf32>,
        tpu.vector_store_idx %arg21[%add3A_735, %broadcast_in_dim3A_15], %gather3A_737 : memref<512x2xf32, #tpu.memory_space<vmem>>[vector<16xi32>, vector<16xi32>], vector<16xf32>,
        %get3A_738 = arith.constant 3 : i32
        %get3A_739 = arith.index_cast %get3A_738 : i32 to index
        %get3A_740 = arith.constant 32 : index
        %get3A_741 = tpu.vector_load %arg12[%get3A_739, %get3A_740] {strides = array<i32>} : memref<4x128xi32, #tpu.memory_space<vmem>>, vector<16xi32>,
        %broadcast_in_dim3A_742 = arith.constant 416 : i32
        %broadcast_in_dim3A_743 = vector.broadcast %broadcast_in_dim3A_742 : i32 to vector<16xi32>
        %add3A_744 = arith.addi %broadcast_in_dim3A_743, %iota3A : vector<16xi32>
        %gather3A_745 = tpu.vector_load_idx %arg19[%get3A_741, %broadcast_in_dim3A_9] : memref<2x64xf32, #tpu.memory_space<vmem>>[vector<16xi32>, vector<16xi32>], vector<16xf32>,
        %gather3A_746 = tpu.vector_load_idx %arg19[%get3A_741, %broadcast_in_dim3A_11] : memref<2x64xf32, #tpu.memory_space<vmem>>[vector<16xi32>, vector<16xi32>], vector<16xf32>,
        tpu.vector_store_idx %arg21[%add3A_744, %broadcast_in_dim3A_13], %gather3A_745 : memref<512x2xf32, #tpu.memory_space<vmem>>[vector<16xi32>, vector<16xi32>], vector<16xf32>,
        tpu.vector_store_idx %arg21[%add3A_744, %broadcast_in_dim3A_15], %gather3A_746 : memref<512x2xf32, #tpu.memory_space<vmem>>[vector<16xi32>, vector<16xi32>], vector<16xf32>,
        %get3A_747 = arith.constant 3 : i32
        %get3A_748 = arith.index_cast %get3A_747 : i32 to index
        %get3A_749 = arith.constant 48 : index
        %get3A_750 = tpu.vector_load %arg12[%get3A_748, %get3A_749] {strides = array<i32>} : memref<4x128xi32, #tpu.memory_space<vmem>>, vector<16xi32>,
        %broadcast_in_dim3A_751 = arith.constant 432 : i32
        %broadcast_in_dim3A_752 = vector.broadcast %broadcast_in_dim3A_751 : i32 to vector<16xi32>
        %add3A_753 = arith.addi %broadcast_in_dim3A_752, %iota3A : vector<16xi32>
        %gather3A_754 = tpu.vector_load_idx %arg19[%get3A_750, %broadcast_in_dim3A_9] : memref<2x64xf32, #tpu.memory_space<vmem>>[vector<16xi32>, vector<16xi32>], vector<16xf32>,
        %gather3A_755 = tpu.vector_load_idx %arg19[%get3A_750, %broadcast_in_dim3A_11] : memref<2x64xf32, #tpu.memory_space<vmem>>[vector<16xi32>, vector<16xi32>], vector<16xf32>,
        tpu.vector_store_idx %arg21[%add3A_753, %broadcast_in_dim3A_13], %gather3A_754 : memref<512x2xf32, #tpu.memory_space<vmem>>[vector<16xi32>, vector<16xi32>], vector<16xf32>,
        tpu.vector_store_idx %arg21[%add3A_753, %broadcast_in_dim3A_15], %gather3A_755 : memref<512x2xf32, #tpu.memory_space<vmem>>[vector<16xi32>, vector<16xi32>], vector<16xf32>,
        %get3A_756 = arith.constant 3 : i32
        %get3A_757 = arith.index_cast %get3A_756 : i32 to index
        %get3A_758 = arith.constant 64 : index
        %get3A_759 = tpu.vector_load %arg12[%get3A_757, %get3A_758] {strides = array<i32>} : memref<4x128xi32, #tpu.memory_space<vmem>>, vector<16xi32>,
        %broadcast_in_dim3A_760 = arith.constant 448 : i32
        %broadcast_in_dim3A_761 = vector.broadcast %broadcast_in_dim3A_760 : i32 to vector<16xi32>
        %add3A_762 = arith.addi %broadcast_in_dim3A_761, %iota3A : vector<16xi32>
        %gather3A_763 = tpu.vector_load_idx %arg19[%get3A_759, %broadcast_in_dim3A_9] : memref<2x64xf32, #tpu.memory_space<vmem>>[vector<16xi32>, vector<16xi32>], vector<16xf32>,
        %gather3A_764 = tpu.vector_load_idx %arg19[%get3A_759, %broadcast_in_dim3A_11] : memref<2x64xf32, #tpu.memory_space<vmem>>[vector<16xi32>, vector<16xi32>], vector<16xf32>,
        tpu.vector_store_idx %arg21[%add3A_762, %broadcast_in_dim3A_13], %gather3A_763 : memref<512x2xf32, #tpu.memory_space<vmem>>[vector<16xi32>, vector<16xi32>], vector<16xf32>,
        tpu.vector_store_idx %arg21[%add3A_762, %broadcast_in_dim3A_15], %gather3A_764 : memref<512x2xf32, #tpu.memory_space<vmem>>[vector<16xi32>, vector<16xi32>], vector<16xf32>,
        %get3A_765 = arith.constant 3 : i32
        %get3A_766 = arith.index_cast %get3A_765 : i32 to index
        %get3A_767 = arith.constant 80 : index
        %get3A_768 = tpu.vector_load %arg12[%get3A_766, %get3A_767] {strides = array<i32>} : memref<4x128xi32, #tpu.memory_space<vmem>>, vector<16xi32>,
        %broadcast_in_dim3A_769 = arith.constant 464 : i32
        %broadcast_in_dim3A_770 = vector.broadcast %broadcast_in_dim3A_769 : i32 to vector<16xi32>
        %add3A_771 = arith.addi %broadcast_in_dim3A_770, %iota3A : vector<16xi32>
        %gather3A_772 = tpu.vector_load_idx %arg19[%get3A_768, %broadcast_in_dim3A_9] : memref<2x64xf32, #tpu.memory_space<vmem>>[vector<16xi32>, vector<16xi32>], vector<16xf32>,
        %gather3A_773 = tpu.vector_load_idx %arg19[%get3A_768, %broadcast_in_dim3A_11] : memref<2x64xf32, #tpu.memory_space<vmem>>[vector<16xi32>, vector<16xi32>], vector<16xf32>,
        tpu.vector_store_idx %arg21[%add3A_771, %broadcast_in_dim3A_13], %gather3A_772 : memref<512x2xf32, #tpu.memory_space<vmem>>[vector<16xi32>, vector<16xi32>], vector<16xf32>,
        tpu.vector_store_idx %arg21[%add3A_771, %broadcast_in_dim3A_15], %gather3A_773 : memref<512x2xf32, #tpu.memory_space<vmem>>[vector<16xi32>, vector<16xi32>], vector<16xf32>,
        %get3A_774 = arith.constant 3 : i32
        %get3A_775 = arith.index_cast %get3A_774 : i32 to index
        %get3A_776 = arith.constant 96 : index
        %get3A_777 = tpu.vector_load %arg12[%get3A_775, %get3A_776] {strides = array<i32>} : memref<4x128xi32, #tpu.memory_space<vmem>>, vector<16xi32>,
        %broadcast_in_dim3A_778 = arith.constant 480 : i32
        %broadcast_in_dim3A_779 = vector.broadcast %broadcast_in_dim3A_778 : i32 to vector<16xi32>
        %add3A_780 = arith.addi %broadcast_in_dim3A_779, %iota3A : vector<16xi32>
        %gather3A_781 = tpu.vector_load_idx %arg19[%get3A_777, %broadcast_in_dim3A_9] : memref<2x64xf32, #tpu.memory_space<vmem>>[vector<16xi32>, vector<16xi32>], vector<16xf32>,
        %gather3A_782 = tpu.vector_load_idx %arg19[%get3A_777, %broadcast_in_dim3A_11] : memref<2x64xf32, #tpu.memory_space<vmem>>[vector<16xi32>, vector<16xi32>], vector<16xf32>,
        tpu.vector_store_idx %arg21[%add3A_780, %broadcast_in_dim3A_13], %gather3A_781 : memref<512x2xf32, #tpu.memory_space<vmem>>[vector<16xi32>, vector<16xi32>], vector<16xf32>,
        tpu.vector_store_idx %arg21[%add3A_780, %broadcast_in_dim3A_15], %gather3A_782 : memref<512x2xf32, #tpu.memory_space<vmem>>[vector<16xi32>, vector<16xi32>], vector<16xf32>,
        %get3A_783 = arith.constant 3 : i32
        %get3A_784 = arith.index_cast %get3A_783 : i32 to index
        %get3A_785 = arith.constant 112 : index
        %get3A_786 = tpu.vector_load %arg12[%get3A_784, %get3A_785] {strides = array<i32>} : memref<4x128xi32, #tpu.memory_space<vmem>>, vector<16xi32>,
        %broadcast_in_dim3A_787 = arith.constant 496 : i32
        %broadcast_in_dim3A_788 = vector.broadcast %broadcast_in_dim3A_787 : i32 to vector<16xi32>
        %add3A_789 = arith.addi %broadcast_in_dim3A_788, %iota3A : vector<16xi32>
        %gather3A_790 = tpu.vector_load_idx %arg19[%get3A_786, %broadcast_in_dim3A_9] : memref<2x64xf32, #tpu.memory_space<vmem>>[vector<16xi32>, vector<16xi32>], vector<16xf32>,
        %gather3A_791 = tpu.vector_load_idx %arg19[%get3A_786, %broadcast_in_dim3A_11] : memref<2x64xf32, #tpu.memory_space<vmem>>[vector<16xi32>, vector<16xi32>], vector<16xf32>,
        tpu.vector_store_idx %arg21[%add3A_789, %broadcast_in_dim3A_13], %gather3A_790 : memref<512x2xf32, #tpu.memory_space<vmem>>[vector<16xi32>, vector<16xi32>], vector<16xf32>,
        tpu.vector_store_idx %arg21[%add3A_789, %broadcast_in_dim3A_15], %gather3A_791 : memref<512x2xf32, #tpu.memory_space<vmem>>[vector<16xi32>, vector<16xi32>], vector<16xf32>,
        %dma_wait3A_792 = arith.constant 0 : i32
        %dma_wait3A_793 = arith.constant 0 : i32
        %dma_wait3A_794 = arith.constant 0 : i32
        %dma_wait3A_795 = tpu.memref_slice %arg15[%dma_wait3A_793, %dma_wait3A_794] : memref<512x64xf32, #tpu.memory_space<vmem>> -> memref<128x64xf32, #tpu.memory_space<vmem>>
        %dma_wait3A_796 = arith.constant 0 : i32
        %dma_wait3A_797 = tpu.memref_slice %arg10[%dma_wait3A_792, %dma_wait3A_796] : memref<4x128xi32, #tpu.memory_space<vmem>> -> memref<1x128xi32, #tpu.memory_space<vmem>>
        %dma_wait3A_798 = tpu.memref_squeeze %dma_wait3A_797 : memref<1x128xi32, #tpu.memory_space<vmem>> -> memref<128xi32, #tpu.memory_space<vmem>>
        %dma_wait3A_799 = arith.constant 0 : i32
        %dma_wait3A_800 = arith.constant 0 : i32
        %dma_wait3A_801 = tpu.memref_slice %arg5[%dma_wait3A_799, %dma_wait3A_800] : memref<1000000x64xf32, #tpu.memory_space<hbm>> -> memref<1000000x64xf32, #tpu.memory_space<hbm>>
        tpu.wait_indirect_dma semaphore(%arg23 : memref<!tpu.dma_semaphore, #tpu.memory_space<semaphore_mem>>) src(%dma_wait3A_801 : memref<1000000x64xf32, #tpu.memory_space<hbm>>) dst(%dma_wait3A_795 : memref<128x64xf32, #tpu.memory_space<vmem>>)
        %dma_wait3A_802 = arith.constant 0 : i32
        %dma_wait3A_803 = arith.constant 0 : i32
        %dma_wait3A_804 = arith.constant 0 : i32
        %dma_wait3A_805 = tpu.memref_slice %arg17[%dma_wait3A_803, %dma_wait3A_804] : memref<512x48xf32, #tpu.memory_space<vmem>> -> memref<128x48xf32, #tpu.memory_space<vmem>>
        %dma_wait3A_806 = arith.constant 0 : i32
        %dma_wait3A_807 = tpu.memref_slice %arg12[%dma_wait3A_802, %dma_wait3A_806] : memref<4x128xi32, #tpu.memory_space<vmem>> -> memref<1x128xi32, #tpu.memory_space<vmem>>
        %dma_wait3A_808 = tpu.memref_squeeze %dma_wait3A_807 : memref<1x128xi32, #tpu.memory_space<vmem>> -> memref<128xi32, #tpu.memory_space<vmem>>
        %dma_wait3A_809 = arith.constant 0 : i32
        %dma_wait3A_810 = arith.constant 0 : i32
        %dma_wait3A_811 = tpu.memref_slice %arg20[%dma_wait3A_809, %dma_wait3A_810] : memref<2x48xf32, #tpu.memory_space<vmem_shared>> -> memref<2x48xf32, #tpu.memory_space<vmem_shared>>
        tpu.wait_indirect_dma semaphore(%arg25 : memref<!tpu.dma_semaphore, #tpu.memory_space<semaphore_mem>>) src(%dma_wait3A_811 : memref<2x48xf32, #tpu.memory_space<vmem_shared>>) dst(%dma_wait3A_805 : memref<128x48xf32, #tpu.memory_space<vmem>>)
        %dma_wait3A_812 = arith.constant 1 : i32
        %dma_wait3A_813 = arith.constant 128 : i32
        %dma_wait3A_814 = arith.constant 0 : i32
        %dma_wait3A_815 = tpu.memref_slice %arg15[%dma_wait3A_813, %dma_wait3A_814] : memref<512x64xf32, #tpu.memory_space<vmem>> -> memref<128x64xf32, #tpu.memory_space<vmem>>
        %dma_wait3A_816 = arith.constant 0 : i32
        %dma_wait3A_817 = tpu.memref_slice %arg10[%dma_wait3A_812, %dma_wait3A_816] : memref<4x128xi32, #tpu.memory_space<vmem>> -> memref<1x128xi32, #tpu.memory_space<vmem>>
        %dma_wait3A_818 = tpu.memref_squeeze %dma_wait3A_817 : memref<1x128xi32, #tpu.memory_space<vmem>> -> memref<128xi32, #tpu.memory_space<vmem>>
        %dma_wait3A_819 = arith.constant 0 : i32
        %dma_wait3A_820 = arith.constant 0 : i32
        %dma_wait3A_821 = tpu.memref_slice %arg5[%dma_wait3A_819, %dma_wait3A_820] : memref<1000000x64xf32, #tpu.memory_space<hbm>> -> memref<1000000x64xf32, #tpu.memory_space<hbm>>
        tpu.wait_indirect_dma semaphore(%arg23 : memref<!tpu.dma_semaphore, #tpu.memory_space<semaphore_mem>>) src(%dma_wait3A_821 : memref<1000000x64xf32, #tpu.memory_space<hbm>>) dst(%dma_wait3A_815 : memref<128x64xf32, #tpu.memory_space<vmem>>)
        %dma_wait3A_822 = arith.constant 1 : i32
        %dma_wait3A_823 = arith.constant 128 : i32
        %dma_wait3A_824 = arith.constant 0 : i32
        %dma_wait3A_825 = tpu.memref_slice %arg17[%dma_wait3A_823, %dma_wait3A_824] : memref<512x48xf32, #tpu.memory_space<vmem>> -> memref<128x48xf32, #tpu.memory_space<vmem>>
        %dma_wait3A_826 = arith.constant 0 : i32
        %dma_wait3A_827 = tpu.memref_slice %arg12[%dma_wait3A_822, %dma_wait3A_826] : memref<4x128xi32, #tpu.memory_space<vmem>> -> memref<1x128xi32, #tpu.memory_space<vmem>>
        %dma_wait3A_828 = tpu.memref_squeeze %dma_wait3A_827 : memref<1x128xi32, #tpu.memory_space<vmem>> -> memref<128xi32, #tpu.memory_space<vmem>>
        %dma_wait3A_829 = arith.constant 0 : i32
        %dma_wait3A_830 = arith.constant 0 : i32
        %dma_wait3A_831 = tpu.memref_slice %arg20[%dma_wait3A_829, %dma_wait3A_830] : memref<2x48xf32, #tpu.memory_space<vmem_shared>> -> memref<2x48xf32, #tpu.memory_space<vmem_shared>>
        tpu.wait_indirect_dma semaphore(%arg25 : memref<!tpu.dma_semaphore, #tpu.memory_space<semaphore_mem>>) src(%dma_wait3A_831 : memref<2x48xf32, #tpu.memory_space<vmem_shared>>) dst(%dma_wait3A_825 : memref<128x48xf32, #tpu.memory_space<vmem>>)
        %dma_wait3A_832 = arith.constant 2 : i32
        %dma_wait3A_833 = arith.constant 256 : i32
        %dma_wait3A_834 = arith.constant 0 : i32
        %dma_wait3A_835 = tpu.memref_slice %arg15[%dma_wait3A_833, %dma_wait3A_834] : memref<512x64xf32, #tpu.memory_space<vmem>> -> memref<128x64xf32, #tpu.memory_space<vmem>>
        %dma_wait3A_836 = arith.constant 0 : i32
        %dma_wait3A_837 = tpu.memref_slice %arg10[%dma_wait3A_832, %dma_wait3A_836] : memref<4x128xi32, #tpu.memory_space<vmem>> -> memref<1x128xi32, #tpu.memory_space<vmem>>
        %dma_wait3A_838 = tpu.memref_squeeze %dma_wait3A_837 : memref<1x128xi32, #tpu.memory_space<vmem>> -> memref<128xi32, #tpu.memory_space<vmem>>
        %dma_wait3A_839 = arith.constant 0 : i32
        %dma_wait3A_840 = arith.constant 0 : i32
        %dma_wait3A_841 = tpu.memref_slice %arg5[%dma_wait3A_839, %dma_wait3A_840] : memref<1000000x64xf32, #tpu.memory_space<hbm>> -> memref<1000000x64xf32, #tpu.memory_space<hbm>>
        tpu.wait_indirect_dma semaphore(%arg23 : memref<!tpu.dma_semaphore, #tpu.memory_space<semaphore_mem>>) src(%dma_wait3A_841 : memref<1000000x64xf32, #tpu.memory_space<hbm>>) dst(%dma_wait3A_835 : memref<128x64xf32, #tpu.memory_space<vmem>>)
        %dma_wait3A_842 = arith.constant 2 : i32
        %dma_wait3A_843 = arith.constant 256 : i32
        %dma_wait3A_844 = arith.constant 0 : i32
        %dma_wait3A_845 = tpu.memref_slice %arg17[%dma_wait3A_843, %dma_wait3A_844] : memref<512x48xf32, #tpu.memory_space<vmem>> -> memref<128x48xf32, #tpu.memory_space<vmem>>
        %dma_wait3A_846 = arith.constant 0 : i32
        %dma_wait3A_847 = tpu.memref_slice %arg12[%dma_wait3A_842, %dma_wait3A_846] : memref<4x128xi32, #tpu.memory_space<vmem>> -> memref<1x128xi32, #tpu.memory_space<vmem>>
        %dma_wait3A_848 = tpu.memref_squeeze %dma_wait3A_847 : memref<1x128xi32, #tpu.memory_space<vmem>> -> memref<128xi32, #tpu.memory_space<vmem>>
        %dma_wait3A_849 = arith.constant 0 : i32
        %dma_wait3A_850 = arith.constant 0 : i32
        %dma_wait3A_851 = tpu.memref_slice %arg20[%dma_wait3A_849, %dma_wait3A_850] : memref<2x48xf32, #tpu.memory_space<vmem_shared>> -> memref<2x48xf32, #tpu.memory_space<vmem_shared>>
        tpu.wait_indirect_dma semaphore(%arg25 : memref<!tpu.dma_semaphore, #tpu.memory_space<semaphore_mem>>) src(%dma_wait3A_851 : memref<2x48xf32, #tpu.memory_space<vmem_shared>>) dst(%dma_wait3A_845 : memref<128x48xf32, #tpu.memory_space<vmem>>)
        %dma_wait3A_852 = arith.constant 3 : i32
        %dma_wait3A_853 = arith.constant 384 : i32
        %dma_wait3A_854 = arith.constant 0 : i32
        %dma_wait3A_855 = tpu.memref_slice %arg15[%dma_wait3A_853, %dma_wait3A_854] : memref<512x64xf32, #tpu.memory_space<vmem>> -> memref<128x64xf32, #tpu.memory_space<vmem>>
        %dma_wait3A_856 = arith.constant 0 : i32
        %dma_wait3A_857 = tpu.memref_slice %arg10[%dma_wait3A_852, %dma_wait3A_856] : memref<4x128xi32, #tpu.memory_space<vmem>> -> memref<1x128xi32, #tpu.memory_space<vmem>>
        %dma_wait3A_858 = tpu.memref_squeeze %dma_wait3A_857 : memref<1x128xi32, #tpu.memory_space<vmem>> -> memref<128xi32, #tpu.memory_space<vmem>>
        %dma_wait3A_859 = arith.constant 0 : i32
        %dma_wait3A_860 = arith.constant 0 : i32
        %dma_wait3A_861 = tpu.memref_slice %arg5[%dma_wait3A_859, %dma_wait3A_860] : memref<1000000x64xf32, #tpu.memory_space<hbm>> -> memref<1000000x64xf32, #tpu.memory_space<hbm>>
        tpu.wait_indirect_dma semaphore(%arg23 : memref<!tpu.dma_semaphore, #tpu.memory_space<semaphore_mem>>) src(%dma_wait3A_861 : memref<1000000x64xf32, #tpu.memory_space<hbm>>) dst(%dma_wait3A_855 : memref<128x64xf32, #tpu.memory_space<vmem>>)
        %dma_wait3A_862 = arith.constant 3 : i32
        %dma_wait3A_863 = arith.constant 384 : i32
        %dma_wait3A_864 = arith.constant 0 : i32
        %dma_wait3A_865 = tpu.memref_slice %arg17[%dma_wait3A_863, %dma_wait3A_864] : memref<512x48xf32, #tpu.memory_space<vmem>> -> memref<128x48xf32, #tpu.memory_space<vmem>>
        %dma_wait3A_866 = arith.constant 0 : i32
        %dma_wait3A_867 = tpu.memref_slice %arg12[%dma_wait3A_862, %dma_wait3A_866] : memref<4x128xi32, #tpu.memory_space<vmem>> -> memref<1x128xi32, #tpu.memory_space<vmem>>
        %dma_wait3A_868 = tpu.memref_squeeze %dma_wait3A_867 : memref<1x128xi32, #tpu.memory_space<vmem>> -> memref<128xi32, #tpu.memory_space<vmem>>
        %dma_wait3A_869 = arith.constant 0 : i32
        %dma_wait3A_870 = arith.constant 0 : i32
        %dma_wait3A_871 = tpu.memref_slice %arg20[%dma_wait3A_869, %dma_wait3A_870] : memref<2x48xf32, #tpu.memory_space<vmem_shared>> -> memref<2x48xf32, #tpu.memory_space<vmem_shared>>
        tpu.wait_indirect_dma semaphore(%arg25 : memref<!tpu.dma_semaphore, #tpu.memory_space<semaphore_mem>>) src(%dma_wait3A_871 : memref<2x48xf32, #tpu.memory_space<vmem_shared>>) dst(%dma_wait3A_865 : memref<128x48xf32, #tpu.memory_space<vmem>>)
        %mul3A_872 = arith.constant 4 : i32
        %mul3A_873 = arith.muli %add3A_503, %mul3A_872 : i32
        %add3A_874 = arith.addi %mul3A_17, %mul3A_873 : i32
        %mul3A_875 = arith.constant 128 : i32
        %mul3A_876 = arith.muli %add3A_874, %mul3A_875 : i32
        "tpu.region"() ({
          %run_scoped3A = tpu.sem_alloc : memref<!tpu.dma_semaphore, #tpu.memory_space<semaphore_mem>>
          %dma_start3A_877 = arith.constant 0 : i32
          %dma_start3A_878 = tpu.memref_slice %arg7[%mul3A_876, %dma_start3A_877] : memref<819200x114xf32, #tpu.memory_space<hbm>> -> memref<512x64xf32, #tpu.memory_space<hbm>>
          %dma_start3A_879 = arith.constant 0 : i32
          %dma_start3A_880 = tpu.memref_slice %arg7[%mul3A_876, %dma_start3A_879] : memref<819200x114xf32, #tpu.memory_space<hbm>> -> memref<512x64xf32, #tpu.memory_space<hbm>>
          tpu.enqueue_dma source(%arg15 : memref<512x64xf32, #tpu.memory_space<vmem>>) target(%dma_start3A_880 : memref<512x64xf32, #tpu.memory_space<hbm>>) target_semaphore(%run_scoped3A : memref<!tpu.dma_semaphore, #tpu.memory_space<semaphore_mem>>)
          %dma_wait3A_881 = arith.constant 0 : i32
          %dma_wait3A_882 = tpu.memref_slice %arg7[%mul3A_876, %dma_wait3A_881] : memref<819200x114xf32, #tpu.memory_space<hbm>> -> memref<512x64xf32, #tpu.memory_space<hbm>>
          %dma_wait3A_883 = arith.constant 0 : i32
          %dma_wait3A_884 = tpu.memref_slice %arg7[%mul3A_876, %dma_wait3A_883] : memref<819200x114xf32, #tpu.memory_space<hbm>> -> memref<512x64xf32, #tpu.memory_space<hbm>>
          tpu.wait_dma2 semaphore(%run_scoped3A : memref<!tpu.dma_semaphore, #tpu.memory_space<semaphore_mem>>) src(%arg15 : memref<512x64xf32, #tpu.memory_space<vmem>>) dst(%dma_wait3A_884 : memref<512x64xf32, #tpu.memory_space<hbm>>)
          tpu.yield
        }) : () -> ()
        "tpu.region"() ({
          %run_scoped3A = tpu.sem_alloc : memref<!tpu.dma_semaphore, #tpu.memory_space<semaphore_mem>>
          %dma_start3A_877 = arith.constant 64 : i32
          %dma_start3A_878 = tpu.memref_slice %arg7[%mul3A_876, %dma_start3A_877] : memref<819200x114xf32, #tpu.memory_space<hbm>> -> memref<512x48xf32, #tpu.memory_space<hbm>>
          %dma_start3A_879 = arith.constant 64 : i32
          %dma_start3A_880 = tpu.memref_slice %arg7[%mul3A_876, %dma_start3A_879] : memref<819200x114xf32, #tpu.memory_space<hbm>> -> memref<512x48xf32, #tpu.memory_space<hbm>>
          tpu.enqueue_dma source(%arg17 : memref<512x48xf32, #tpu.memory_space<vmem>>) target(%dma_start3A_880 : memref<512x48xf32, #tpu.memory_space<hbm>>) target_semaphore(%run_scoped3A : memref<!tpu.dma_semaphore, #tpu.memory_space<semaphore_mem>>)
          %dma_wait3A_881 = arith.constant 64 : i32
          %dma_wait3A_882 = tpu.memref_slice %arg7[%mul3A_876, %dma_wait3A_881] : memref<819200x114xf32, #tpu.memory_space<hbm>> -> memref<512x48xf32, #tpu.memory_space<hbm>>
          %dma_wait3A_883 = arith.constant 64 : i32
          %dma_wait3A_884 = tpu.memref_slice %arg7[%mul3A_876, %dma_wait3A_883] : memref<819200x114xf32, #tpu.memory_space<hbm>> -> memref<512x48xf32, #tpu.memory_space<hbm>>
          tpu.wait_dma2 semaphore(%run_scoped3A : memref<!tpu.dma_semaphore, #tpu.memory_space<semaphore_mem>>) src(%arg17 : memref<512x48xf32, #tpu.memory_space<vmem>>) dst(%dma_wait3A_884 : memref<512x48xf32, #tpu.memory_space<hbm>>)
          tpu.yield
        }) : () -> ()
        "tpu.region"() ({
          %run_scoped3A = tpu.sem_alloc : memref<!tpu.dma_semaphore, #tpu.memory_space<semaphore_mem>>
          %dma_start3A_877 = arith.constant 112 : i32
          %dma_start3A_878 = tpu.memref_slice %arg7[%mul3A_876, %dma_start3A_877] : memref<819200x114xf32, #tpu.memory_space<hbm>> -> memref<512x2xf32, #tpu.memory_space<hbm>>
          %dma_start3A_879 = arith.constant 112 : i32
          %dma_start3A_880 = tpu.memref_slice %arg7[%mul3A_876, %dma_start3A_879] : memref<819200x114xf32, #tpu.memory_space<hbm>> -> memref<512x2xf32, #tpu.memory_space<hbm>>
          tpu.enqueue_dma source(%arg21 : memref<512x2xf32, #tpu.memory_space<vmem>>) target(%dma_start3A_880 : memref<512x2xf32, #tpu.memory_space<hbm>>) target_semaphore(%run_scoped3A : memref<!tpu.dma_semaphore, #tpu.memory_space<semaphore_mem>>)
          %dma_wait3A_881 = arith.constant 112 : i32
          %dma_wait3A_882 = tpu.memref_slice %arg7[%mul3A_876, %dma_wait3A_881] : memref<819200x114xf32, #tpu.memory_space<hbm>> -> memref<512x2xf32, #tpu.memory_space<hbm>>
          %dma_wait3A_883 = arith.constant 112 : i32
          %dma_wait3A_884 = tpu.memref_slice %arg7[%mul3A_876, %dma_wait3A_883] : memref<819200x114xf32, #tpu.memory_space<hbm>> -> memref<512x2xf32, #tpu.memory_space<hbm>>
          tpu.wait_dma2 semaphore(%run_scoped3A : memref<!tpu.dma_semaphore, #tpu.memory_space<semaphore_mem>>) src(%arg21 : memref<512x2xf32, #tpu.memory_space<vmem>>) dst(%dma_wait3A_884 : memref<512x2xf32, #tpu.memory_space<hbm>>)
          tpu.yield
        }) : () -> ()
      } else {
      }
    }
    %scan3A_103 = arith.constant 25 : i32
    return
  }
}

</mosaic_0001>

<sc_bundles>
// kernel: _sc_cat.3.cloned.1.call-start
scs
__scs_entry_jumppad:
0x0: {  	(pc) =	sbr.rel $0x88, $3  }
0x1: {  	(tag) =	ssettag $0x0;
	lr =	simm.s32 $0x1  }
0x2: {  	[smem:$0x3F9C] =	sst lr;
	_ =	strace $0xD0000000  }
0x3: {  	_ = 	snop  }
0x4: {  	_ = 	snop  }
0x5: {  	_ = 	snop  }
0x6: {  	_ = 	snop  }
0x7: {  	_ = 	snop  }
__scs_overlays_trampoline_lowered:
0x8: {  	[smem:$0x3FAB] =	sst s0  }
0x9: {  	[smem:$0x3FAC] =	sst s1  }
0xa: {  	[smem:$0x3FAD] =	sst s2  }
0xb: {  	[smem:$0x3FAE] =	sst s3  }
0xc: {  	[smem:$0x3FAF] =	sst s4  }
0xd: {  	[smem:$0x3FB0] =	sst s5  }
0xe: {  	[smem:$0x3FB1] =	sst s6  }
0xf: {  	[smem:$0x3FB2] =	sst s7  }
0x10: {  	[smem:$0x3FB3] =	sst s8  }
0x11: {  	[smem:$0x3FB4] =	sst s9;
	s0 =	simm.s32 @!p0 $0x0  }
0x12: {  	s1 =	sld [smem:$0x3F9A];
	s0 =	simm.s32 @p0 $0x1  }
0x13: {  	[smem:$0x3FB5] =	sst s0;
	s0 =	simm.s32 @!p1 $0x0  }
0x14: {  	s2 =	sld [smem:$0x3F99];
	s0 =	simm.s32 @p1 $0x1  }
0x15: {  	[smem:$0x3FB6] =	sst s0;
	s0 =	simm.s32 @!p2 $0x0  }
0x16: {  	s3 =	sld [smem:$0x3FDB];
	s0 =	simm.s32 @p2 $0x1  }
0x17: {  	s4 =	simm.s32 $0x1BF5;
	[smem:$0x3FB8] =	sst s0  }
0x18: {  	s0 =	sld [smem:$0x3F9B];
	_ =	swait.ge [sflag:s4], $0x0  }
0x19: {  	s7 =	sld [smem:$0x3F9C]  }
0x1a: {  	s8 =	sadd.s32 $0xFFFFE003, lr  }
0x1b: {  	s9 =	sadd.s32 $0xFFFFFEF7, lr;
	s5 =	simm.s32 $0xFFFFFFFF;
	p2 =	slt.u32 s8, $0xFFFFF086  }
0x1c: {  	p1 =	slt.u32 s9, $0xF7A;
	s5 =	simm.s32 @!p2 $0x0  }
0x1d: {  	s5 =	simm.s32 @p1 $0x1;
	p0 =	seq.s32 s7, s2  }
0x1e: {  	s7 =	smul.u32 @!p0 $0xF7A, s2;
	p2 =	seq.s32 @!p0 s5, $0x0  }
0x1f: {  	s9 =	smul.u32 $0xF7A, s1;
	s8 =	simm.s32 @!p0 $0x1BF5;
	p2 =	por !p2, p0  }
0x20: {  	[sflag:s8] =	ssyncset.s32 @!p0 $0xFFFFF086;
	s6 =	sadd.s32 @!p0 s3, s7;
	s7 =	simm.s32 @!p0 $0x108  }
0x21: {  	s3 =	sadd.s32 s3, s9;
	s6 =	sadd.s32 @!p0 $0x88, s6;
	s7 =	simm.s32 @p2 $0x1082  }
0x22: {  	[simem:s7], [sflag:s8] =	dma.local @!p0 [hbm:s6], $0xF7A  }
0x23: {  	s9 =	sor.u32 $0xD0000000, s2;
	s6 =	simm.s32 $0x108;
	_ =	swait.ge @!p0 [sflag:s8], $0x0  }
0x24: {  	s3 =	sadd.s32 $0x88, s3;
	s6 =	simm.s32 @!p1 $0x1082;
	[sflag:s4] =	ssyncset.s32 $0xFFFFF086  }
0x25: {  	[simem:s6], [sflag:s4] =	dma.local [hbm:s3], $0xF7A  }
0x26: {  	[smem:$0x3F9C] =	sst s1;
	(tag) =	ssettag s2;
	_ =	strace s9  }
0x27: {  	s1 =	sld [smem:$0x3FAC]  }
0x28: {  	s2 =	sld [smem:$0x3FAD]  }
0x29: {  	s4 =	sld [smem:$0x3FAF]  }
0x2a: {  	p0 =	seq.s32 s5, $0x0;
	s5 =	sld [smem:$0x3FB0]  }
0x2b: {  	s6 =	sld [smem:$0x3FB1]  }
0x2c: {  	s7 =	sld [smem:$0x3FB2]  }
0x2d: {  	s3 =	simm.s32 $0x108;
	s8 =	sld [smem:$0x3FB3]  }
0x2e: {  	s3 =	simm.s32 @!p0 $0x1082;
	s9 =	sld [smem:$0x3FB4]  }
0x2f: {  	lr =	sadd.s32 s0, s3;
	s0 =	sld [smem:$0x3FAB]  }
0x30: {  	s3 =	sld [smem:$0x3FAE]  }
0x31: {  	[smem:$0x3FB7] =	sst s10  }
0x32: {  	s10 =	sld [smem:$0x3FB5];
	_ =	sdelay $0x3  }
0x33: {  	p0 =	seq.s32 s10, $0x1;
	s10 =	sld [smem:$0x3FB7];
	_ =	sdelay $0x3  }
0x34: {  	[smem:$0x3FB7] =	sst s10  }
0x35: {  	s10 =	sld [smem:$0x3FB6];
	_ =	sdelay $0x3  }
0x36: {  	p1 =	seq.s32 s10, $0x1;
	s10 =	sld [smem:$0x3FB7];
	_ =	sdelay $0x3  }
0x37: {  	[smem:$0x3FB7] =	sst s10  }
0x38: {  	s10 =	sld [smem:$0x3FB8]  }
0x39: {  	_ = 	snop;
	(pc) =	sbr.ind lr, $3  }
0x3a: {  	_ = 	snop  }
0x3b: {  	_ = 	snop  }
0x3c: {  	p2 =	seq.s32 s10, $0x1;
	s10 =	sld [smem:$0x3FB7]  }
0x3d: {  	_ =	shalt  }
0x3e: {  	_ =	shalt  }
0x3f: {  	_ =	shalt  }
0x40: {  	_ =	shalt  }
0x41: {  	_ =	shalt  }
0x42: {  	_ =	shalt  }
0x43: {  	_ =	shalt  }
0x44: {  	_ =	shalt  }
0x45: {  	_ =	shalt  }
0x46: {  	_ =	shalt  }
0x47: {  	_ =	shalt  }
0x48: {  	_ =	shalt  }
0x49: {  	_ =	shalt  }
0x4a: {  	_ =	shalt  }
0x4b: {  	_ =	shalt  }
0x4c: {  	_ =	shalt  }
0x4d: {  	_ =	shalt  }
0x4e: {  	_ =	shalt  }
0x4f: {  	_ =	shalt  }
0x50: {  	_ =	shalt  }
0x51: {  	_ =	shalt  }
0x52: {  	_ =	shalt  }
0x53: {  	_ =	shalt  }
0x54: {  	_ =	shalt  }
0x55: {  	_ =	shalt  }
0x56: {  	_ =	shalt  }
0x57: {  	_ =	shalt  }
0x58: {  	_ =	shalt  }
0x59: {  	_ =	shalt  }
0x5a: {  	_ =	shalt  }
0x5b: {  	_ =	shalt  }
0x5c: {  	_ =	shalt  }
0x5d: {  	_ =	shalt  }
0x5e: {  	_ =	shalt  }
0x5f: {  	_ =	shalt  }
0x60: {  	_ =	shalt  }
0x61: {  	_ =	shalt  }
0x62: {  	_ =	shalt  }
0x63: {  	_ =	shalt  }
0x64: {  	_ =	shalt  }
0x65: {  	_ =	shalt  }
0x66: {  	_ =	shalt  }
0x67: {  	_ =	shalt  }
0x68: {  	_ =	shalt  }
0x69: {  	_ =	shalt  }
0x6a: {  	_ =	shalt  }
0x6b: {  	_ =	shalt  }
0x6c: {  	_ =	shalt  }
0x6d: {  	_ =	shalt  }
0x6e: {  	_ =	shalt  }
0x6f: {  	_ =	shalt  }
0x70: {  	_ =	shalt  }
0x71: {  	_ =	shalt  }
0x72: {  	_ =	shalt  }
0x73: {  	_ =	shalt  }
0x74: {  	_ =	shalt  }
0x75: {  	_ =	shalt  }
0x76: {  	_ =	shalt  }
0x77: {  	_ =	shalt  }
0x78: {  	_ =	shalt  }
0x79: {  	_ =	shalt  }
0x7a: {  	_ =	shalt  }
0x7b: {  	_ =	shalt  }
0x7c: {  	_ =	shalt  }
0x7d: {  	_ =	shalt  }
0x7e: {  	_ =	shalt  }
0x7f: {  	_ =	shalt  }
0x80: {  	_ =	shalt  }
0x81: {  	_ =	shalt  }
0x82: {  	_ =	shalt  }
0x83: {  	_ =	shalt  }
0x84: {  	_ =	shalt  }
0x85: {  	_ =	shalt  }
0x86: {  	_ =	shalt  }
0x87: {  	_ =	shalt  }
.Lfunc_end0:
.L_simem_size_0:
called_computation.1_lowered:
.L_overlay_start_0:
0x88: {  	s2 =	sld [smem:$0x3FD9]  }
0x89: {  	s3 =	sld [smem:$0x3FFE];
	_ =	sdelay $0x1  }
0x8a: {  	s1 =	srdreg.scid  }
0x8b: {  	s0 =	sand.u32 $0x1, s1  }
0x8c: {  	s14 =	sshll.u32 s0, $0xA;
	s2 =	sadd.s32 s3, s2  }
0x8d: {  	s2 =	sadd.s32 s2, s14  }
0x8e: {  	[smem:$0x3FC3] =	sst s2  }
0x8f: {  	_ = 	snop  }
0x90: {  	s2 =	sld [smem:$0x3FD0]  }
0x91: {  	s15 =	sld [smem:$0x3FC9]  }
0x92: {  	s4 =	sld [smem:$0x3FC8]  }
0x93: {  	s6 =	simm.s32 $0xA;
	s7 =	simm.s32 $0x10;
	s5 =	sld [smem:$0x3FC7]  }
0x94: {  	[smem:s7], [sflag:s6] =	dma.local [hbm:s2], $0x1  }
0x95: {  	_ =	swait.eq [sflag:s6], $0x1  }
0x96: {  	[sflag:s6] =	ssyncset.done $0x0  }
0x97: {  	s16 =	sld [smem:$0x10];
	[sflag:s6] =	ssyncadd.s32 $0xFFFFFFFF  }
0x98: {  	s17 =	sld [smem:$0x11];
	(tm) =	ssettm $0x1  }
0x99: {  	s18 =	sld [smem:$0x3FFB];
	_ =	sdelay $0x3  }
0x9a: {  	_ =	strace s18  }
0x9b: {  	s7 =	sld [smem:$0x3FFC];
	_ =	sdelay $0x3  }
0x9c: {  	_ =	strace s7  }
0x9d: {  	s7 =	sld [smem:$0x3FFD];
	_ =	sdelay $0x3  }
0x9e: {  	_ =	strace s7  }
0x9f: {  	_ =	strace $0x8FFFFFFF  }
0xa0: {  	s19 =	sld [smem:$0x3FDB];
	_ =	sdelay $0x1  }
0xa1: {  	s8 =	simm.s32 $_scs_section_size  }
0xa2: {  	s9 =	simm.s32 $_size__tile_overlayer_lowered;
	s10 =	simm.s32 $_tile_overlayer_lowered  }
0xa3: {  	s22 =	simm.s32 $0x1BFF;
	s21 =	sshll.u32 s10, $0x1;
	s7 =	sadd.s32 s8, s19  }
0xa4: {  	s11 =	simm.s32 $0x0;
	s20 =	sshll.u32 s9, $0x1;
	s9 =	sadd.s32 s21, s7  }
0xa5: {  	[timem:s11], [sflag:s22] =	dma.local [hbm:s9], s20  }
0xa6: {  	_ =	swait.ge [sflag:s22], s20  }
0xa7: {  	s8 =	ssub.s32 $0x0, s20;
	[sflag:s22] =	ssyncset.done $0x0  }
0xa8: {  	[sflag:s22] =	ssyncadd.s32 s8;
	_ =	sdelay $0x1  }
0xa9: {  	s23 =	simm.s32 $0x1B8B  }
0xaa: {  	_ =	swait.ge [sflag:s23], $0x1  }
0xab: {  	[sflag:s23] =	ssyncset.done $0x0  }
0xac: {  	s25 =	simm.s32 $0x1B8E;
	s24 =	sld [smem:$0x3FFE];
	[sflag:s23] =	ssyncadd.s32 $0xFFFFFFFF  }
0xad: {  	s26 =	simm.s32 $execute0_lowered;
	[smem:$0x3FD2] =	sst s25  }
0xae: {  	s9 =	sshll.u32 s26, $0x1;
	_ =	strace $0x80000046;
	[dreg:$0x1] =	wrdreg $0xFFFFFFFF  }
0xaf: {  	s28 =	simm.s32 $_size_execute0_lowered;
	s7 =	sadd.s32 s7, s9;
	[dreg:$0x0] =	wrdreg $0x0  }
0xb0: {  	s9 =	sshll.u32 s28, $0x1;
	[dreg:$0x2] =	wrdreg s7  }
0xb1: {  	[dreg:$0x3] =	wrdreg s9  }
0xb2: {  	[dreg:$0x4] =	wrdreg $0xC0  }
0xb3: {  	_ =	task [dreg:s11], $0x5FFFF  }
0xb4: {  	[dreg:$0x1] =	wrdreg $0xFFFFFFFF  }
0xb5: {  	[dreg:$0x0] =	wrdreg $0x60  }
0xb6: {  	[dreg:$0x2] =	wrdreg s15  }
0xb7: {  	[dreg:$0x3] =	wrdreg s4  }
0xb8: {  	[dreg:$0x4] =	wrdreg s5  }
0xb9: {  	[dreg:$0x5] =	wrdreg s24  }
0xba: {  	[dreg:$0x6] =	wrdreg s16  }
0xbb: {  	[dreg:$0x7] =	wrdreg s17  }
0xbc: {  	[dreg:$0x8] =	wrdreg $0x1E9000  }
0xbd: {  	[dreg:$0x9] =	wrdreg $0x9  }
0xbe: {  	_ =	task.clear_ibuf [dreg:s11], $0xAFFFF;
	_ =	strace $0x90000046  }
0xbf: {  	s29 =	simm.s32 $0x9;
	_ =	strace $0x80000048  }
0xc0: {  	_ =	swait.ge [sflag:s29], $0x1  }
0xc1: {  	[sflag:s29] =	ssyncadd.s32 $0xFFFFFFFF  }
0xc2: {  	_ =	strace $0x90000048  }
0xc3: {  	_ =	sfence  }
0xc4: {  	s30 =	sld [smem:$0x0];
	_ =	sdelay $0x2  }
0xc5: {  	s31 =	sshll.u32 s1, $0xD;
	s1 =	sshrl.u32 s1, $0x2  }
0xc6: {  	s3 =	sand.u32 $0x4000, s31;
	s1 =	sadd.s32 s1, s30  }
0xc7: {  	s0 =	sor.u32 s3, s0;
	s1 =	sshll.u32 s1, $0x11  }
0xc8: {  	s0 =	sor.u32 s1, s0  }
0xc9: {  	s0 =	sadd.s32 $0x8F2B, s0  }
0xca: {  	[sflag:s0] =	ssyncadd.remote.s32 $0x1  }
0xcb: {  	_ =	sfence.sel $0xFFFF  }
0xcc: {  	[dreg:$0x0] =	wrdreg $0xFFFFFFFF;
	(pc) =	sbr.abs _section_cstart, $3  }
0xcd: {  	[dreg:$0x1] =	wrdreg $0xFFFFFFFF  }
0xce: {  	_ =	task.clear_ibuf [dreg:s11], $0x2FFFF;
	_ =	strace $0x9FFFFFFF  }
0xcf: {  	(tm) =	ssettm $0x7FFFFFFF  }
tec
execute0_lowered:
.L_overlay_start_1:
0x0: {  	(tag) =	ssettag $0x1  }
0x1: {  	s1 =	rddreg [dreg:$0x0]  }
0x2: {  	s23 =	rddreg [dreg:$0x1]  }
0x3: {  	s2 =	rddreg [dreg:$0x2]  }
0x4: {  	s6 =	rddreg [dreg:$0x3]  }
0x5: {  	s7 =	rddreg [dreg:$0x4];
	v0 =	vlaneseq.u32  }
0x6: {  	s8 =	rddreg [dreg:$0x5];
	s4 =	simm.s32 $0x0;
	v2 =	vmul.u32 $0x8, v0  }
0x7: {  	[smem:$0x7FF] =	sst s4  }
0x8: {  	s3 =	rddreg [dreg:$0x6];
	_ =	strace $0x80000047;
	v1 =	vor.u32 $0x1, v2;
	[tilespmem:$0x1FFE0] =	vst v2  }
0x9: {  	v63 =	vor.u32 $0x80, v2;
	[tilespmem:$0x1FC00] =	vst v1  }
0xa: {  	v4 =	vor.u32 $0x81, v2;
	[tilespmem:$0x1FC10] =	vst v63  }
0xb: {  	v5 =	vor.u32 $0x100, v2;
	[tilespmem:$0x1FC20] =	vst v4  }
0xc: {  	v6 =	vor.u32 $0x101, v2;
	[tilespmem:$0x1FC30] =	vst v5  }
0xd: {  	v7 =	vor.u32 $0x180, v2;
	[tilespmem:$0x1FC40] =	vst v6  }
0xe: {  	v8 =	vor.u32 $0x181, v2;
	[tilespmem:$0x1FC50] =	vst v7  }
0xf: {  	v9 =	vor.u32 $0x200, v2;
	[tilespmem:$0x1FC60] =	vst v8  }
0x10: {  	v0 =	vor.u32 $0x201, v2;
	[tilespmem:$0x1FC70] =	vst v9  }
0x11: {  	v10 =	vor.u32 $0x280, v2;
	[tilespmem:$0x1FC80] =	vst v0  }
0x12: {  	v11 =	vor.u32 $0x281, v2;
	[tilespmem:$0x1FC90] =	vst v10  }
0x13: {  	v12 =	vor.u32 $0x300, v2;
	[tilespmem:$0x1FCA0] =	vst v11  }
0x14: {  	v13 =	vor.u32 $0x301, v2;
	[tilespmem:$0x1FCB0] =	vst v12  }
0x15: {  	v14 =	vor.u32 $0x380, v2;
	[tilespmem:$0x1FCC0] =	vst v13  }
0x16: {  	v15 =	vor.u32 $0x381, v2;
	[tilespmem:$0x1FCD0] =	vst v14  }
0x17: {  	v16 =	vor.u32 $0x400, v2;
	[tilespmem:$0x1FCE0] =	vst v15  }
0x18: {  	v17 =	vor.u32 $0x401, v2;
	[tilespmem:$0x1FCF0] =	vst v16  }
0x19: {  	v18 =	vor.u32 $0x480, v2;
	[tilespmem:$0x1FD00] =	vst v17  }
0x1a: {  	v19 =	vor.u32 $0x481, v2;
	[tilespmem:$0x1FD10] =	vst v18  }
0x1b: {  	v20 =	vor.u32 $0x500, v2;
	[tilespmem:$0x1FD20] =	vst v19  }
0x1c: {  	v21 =	vor.u32 $0x501, v2;
	[tilespmem:$0x1FD30] =	vst v20  }
0x1d: {  	v22 =	vor.u32 $0x580, v2;
	[tilespmem:$0x1FD40] =	vst v21  }
0x1e: {  	v23 =	vor.u32 $0x581, v2;
	[tilespmem:$0x1FD50] =	vst v22  }
0x1f: {  	v24 =	vor.u32 $0x600, v2;
	[tilespmem:$0x1FD60] =	vst v23  }
0x20: {  	v25 =	vor.u32 $0x601, v2;
	[tilespmem:$0x1FD70] =	vst v24  }
0x21: {  	v26 =	vor.u32 $0x680, v2;
	[tilespmem:$0x1FD80] =	vst v25  }
0x22: {  	v27 =	vor.u32 $0x681, v2;
	[tilespmem:$0x1FD90] =	vst v26  }
0x23: {  	v28 =	vor.u32 $0x700, v2;
	[tilespmem:$0x1FDA0] =	vst v27  }
0x24: {  	v29 =	vor.u32 $0x701, v2;
	[tilespmem:$0x1FDB0] =	vst v28  }
0x25: {  	v30 =	vor.u32 $0x780, v2;
	[tilespmem:$0x1FDC0] =	vst v29  }
0x26: {  	v31 =	vor.u32 $0x781, v2;
	[tilespmem:$0x1FDD0] =	vst v30  }
0x27: {  	v32 =	vor.u32 $0x800, v2;
	[tilespmem:$0x1FDE0] =	vst v31  }
0x28: {  	v33 =	vor.u32 $0x801, v2;
	[tilespmem:$0x1FDF0] =	vst v32  }
0x29: {  	v34 =	vor.u32 $0x880, v2;
	[tilespmem:$0x1FE00] =	vst v33  }
0x2a: {  	v35 =	vor.u32 $0x881, v2;
	[tilespmem:$0x1FE10] =	vst v34  }
0x2b: {  	s5 =	srdreg.scid;
	s9 =	stileid.u32;
	s30 =	simm.s32 $0x200;
	v36 =	vor.u32 $0x900, v2;
	[tilespmem:$0x1FE20] =	vst v35  }
0x2c: {  	s31 =	simm.s32 $0x7;
	s28 =	simm.s32 $0x1E908;
	s29 =	simm.s32 $0x1;
	v37 =	vor.u32 $0x901, v2;
	[tilespmem:$0x1FE30] =	vst v36  }
0x2d: {  	s10 =	sand.u32 $0x1, s5;
	s12 =	sshll.u32 s9, $0x1;
	s14 =	smul.u32 $0xC800, s9;
	v38 =	vor.u32 $0x980, v2;
	[tilespmem:$0x1FE40] =	vst v37  }
0x2e: {  	s5 =	sadd.s32 $0xF43400, s6;
	s0 =	sadd.s32 $0xE00, s6;
	s18 =	smul.u32 $0xBB800, s9;
	v39 =	vor.u32 $0x981, v2;
	[tilespmem:$0x1FE50] =	vst v38  }
0x2f: {  	s21 =	sadd.s32 $0x30, s3;
	s11 =	ssub.s32 $0x2, s10;
	[dreg:$0x15] =	wrdreg s0;
	v40 =	vor.u32 $0xA00, v2;
	[tilespmem:$0x1FE60] =	vst v39  }
0x30: {  	s12 =	sor.u32 s10, s12;
	[dreg:$0x1b] =	wrdreg s21;
	s21 =	simm.s32 $0x380;
	v41 =	vor.u32 $0xA01, v2;
	[tilespmem:$0x1FE70] =	vst v40  }
0x31: {  	s13 =	sshrl.u32 s11, $0x1;
	s26 =	smul.u32 $0xC80, s12;
	s0 =	sshll.u32 s12, $0x4;
	v42 =	vor.u32 $0xA80, v2;
	[tilespmem:$0x1FE80] =	vst v41  }
0x32: {  	s7 =	sadd.s32 s18, s7;
	s18 =	simm.s32 $0x700;
	[dreg:$0x11] =	wrdreg s21;
	v43 =	vor.u32 $0xA81, v2;
	[tilespmem:$0x1FE90] =	vst v42  }
0x33: {  	s12 =	sshll.u32 s12, $0xA;
	v44 =	vor.u32 $0xB00, v2;
	s2 =	sadd.s32 s2, s0;
	[dreg:$0xf] =	wrdreg s18;
	[tilespmem:$0x1FEA0] =	vst v43  }
0x34: {  	v45 =	vor.u32 $0xB01, v2;
	s25 =	ssub.s32 s11, s13;
	s13 =	sadd.s32 s8, s12;
	[tilespmem:$0x1FEB0] =	vst v44;
	[dreg:$0x16] =	wrdreg s2  }
0x35: {  	p0 =	sne.s32 s9, $0x0;
	v46 =	vor.u32 $0xB80, v2;
	s8 =	simm.s32 $0x280;
	[tilespmem:$0x1FEC0] =	vst v45;
	[dreg:$0x17] =	wrdreg s13  }
0x36: {  	s6 =	simm.s32 $0x3;
	v47 =	vor.u32 $0xB81, v2;
	s11 =	simm.s32 $0xA880;
	[tilespmem:$0x1FED0] =	vst v46;
	[dreg:$0x9] =	wrdreg s8  }
0x37: {  	s9 =	simm.s32 $0x30;
	v48 =	vor.u32 $0xC00, v2;
	s12 =	simm.s32 $0x680;
	[tilespmem:$0x1FEE0] =	vst v47;
	[dreg:$0xa] =	wrdreg s11  }
0x38: {  	s15 =	smul.u32 $0x6400, s10;
	v49 =	vor.u32 $0xC01, v2;
	[tilespmem:$0x1FEF0] =	vst v48;
	s16 =	sadd.s32 s1, s26;
	[dreg:$0xb] =	wrdreg s12  }
0x39: {  	s20 =	smul.u32 $0x5DC00, s10;
	v50 =	vor.u32 $0xC80, v2;
	[tilespmem:$0x1FF00] =	vst v49;
	s17 =	sadd.s32 s23, s26;
	[dreg:$0x18] =	wrdreg s16  }
0x3a: {  	v51 =	vor.u32 $0xC81, v2;
	[tilespmem:$0x1FF10] =	vst v50;
	s19 =	smax.u32 s25, $0x1;
	s2 =	sadd.s32 s15, s14;
	[dreg:$0x19] =	wrdreg s17  }
0x3b: {  	v52 =	vor.u32 $0xD00, v2;
	[tilespmem:$0x1FF20] =	vst v51;
	s25 =	sadd.s32 s20, s7;
	s13 =	simm.s32 $0x18080;
	[dreg:$0x1a] =	wrdreg s19  }
0x3c: {  	v53 =	vor.u32 $0xD01, v2;
	[tilespmem:$0x1FF30] =	vst v52;
	s14 =	simm.s32 $0x300;
	s15 =	simm.s32 $0xC880;
	[dreg:$0x8] =	wrdreg s25  }
0x3d: {  	v54 =	vor.u32 $0xD80, v2;
	[tilespmem:$0x1FF40] =	vst v53;
	s20 =	simm.s32 $0x19880;
	s8 =	simm.s32 $0x78;
	[dreg:$0xc] =	wrdreg s13  }
0x3e: {  	v55 =	vor.u32 $0xD81, v2;
	[tilespmem:$0x1FF50] =	vst v54;
	s11 =	simm.s32 $0x2;
	s12 =	simm.s32 $0x4;
	[dreg:$0xd] =	wrdreg s14  }
0x3f: {  	v56 =	vor.u32 $0xE00, v2;
	[tilespmem:$0x1FF60] =	vst v55;
	s22 =	sor.u32 $0x200, s2;
	s24 =	sadd.s32 $0x400, s2;
	[dreg:$0xe] =	wrdreg s15  }
0x40: {  	v57 =	vor.u32 $0xE01, v2;
	[tilespmem:$0x1FF70] =	vst v56;
	s16 =	simm.s32 $0x1E880;
	s17 =	simm.s32 $0x6;
	[dreg:$0x10] =	wrdreg s20  }
0x41: {  	v58 =	vor.u32 $0xE80, v2;
	[tilespmem:$0x1FF80] =	vst v57;
	s19 =	simm.s32 $0x80;
	s25 =	simm.s32 $0x780;
	[dreg:$0x1c] =	wrdreg s24  }
0x42: {  	v59 =	vor.u32 $0xE81, v2;
	[tilespmem:$0x1FF90] =	vst v58;
	s26 =	sshrl.u32 s22, $0x3;
	s22 =	simm.s32 $0xE880;
	[dreg:$0x13] =	wrdreg s25  }
0x43: {  	v60 =	vor.u32 $0xF00, v2;
	[tilespmem:$0x1FFA0] =	vst v59;
	s15 =	simm.s32 $0x10880;
	s7 =	sadd.s32 s26, s23;
	[dreg:$0x12] =	wrdreg s22  }
0x44: {  	v61 =	vor.u32 $0xF01, v2;
	[tilespmem:$0x1FFB0] =	vst v60;
	s2 =	simm.s32 $0x600;
	s10 =	sadd.s32 s26, s1;
	[dreg:$0x1d] =	wrdreg s7  }
0x45: {  	v62 =	vor.u32 $0xF80, v2;
	[tilespmem:$0x1FFC0] =	vst v61;
	s13 =	simm.s32 $0x0;
	s26 =	simm.s32 $0x1B080;
	[dreg:$0x1e] =	wrdreg s10  }
0x46: {  	[tilespmem:$0x1FFD0] =	vst v62;
	v63 =	vor.u32 $0xF81, v2;
	s24 =	simm.s32 $0x880;
	s25 =	simm.s32 $0x8880;
	[dreg:$0x14] =	wrdreg s26  }
0x47: {  	[tilespmem:$0x1FFF0] =	vst v63;
	s26 =	simm.s32 $0x16880;
	s7 =	simm.s32 $0x40;
	s10 =	simm.s32 $0x8  }
.LBB2_1:
0x48: {  	[dreg:$0x1f] =	wrdreg s13  }
0x49: {  	s0 =	rddreg [dreg:$0x15]  }
0x4a: {  	[tilespmem:s16], [sflag:$0x6] =	stream.linear.gather [hbm4b:s0+s4], $0x80, $0x38;
	[tilespmem:$0x1F908] =	vst v63  }
0x4b: {  	_ =	swait.ge [sflag:s17], $0x80  }
0x4c: {  	[sflag:s17] =	ssyncset.done $0x0  }
0x4d: {  	s14 =	simm.s32 @!p0 $0x1E880;
	[sflag:s17] =	ssyncadd.s32 $0xFFFFFF80  }
0x4e: {  	[spmem:s3] =	stream.linear.scatter @!p0 [tilespmem:s14], [sflag:$0x6], $0x30, $0x38;
	[tilespmem:$0x1F908] =	vst v63  }
0x4f: {  	s0 =	rddreg [dreg:$0x1b];
	s14 =	simm.s32 @!p0 $0x1E8C0  }
0x50: {  	[spmem:s0] =	stream.linear.scatter @!p0 [tilespmem:s14], [sflag:$0x6], $0x30, $0x38;
	[tilespmem:$0x1F908] =	vst v63  }
0x51: {  	s14 =	simm.s32 @!p0 $0x6  }
0x52: {  	_ =	swait.ge @!p0 [sflag:s14], $0x60  }
0x53: {  	[sflag:s14] =	ssyncset.done @!p0 $0x0  }
0x54: {  	[sflag:s14] =	ssyncadd.s32 @!p0 $0xFFFFFFA0  }
0x55: {  	[bflag:$0x0] =	sbarrier.arrive $0xFFFF  }
0x56: {  	s14 =	simm.s32 $0x800;
	s13 =	rddreg [dreg:$0x16]  }
0x57: {  	[tilespmem:s14], [sflag:$0x6] =	stream.linear.gather [hbm4b:s13+s4], $0x80, $0x38;
	[tilespmem:$0x1F908] =	vst v63  }
0x58: {  	_ =	swait.ge [sflag:s17], $0x80  }
0x59: {  	[sflag:s17] =	ssyncset.done $0x0  }
0x5a: {  	s18 =	simm.s32 $0x1C880;
	s20 =	simm.s32 $0x5;
	[sflag:s17] =	ssyncadd.s32 $0xFFFFFF80  }
0x5b: {  	[tilespmem:s18], [sflag:$0x5] =	stream.indirect.gather [hbm4b:s5+s19], $0x40, s14, s19, $0xb8;
	[tilespmem:$0x1F908] =	vst v63  }
0x5c: {  	_ =	swait.ge [sflag:s20], $0x2000  }
0x5d: {  	[sflag:s20] =	ssyncset.done $0x0  }
0x5e: {  	s21 =	rddreg [dreg:$0x17];
	[sflag:s20] =	ssyncadd.s32 $0xFFFFE000  }
0x5f: {  	[hbm4b:s21+s4] =	stream.linear.scatter [tilespmem:s18], [sflag:$0x6], $0x2000, $0x38;
	[tilespmem:$0x1F908] =	vst v63  }
0x60: {  	_ =	swait.ge [sflag:s17], $0x2000  }
0x61: {  	[sflag:s17] =	ssyncset.done $0x0  }
0x62: {  	s22 =	rddreg [dreg:$0x18];
	[sflag:s17] =	ssyncadd.s32 $0xFFFFE000  }
0x63: {  	[tilespmem:s4], [sflag:$0x6] =	stream.linear.gather [hbm4b:s22+s4], $0x200, $0x38;
	[tilespmem:$0x1F908] =	vst v63  }
0x64: {  	_ =	swait.ge [sflag:s17], $0x200  }
0x65: {  	[sflag:s17] =	ssyncset.done $0x0  }
0x66: {  	s14 =	simm.s32 $0x400;
	s13 =	rddreg [dreg:$0x19];
	[sflag:s17] =	ssyncadd.s32 $0xFFFFFE00  }
0x67: {  	[tilespmem:s14], [sflag:$0x6] =	stream.linear.gather [hbm4b:s13+s4], $0x200, $0x38;
	[tilespmem:$0x1F908] =	vst v63  }
0x68: {  	_ =	swait.ge [sflag:s17], $0x200  }
0x69: {  	[sflag:s17] =	ssyncset.done $0x0  }
0x6a: {  	[sflag:s17] =	ssyncadd.s32 $0xFFFFFE00  }
0x6b: {  	[tilespmem:s24], [sflag:$0x1] =	stream.indirect.gather [hbm4b:s5+s19], $0x40, s4, s19, $0xb8;
	[tilespmem:$0x1F908] =	vst v63  }
0x6c: {  	_ = 	snop  }
0x6d: {  	[tilespmem:s15], [sflag:$0x3] =	stream.indirect.gather [spmem:s3], $0x30, s14, s19, $0xb8;
	[tilespmem:$0x1F908] =	vst v63  }
0x6e: {  	s15 =	simm.s32 $0x2880  }
0x6f: {  	[tilespmem:s15], [sflag:$0x1] =	stream.indirect.gather [hbm4b:s5+s19], $0x40, s19, s19, $0xb8;
	[tilespmem:$0x1F908] =	vst v63  }
0x70: {  	s20 =	simm.s32 $0x12080;
	s18 =	simm.s32 $0x480  }
0x71: {  	[tilespmem:s20], [sflag:$0x3] =	stream.indirect.gather [spmem:s3], $0x30, s18, s19, $0xb8;
	[tilespmem:$0x1F908] =	vst v63  }
0x72: {  	s21 =	simm.s32 $0x100;
	s22 =	simm.s32 $0x4880  }
0x73: {  	[tilespmem:s22], [sflag:$0x1] =	stream.indirect.gather [hbm4b:s5+s19], $0x40, s21, s19, $0xb8;
	[tilespmem:$0x1F908] =	vst v63  }
0x74: {  	s14 =	simm.s32 $0x500;
	s15 =	simm.s32 $0x13880  }
0x75: {  	[tilespmem:s15], [sflag:$0x3] =	stream.indirect.gather [spmem:s3], $0x30, s14, s19, $0xb8;
	[tilespmem:$0x1F908] =	vst v63  }
0x76: {  	s18 =	simm.s32 $0x180;
	s15 =	rddreg [dreg:$0x1e]  }
0x77: {  	s20 =	simm.s32 $0x6880;
	s21 =	simm.s32 $0x580;
	s14 =	rddreg [dreg:$0x1d]  }
0x78: {  	[tilespmem:s20], [sflag:$0x1] =	stream.indirect.gather [hbm4b:s5+s19], $0x40, s18, s19, $0xb8;
	[tilespmem:$0x1F908] =	vst v63  }
0x79: {  	s22 =	simm.s32 $0x15080;
	s18 =	simm.s32 $0x0;
	s20 =	rddreg [dreg:$0x1c]  }
0x7a: {  	[tilespmem:s22], [sflag:$0x3] =	stream.indirect.gather [spmem:s3], $0x30, s21, s19, $0xb8;
	[tilespmem:$0x1F908] =	vst v63  }
.LBB2_2:
0x7b: {  	[tilespmem:s30], [sflag:$0x7] =	stream.linear.gather [hbm4b:s15+s4], $0x200, $0x38;
	[tilespmem:$0x1F908] =	vst v63  }
0x7c: {  	_ =	swait.ge [sflag:s31], $0x200  }
0x7d: {  	[sflag:s31] =	ssyncset.done $0x0  }
0x7e: {  	[sflag:s31] =	ssyncadd.s32 $0xFFFFFE00  }
0x7f: {  	[tilespmem:s2], [sflag:$0x7] =	stream.linear.gather [hbm4b:s14+s4], $0x200, $0x38;
	[tilespmem:$0x1F908] =	vst v63  }
0x80: {  	_ =	swait.ge [sflag:s31], $0x200  }
0x81: {  	[sflag:s31] =	ssyncset.done $0x0;
	s22 =	rddreg [dreg:$0x9]  }
0x82: {  	s21 =	rddreg [dreg:$0xa];
	[sflag:s31] =	ssyncadd.s32 $0xFFFFFE00  }
0x83: {  	[tilespmem:s25], [sflag:$0x2] =	stream.indirect.gather [hbm4b:s5+s19], $0x40, s30, s19, $0xb8;
	[tilespmem:$0x1F908] =	vst v63  }
0x84: {  	s13 =	rddreg [dreg:$0xb]  }
0x85: {  	[tilespmem:s26], [sflag:$0x4] =	stream.indirect.gather [spmem:s3], $0x30, s2, s19, $0xb8;
	[tilespmem:$0x1F908] =	vst v63  }
0x86: {  	s0 =	rddreg [dreg:$0xc]  }
0x87: {  	[tilespmem:s21], [sflag:$0x2] =	stream.indirect.gather [hbm4b:s5+s19], $0x40, s22, s19, $0xb8;
	[tilespmem:$0x1F908] =	vst v63  }
0x88: {  	s21 =	rddreg [dreg:$0xf]  }
0x89: {  	s22 =	rddreg [dreg:$0x10]  }
0x8a: {  	[tilespmem:s0], [sflag:$0x4] =	stream.indirect.gather [spmem:s3], $0x30, s13, s19, $0xb8;
	[tilespmem:$0x1F908] =	vst v63  }
0x8b: {  	s0 =	rddreg [dreg:$0xd]  }
0x8c: {  	s13 =	rddreg [dreg:$0xe]  }
0x8d: {  	[tilespmem:s13], [sflag:$0x2] =	stream.indirect.gather [hbm4b:s5+s19], $0x40, s0, s19, $0xb8;
	[tilespmem:$0x1F908] =	vst v63  }
0x8e: {  	s0 =	rddreg [dreg:$0x11]  }
0x8f: {  	s13 =	rddreg [dreg:$0x12]  }
0x90: {  	[tilespmem:s22], [sflag:$0x4] =	stream.indirect.gather [spmem:s3], $0x30, s21, s19, $0xb8;
	[tilespmem:$0x1F908] =	vst v63  }
0x91: {  	s21 =	rddreg [dreg:$0x13]  }
0x92: {  	[tilespmem:s13], [sflag:$0x2] =	stream.indirect.gather [hbm4b:s5+s19], $0x40, s0, s19, $0xb8;
	[tilespmem:$0x1F908] =	vst v63  }
0x93: {  	s22 =	rddreg [dreg:$0x14]  }
0x94: {  	[tilespmem:s22], [sflag:$0x4] =	stream.indirect.gather [spmem:s3], $0x30, s21, s19, $0xb8;
	[tilespmem:$0x1F908] =	vst v63  }
0x95: {  	v1 =	vld [tilespmem:$0x400];
	_ =	sdelay $0x4  }
0x96: {  	v1 =	vshll.u32 v1, $0x6  }
0x97: {  	v2 =	vor.u32 $0x30, v1  }
0x98: {  	v1 =	vor.u32 $0x31, v1  }
0x99: {  	v13 =	vld [tilespmem:$0x1FFE0]  }
0x9a: {  	v5 =	vld [tilespmem:$0x1FC00];
	_ =	sdelay $0x1  }
0x9b: {  	v2 =	vld.idx.msk [tilespmem:v2+s16+$0x0], $0xffff  }
0x9c: {  	v1 =	vld.idx.msk [tilespmem:v1+s16+$0x0], $0xffff;
	_ =	sdelay $0x3  }
0x9d: {  	[tilespmem:v13+s28+$0x0] =	vst.idx.msk $0xffff, v2  }
0x9e: {  	[tilespmem:v5+s28+$0x0] =	vst.idx.msk $0xffff, v1  }
0x9f: {  	v1 =	vld [tilespmem:$0x410];
	_ =	sdelay $0x4  }
0xa0: {  	v1 =	vshll.u32 v1, $0x6  }
0xa1: {  	v35 =	vor.u32 $0x30, v1  }
0xa2: {  	v1 =	vor.u32 $0x31, v1  }
0xa3: {  	v6 =	vld [tilespmem:$0x1FC10]  }
0xa4: {  	v7 =	vld [tilespmem:$0x1FC20];
	_ =	sdelay $0x1  }
0xa5: {  	v2 =	vld.idx.msk [tilespmem:v35+s16+$0x0], $0xffff  }
0xa6: {  	v1 =	vld.idx.msk [tilespmem:v1+s16+$0x0], $0xffff;
	_ =	sdelay $0x3  }
0xa7: {  	[tilespmem:v6+s28+$0x0] =	vst.idx.msk $0xffff, v2  }
0xa8: {  	[tilespmem:v7+s28+$0x0] =	vst.idx.msk $0xffff, v1  }
0xa9: {  	v1 =	vld [tilespmem:$0x420];
	_ =	sdelay $0x4  }
0xaa: {  	v1 =	vshll.u32 v1, $0x6  }
0xab: {  	v36 =	vor.u32 $0x30, v1  }
0xac: {  	v1 =	vor.u32 $0x31, v1  }
0xad: {  	v8 =	vld [tilespmem:$0x1FC30]  }
0xae: {  	v9 =	vld [tilespmem:$0x1FC40];
	_ =	sdelay $0x1  }
0xaf: {  	v2 =	vld.idx.msk [tilespmem:v36+s16+$0x0], $0xffff  }
0xb0: {  	v1 =	vld.idx.msk [tilespmem:v1+s16+$0x0], $0xffff;
	_ =	sdelay $0x3  }
0xb1: {  	[tilespmem:v8+s28+$0x0] =	vst.idx.msk $0xffff, v2  }
0xb2: {  	[tilespmem:v9+s28+$0x0] =	vst.idx.msk $0xffff, v1  }
0xb3: {  	v1 =	vld [tilespmem:$0x430];
	_ =	sdelay $0x4  }
0xb4: {  	v1 =	vshll.u32 v1, $0x6  }
0xb5: {  	v37 =	vor.u32 $0x30, v1  }
0xb6: {  	v1 =	vor.u32 $0x31, v1  }
0xb7: {  	v10 =	vld [tilespmem:$0x1FC50]  }
0xb8: {  	v3 =	vld [tilespmem:$0x1FC60];
	_ =	sdelay $0x1  }
0xb9: {  	v2 =	vld.idx.msk [tilespmem:v37+s16+$0x0], $0xffff  }
0xba: {  	v1 =	vld.idx.msk [tilespmem:v1+s16+$0x0], $0xffff;
	_ =	sdelay $0x3  }
0xbb: {  	[tilespmem:v10+s28+$0x0] =	vst.idx.msk $0xffff, v2  }
0xbc: {  	[tilespmem:v3+s28+$0x0] =	vst.idx.msk $0xffff, v1  }
0xbd: {  	v1 =	vld [tilespmem:$0x440];
	_ =	sdelay $0x4  }
0xbe: {  	v1 =	vshll.u32 v1, $0x6  }
0xbf: {  	v38 =	vor.u32 $0x30, v1  }
0xc0: {  	v1 =	vor.u32 $0x31, v1  }
0xc1: {  	v11 =	vld [tilespmem:$0x1FC70]  }
0xc2: {  	v12 =	vld [tilespmem:$0x1FC80];
	_ =	sdelay $0x1  }
0xc3: {  	v2 =	vld.idx.msk [tilespmem:v38+s16+$0x0], $0xffff  }
0xc4: {  	v1 =	vld.idx.msk [tilespmem:v1+s16+$0x0], $0xffff;
	_ =	sdelay $0x3  }
0xc5: {  	[tilespmem:v11+s28+$0x0] =	vst.idx.msk $0xffff, v2  }
0xc6: {  	[tilespmem:v12+s28+$0x0] =	vst.idx.msk $0xffff, v1  }
0xc7: {  	v1 =	vld [tilespmem:$0x450];
	_ =	sdelay $0x4  }
0xc8: {  	v1 =	vshll.u32 v1, $0x6  }
0xc9: {  	v39 =	vor.u32 $0x30, v1  }
0xca: {  	v1 =	vor.u32 $0x31, v1  }
0xcb: {  	v14 =	vld [tilespmem:$0x1FC90]  }
0xcc: {  	v15 =	vld [tilespmem:$0x1FCA0];
	_ =	sdelay $0x1  }
0xcd: {  	v2 =	vld.idx.msk [tilespmem:v39+s16+$0x0], $0xffff  }
0xce: {  	v1 =	vld.idx.msk [tilespmem:v1+s16+$0x0], $0xffff;
	_ =	sdelay $0x3  }
0xcf: {  	[tilespmem:v14+s28+$0x0] =	vst.idx.msk $0xffff, v2  }
0xd0: {  	[tilespmem:v15+s28+$0x0] =	vst.idx.msk $0xffff, v1  }
0xd1: {  	v1 =	vld [tilespmem:$0x460];
	_ =	sdelay $0x4  }
0xd2: {  	v1 =	vshll.u32 v1, $0x6  }
0xd3: {  	v40 =	vor.u32 $0x30, v1  }
0xd4: {  	v1 =	vor.u32 $0x31, v1  }
0xd5: {  	v16 =	vld [tilespmem:$0x1FCB0]  }
0xd6: {  	v17 =	vld [tilespmem:$0x1FCC0];
	_ =	sdelay $0x1  }
0xd7: {  	v2 =	vld.idx.msk [tilespmem:v40+s16+$0x0], $0xffff  }
0xd8: {  	v1 =	vld.idx.msk [tilespmem:v1+s16+$0x0], $0xffff;
	_ =	sdelay $0x3  }
0xd9: {  	[tilespmem:v16+s28+$0x0] =	vst.idx.msk $0xffff, v2  }
0xda: {  	[tilespmem:v17+s28+$0x0] =	vst.idx.msk $0xffff, v1  }
0xdb: {  	v1 =	vld [tilespmem:$0x470];
	_ =	sdelay $0x4  }
0xdc: {  	v1 =	vshll.u32 v1, $0x6  }
0xdd: {  	v41 =	vor.u32 $0x30, v1  }
0xde: {  	v1 =	vor.u32 $0x31, v1  }
0xdf: {  	v18 =	vld [tilespmem:$0x1FCD0]  }
0xe0: {  	v19 =	vld [tilespmem:$0x1FCE0];
	_ =	sdelay $0x1  }
0xe1: {  	v2 =	vld.idx.msk [tilespmem:v41+s16+$0x0], $0xffff  }
0xe2: {  	v1 =	vld.idx.msk [tilespmem:v1+s16+$0x0], $0xffff;
	_ =	sdelay $0x3  }
0xe3: {  	[tilespmem:v18+s28+$0x0] =	vst.idx.msk $0xffff, v2  }
0xe4: {  	[tilespmem:v19+s28+$0x0] =	vst.idx.msk $0xffff, v1  }
0xe5: {  	v1 =	vld [tilespmem:$0x480];
	_ =	sdelay $0x4  }
0xe6: {  	v1 =	vshll.u32 v1, $0x6  }
0xe7: {  	v42 =	vor.u32 $0x30, v1  }
0xe8: {  	v1 =	vor.u32 $0x31, v1  }
0xe9: {  	v20 =	vld [tilespmem:$0x1FCF0]  }
0xea: {  	v21 =	vld [tilespmem:$0x1FD00];
	_ =	sdelay $0x1  }
0xeb: {  	v2 =	vld.idx.msk [tilespmem:v42+s16+$0x0], $0xffff  }
0xec: {  	v1 =	vld.idx.msk [tilespmem:v1+s16+$0x0], $0xffff;
	_ =	sdelay $0x3  }
0xed: {  	[tilespmem:v20+s28+$0x0] =	vst.idx.msk $0xffff, v2  }
0xee: {  	[tilespmem:v21+s28+$0x0] =	vst.idx.msk $0xffff, v1  }
0xef: {  	v1 =	vld [tilespmem:$0x490];
	_ =	sdelay $0x4  }
0xf0: {  	v1 =	vshll.u32 v1, $0x6  }
0xf1: {  	v43 =	vor.u32 $0x30, v1  }
0xf2: {  	v1 =	vor.u32 $0x31, v1  }
0xf3: {  	v22 =	vld [tilespmem:$0x1FD10]  }
0xf4: {  	v23 =	vld [tilespmem:$0x1FD20];
	_ =	sdelay $0x1  }
0xf5: {  	v2 =	vld.idx.msk [tilespmem:v43+s16+$0x0], $0xffff  }
0xf6: {  	v1 =	vld.idx.msk [tilespmem:v1+s16+$0x0], $0xffff;
	_ =	sdelay $0x3  }
0xf7: {  	[tilespmem:v22+s28+$0x0] =	vst.idx.msk $0xffff, v2  }
0xf8: {  	[tilespmem:v23+s28+$0x0] =	vst.idx.msk $0xffff, v1  }
0xf9: {  	v1 =	vld [tilespmem:$0x4A0];
	_ =	sdelay $0x4  }
0xfa: {  	v1 =	vshll.u32 v1, $0x6  }
0xfb: {  	v44 =	vor.u32 $0x30, v1  }
0xfc: {  	v1 =	vor.u32 $0x31, v1  }
0xfd: {  	v24 =	vld [tilespmem:$0x1FD30]  }
0xfe: {  	v25 =	vld [tilespmem:$0x1FD40];
	_ =	sdelay $0x1  }
0xff: {  	v2 =	vld.idx.msk [tilespmem:v44+s16+$0x0], $0xffff  }
0x100: {  	v1 =	vld.idx.msk [tilespmem:v1+s16+$0x0], $0xffff;
	_ =	sdelay $0x3  }
0x101: {  	[tilespmem:v24+s28+$0x0] =	vst.idx.msk $0xffff, v2  }
0x102: {  	[tilespmem:v25+s28+$0x0] =	vst.idx.msk $0xffff, v1  }
0x103: {  	v1 =	vld [tilespmem:$0x4B0];
	_ =	sdelay $0x4  }
0x104: {  	v1 =	vshll.u32 v1, $0x6  }
0x105: {  	v45 =	vor.u32 $0x30, v1  }
0x106: {  	v1 =	vor.u32 $0x31, v1  }
0x107: {  	v26 =	vld [tilespmem:$0x1FD50]  }
0x108: {  	v27 =	vld [tilespmem:$0x1FD60];
	_ =	sdelay $0x1  }
0x109: {  	v2 =	vld.idx.msk [tilespmem:v45+s16+$0x0], $0xffff  }
0x10a: {  	v1 =	vld.idx.msk [tilespmem:v1+s16+$0x0], $0xffff;
	_ =	sdelay $0x3  }
0x10b: {  	[tilespmem:v26+s28+$0x0] =	vst.idx.msk $0xffff, v2  }
0x10c: {  	[tilespmem:v27+s28+$0x0] =	vst.idx.msk $0xffff, v1  }
0x10d: {  	v1 =	vld [tilespmem:$0x4C0];
	_ =	sdelay $0x4  }
0x10e: {  	v1 =	vshll.u32 v1, $0x6  }
0x10f: {  	v46 =	vor.u32 $0x30, v1  }
0x110: {  	v1 =	vor.u32 $0x31, v1  }
0x111: {  	v28 =	vld [tilespmem:$0x1FD70]  }
0x112: {  	v29 =	vld [tilespmem:$0x1FD80];
	_ =	sdelay $0x1  }
0x113: {  	v2 =	vld.idx.msk [tilespmem:v46+s16+$0x0], $0xffff  }
0x114: {  	v1 =	vld.idx.msk [tilespmem:v1+s16+$0x0], $0xffff;
	_ =	sdelay $0x3  }
0x115: {  	[tilespmem:v28+s28+$0x0] =	vst.idx.msk $0xffff, v2  }
0x116: {  	[tilespmem:v29+s28+$0x0] =	vst.idx.msk $0xffff, v1  }
0x117: {  	v1 =	vld [tilespmem:$0x4D0];
	_ =	sdelay $0x4  }
0x118: {  	v1 =	vshll.u32 v1, $0x6  }
0x119: {  	v47 =	vor.u32 $0x30, v1  }
0x11a: {  	v1 =	vor.u32 $0x31, v1  }
0x11b: {  	v30 =	vld [tilespmem:$0x1FD90]  }
0x11c: {  	v31 =	vld [tilespmem:$0x1FDA0];
	_ =	sdelay $0x1  }
0x11d: {  	v2 =	vld.idx.msk [tilespmem:v47+s16+$0x0], $0xffff  }
0x11e: {  	v1 =	vld.idx.msk [tilespmem:v1+s16+$0x0], $0xffff;
	_ =	sdelay $0x3  }
0x11f: {  	[tilespmem:v30+s28+$0x0] =	vst.idx.msk $0xffff, v2  }
0x120: {  	[tilespmem:v31+s28+$0x0] =	vst.idx.msk $0xffff, v1  }
0x121: {  	v1 =	vld [tilespmem:$0x4E0];
	_ =	sdelay $0x4  }
0x122: {  	v1 =	vshll.u32 v1, $0x6  }
0x123: {  	v48 =	vor.u32 $0x30, v1  }
0x124: {  	v1 =	vor.u32 $0x31, v1  }
0x125: {  	v32 =	vld [tilespmem:$0x1FDB0]  }
0x126: {  	v33 =	vld [tilespmem:$0x1FDC0];
	_ =	sdelay $0x1  }
0x127: {  	v2 =	vld.idx.msk [tilespmem:v48+s16+$0x0], $0xffff  }
0x128: {  	v1 =	vld.idx.msk [tilespmem:v1+s16+$0x0], $0xffff;
	_ =	sdelay $0x3  }
0x129: {  	[tilespmem:v32+s28+$0x0] =	vst.idx.msk $0xffff, v2  }
0x12a: {  	[tilespmem:v33+s28+$0x0] =	vst.idx.msk $0xffff, v1  }
0x12b: {  	v1 =	vld [tilespmem:$0x4F0];
	_ =	sdelay $0x4  }
0x12c: {  	v1 =	vshll.u32 v1, $0x6  }
0x12d: {  	v49 =	vor.u32 $0x30, v1  }
0x12e: {  	v1 =	vor.u32 $0x31, v1  }
0x12f: {  	v34 =	vld [tilespmem:$0x1FDD0]  }
0x130: {  	v35 =	vld [tilespmem:$0x1FDE0];
	_ =	sdelay $0x1  }
0x131: {  	v2 =	vld.idx.msk [tilespmem:v49+s16+$0x0], $0xffff  }
0x132: {  	v1 =	vld.idx.msk [tilespmem:v1+s16+$0x0], $0xffff;
	_ =	sdelay $0x3  }
0x133: {  	[tilespmem:v34+s28+$0x0] =	vst.idx.msk $0xffff, v2  }
0x134: {  	[tilespmem:v35+s28+$0x0] =	vst.idx.msk $0xffff, v1  }
0x135: {  	v1 =	vld [tilespmem:$0x500];
	_ =	sdelay $0x4  }
0x136: {  	v1 =	vshll.u32 v1, $0x6  }
0x137: {  	v50 =	vor.u32 $0x30, v1  }
0x138: {  	v1 =	vor.u32 $0x31, v1  }
0x139: {  	v36 =	vld [tilespmem:$0x1FDF0]  }
0x13a: {  	v37 =	vld [tilespmem:$0x1FE00];
	_ =	sdelay $0x1  }
0x13b: {  	v2 =	vld.idx.msk [tilespmem:v50+s16+$0x0], $0xffff  }
0x13c: {  	v1 =	vld.idx.msk [tilespmem:v1+s16+$0x0], $0xffff;
	_ =	sdelay $0x3  }
0x13d: {  	[tilespmem:v36+s28+$0x0] =	vst.idx.msk $0xffff, v2  }
0x13e: {  	[tilespmem:v37+s28+$0x0] =	vst.idx.msk $0xffff, v1  }
0x13f: {  	v1 =	vld [tilespmem:$0x510];
	_ =	sdelay $0x4  }
0x140: {  	v1 =	vshll.u32 v1, $0x6  }
0x141: {  	v51 =	vor.u32 $0x30, v1  }
0x142: {  	v1 =	vor.u32 $0x31, v1  }
0x143: {  	v38 =	vld [tilespmem:$0x1FE10]  }
0x144: {  	v39 =	vld [tilespmem:$0x1FE20];
	_ =	sdelay $0x1  }
0x145: {  	v2 =	vld.idx.msk [tilespmem:v51+s16+$0x0], $0xffff  }
0x146: {  	v1 =	vld.idx.msk [tilespmem:v1+s16+$0x0], $0xffff;
	_ =	sdelay $0x3  }
0x147: {  	[tilespmem:v38+s28+$0x0] =	vst.idx.msk $0xffff, v2  }
0x148: {  	[tilespmem:v39+s28+$0x0] =	vst.idx.msk $0xffff, v1  }
0x149: {  	v1 =	vld [tilespmem:$0x520];
	_ =	sdelay $0x4  }
0x14a: {  	v1 =	vshll.u32 v1, $0x6  }
0x14b: {  	v52 =	vor.u32 $0x30, v1  }
0x14c: {  	v1 =	vor.u32 $0x31, v1  }
0x14d: {  	v40 =	vld [tilespmem:$0x1FE30]  }
0x14e: {  	v41 =	vld [tilespmem:$0x1FE40];
	_ =	sdelay $0x1  }
0x14f: {  	v2 =	vld.idx.msk [tilespmem:v52+s16+$0x0], $0xffff  }
0x150: {  	v1 =	vld.idx.msk [tilespmem:v1+s16+$0x0], $0xffff;
	_ =	sdelay $0x3  }
0x151: {  	[tilespmem:v40+s28+$0x0] =	vst.idx.msk $0xffff, v2  }
0x152: {  	[tilespmem:v41+s28+$0x0] =	vst.idx.msk $0xffff, v1  }
0x153: {  	v1 =	vld [tilespmem:$0x530];
	_ =	sdelay $0x4  }
0x154: {  	v1 =	vshll.u32 v1, $0x6  }
0x155: {  	v53 =	vor.u32 $0x30, v1  }
0x156: {  	v1 =	vor.u32 $0x31, v1  }
0x157: {  	v42 =	vld [tilespmem:$0x1FE50]  }
0x158: {  	v43 =	vld [tilespmem:$0x1FE60];
	_ =	sdelay $0x1  }
0x159: {  	v2 =	vld.idx.msk [tilespmem:v53+s16+$0x0], $0xffff  }
0x15a: {  	v1 =	vld.idx.msk [tilespmem:v1+s16+$0x0], $0xffff;
	_ =	sdelay $0x3  }
0x15b: {  	[tilespmem:v42+s28+$0x0] =	vst.idx.msk $0xffff, v2  }
0x15c: {  	[tilespmem:v43+s28+$0x0] =	vst.idx.msk $0xffff, v1  }
0x15d: {  	v1 =	vld [tilespmem:$0x540];
	_ =	sdelay $0x4  }
0x15e: {  	v1 =	vshll.u32 v1, $0x6  }
0x15f: {  	v54 =	vor.u32 $0x30, v1  }
0x160: {  	v1 =	vor.u32 $0x31, v1  }
0x161: {  	v44 =	vld [tilespmem:$0x1FE70]  }
0x162: {  	v45 =	vld [tilespmem:$0x1FE80];
	_ =	sdelay $0x1  }
0x163: {  	v2 =	vld.idx.msk [tilespmem:v54+s16+$0x0], $0xffff  }
0x164: {  	v1 =	vld.idx.msk [tilespmem:v1+s16+$0x0], $0xffff;
	_ =	sdelay $0x3  }
0x165: {  	[tilespmem:v44+s28+$0x0] =	vst.idx.msk $0xffff, v2  }
0x166: {  	[tilespmem:v45+s28+$0x0] =	vst.idx.msk $0xffff, v1  }
0x167: {  	v1 =	vld [tilespmem:$0x550];
	_ =	sdelay $0x4  }
0x168: {  	v1 =	vshll.u32 v1, $0x6  }
0x169: {  	v55 =	vor.u32 $0x30, v1  }
0x16a: {  	v1 =	vor.u32 $0x31, v1  }
0x16b: {  	v46 =	vld [tilespmem:$0x1FE90]  }
0x16c: {  	v47 =	vld [tilespmem:$0x1FEA0];
	_ =	sdelay $0x1  }
0x16d: {  	v2 =	vld.idx.msk [tilespmem:v55+s16+$0x0], $0xffff  }
0x16e: {  	v1 =	vld.idx.msk [tilespmem:v1+s16+$0x0], $0xffff;
	_ =	sdelay $0x3  }
0x16f: {  	[tilespmem:v46+s28+$0x0] =	vst.idx.msk $0xffff, v2  }
0x170: {  	[tilespmem:v47+s28+$0x0] =	vst.idx.msk $0xffff, v1  }
0x171: {  	v1 =	vld [tilespmem:$0x560];
	_ =	sdelay $0x4  }
0x172: {  	v1 =	vshll.u32 v1, $0x6  }
0x173: {  	v56 =	vor.u32 $0x30, v1  }
0x174: {  	v1 =	vor.u32 $0x31, v1  }
0x175: {  	v48 =	vld [tilespmem:$0x1FEB0]  }
0x176: {  	v49 =	vld [tilespmem:$0x1FEC0];
	_ =	sdelay $0x1  }
0x177: {  	v2 =	vld.idx.msk [tilespmem:v56+s16+$0x0], $0xffff  }
0x178: {  	v1 =	vld.idx.msk [tilespmem:v1+s16+$0x0], $0xffff;
	_ =	sdelay $0x3  }
0x179: {  	[tilespmem:v48+s28+$0x0] =	vst.idx.msk $0xffff, v2  }
0x17a: {  	[tilespmem:v49+s28+$0x0] =	vst.idx.msk $0xffff, v1  }
0x17b: {  	v1 =	vld [tilespmem:$0x570];
	_ =	sdelay $0x4  }
0x17c: {  	v1 =	vshll.u32 v1, $0x6  }
0x17d: {  	v57 =	vor.u32 $0x30, v1  }
0x17e: {  	v1 =	vor.u32 $0x31, v1  }
0x17f: {  	v50 =	vld [tilespmem:$0x1FED0]  }
0x180: {  	v52 =	vld [tilespmem:$0x1FEE0];
	_ =	sdelay $0x1  }
0x181: {  	v2 =	vld.idx.msk [tilespmem:v57+s16+$0x0], $0xffff  }
0x182: {  	v1 =	vld.idx.msk [tilespmem:v1+s16+$0x0], $0xffff;
	_ =	sdelay $0x3  }
0x183: {  	[tilespmem:v50+s28+$0x0] =	vst.idx.msk $0xffff, v2  }
0x184: {  	[tilespmem:v52+s28+$0x0] =	vst.idx.msk $0xffff, v1  }
0x185: {  	v1 =	vld [tilespmem:$0x580];
	_ =	sdelay $0x4  }
0x186: {  	v1 =	vshll.u32 v1, $0x6  }
0x187: {  	v58 =	vor.u32 $0x30, v1  }
0x188: {  	v1 =	vor.u32 $0x31, v1  }
0x189: {  	v51 =	vld [tilespmem:$0x1FEF0]  }
0x18a: {  	v53 =	vld [tilespmem:$0x1FF00];
	_ =	sdelay $0x1  }
0x18b: {  	v2 =	vld.idx.msk [tilespmem:v58+s16+$0x0], $0xffff  }
0x18c: {  	v1 =	vld.idx.msk [tilespmem:v1+s16+$0x0], $0xffff;
	_ =	sdelay $0x3  }
0x18d: {  	[tilespmem:v51+s28+$0x0] =	vst.idx.msk $0xffff, v2  }
0x18e: {  	[tilespmem:v53+s28+$0x0] =	vst.idx.msk $0xffff, v1  }
0x18f: {  	v1 =	vld [tilespmem:$0x590];
	_ =	sdelay $0x4  }
0x190: {  	v1 =	vshll.u32 v1, $0x6  }
0x191: {  	v59 =	vor.u32 $0x30, v1  }
0x192: {  	v1 =	vor.u32 $0x31, v1  }
0x193: {  	v54 =	vld [tilespmem:$0x1FF10]  }
0x194: {  	v55 =	vld [tilespmem:$0x1FF20];
	_ =	sdelay $0x1  }
0x195: {  	v2 =	vld.idx.msk [tilespmem:v59+s16+$0x0], $0xffff  }
0x196: {  	v1 =	vld.idx.msk [tilespmem:v1+s16+$0x0], $0xffff;
	_ =	sdelay $0x3  }
0x197: {  	[tilespmem:v54+s28+$0x0] =	vst.idx.msk $0xffff, v2  }
0x198: {  	[tilespmem:v55+s28+$0x0] =	vst.idx.msk $0xffff, v1  }
0x199: {  	v1 =	vld [tilespmem:$0x5A0];
	_ =	sdelay $0x4  }
0x19a: {  	v1 =	vshll.u32 v1, $0x6  }
0x19b: {  	v60 =	vor.u32 $0x30, v1  }
0x19c: {  	v1 =	vor.u32 $0x31, v1  }
0x19d: {  	v56 =	vld [tilespmem:$0x1FF30]  }
0x19e: {  	v57 =	vld [tilespmem:$0x1FF40];
	_ =	sdelay $0x1  }
0x19f: {  	v2 =	vld.idx.msk [tilespmem:v60+s16+$0x0], $0xffff  }
0x1a0: {  	v1 =	vld.idx.msk [tilespmem:v1+s16+$0x0], $0xffff;
	_ =	sdelay $0x3  }
0x1a1: {  	[tilespmem:v56+s28+$0x0] =	vst.idx.msk $0xffff, v2  }
0x1a2: {  	[tilespmem:v57+s28+$0x0] =	vst.idx.msk $0xffff, v1  }
0x1a3: {  	v1 =	vld [tilespmem:$0x5B0];
	_ =	sdelay $0x4  }
0x1a4: {  	v1 =	vshll.u32 v1, $0x6  }
0x1a5: {  	v61 =	vor.u32 $0x30, v1  }
0x1a6: {  	v1 =	vor.u32 $0x31, v1  }
0x1a7: {  	v58 =	vld [tilespmem:$0x1FF50]  }
0x1a8: {  	v59 =	vld [tilespmem:$0x1FF60];
	_ =	sdelay $0x1  }
0x1a9: {  	v2 =	vld.idx.msk [tilespmem:v61+s16+$0x0], $0xffff  }
0x1aa: {  	v1 =	vld.idx.msk [tilespmem:v1+s16+$0x0], $0xffff;
	_ =	sdelay $0x3  }
0x1ab: {  	[tilespmem:v58+s28+$0x0] =	vst.idx.msk $0xffff, v2  }
0x1ac: {  	[tilespmem:v59+s28+$0x0] =	vst.idx.msk $0xffff, v1  }
0x1ad: {  	v1 =	vld [tilespmem:$0x5C0];
	_ =	sdelay $0x4  }
0x1ae: {  	v1 =	vshll.u32 v1, $0x6  }
0x1af: {  	v62 =	vor.u32 $0x30, v1  }
0x1b0: {  	v1 =	vor.u32 $0x31, v1  }
0x1b1: {  	v60 =	vld [tilespmem:$0x1FF70]  }
0x1b2: {  	v61 =	vld [tilespmem:$0x1FF80];
	_ =	sdelay $0x1  }
0x1b3: {  	v2 =	vld.idx.msk [tilespmem:v62+s16+$0x0], $0xffff  }
0x1b4: {  	v1 =	vld.idx.msk [tilespmem:v1+s16+$0x0], $0xffff;
	_ =	sdelay $0x3  }
0x1b5: {  	[tilespmem:v60+s28+$0x0] =	vst.idx.msk $0xffff, v2  }
0x1b6: {  	[tilespmem:v61+s28+$0x0] =	vst.idx.msk $0xffff, v1  }
0x1b7: {  	v1 =	vld [tilespmem:$0x5D0];
	_ =	sdelay $0x4  }
0x1b8: {  	v1 =	vshll.u32 v1, $0x6  }
0x1b9: {  	v63 =	vor.u32 $0x30, v1;
	_ =	sdelay $0x3  }
0x1ba: {  	v62 =	vld [tilespmem:$0x1FF90];
	v1 =	vor.u32 $0x31, v1  }
0x1bb: {  	v2 =	vld.idx.msk [tilespmem:v63+s16+$0x0], $0xffff  }
0x1bc: {  	v63 =	vld [tilespmem:$0x1FFA0];
	_ =	sdelay $0x2  }
0x1bd: {  	v1 =	vld.idx.msk [tilespmem:v1+s16+$0x0], $0xffff;
	_ =	sdelay $0x3  }
0x1be: {  	[tilespmem:v62+s28+$0x0] =	vst.idx.msk $0xffff, v2  }
0x1bf: {  	[tilespmem:v63+s28+$0x0] =	vst.idx.msk $0xffff, v1  }
0x1c0: {  	v1 =	vld [tilespmem:$0x5E0];
	_ =	sdelay $0x4  }
0x1c1: {  	v1 =	vshll.u32 v1, $0x6  }
0x1c2: {  	v4 =	vor.u32 $0x30, v1;
	_ =	sdelay $0x3  }
0x1c3: {  	v0 =	vld [tilespmem:$0x1FFB0];
	v1 =	vor.u32 $0x31, v1  }
0x1c4: {  	v2 =	vld.idx.msk [tilespmem:v4+s16+$0x0], $0xffff  }
0x1c5: {  	v4 =	vld [tilespmem:$0x1FFC0];
	_ =	sdelay $0x2  }
0x1c6: {  	v1 =	vld.idx.msk [tilespmem:v1+s16+$0x0], $0xffff;
	_ =	sdelay $0x3  }
0x1c7: {  	[tilespmem:v0+s28+$0x0] =	vst.idx.msk $0xffff, v2  }
0x1c8: {  	[tilespmem:v4+s28+$0x0] =	vst.idx.msk $0xffff, v1  }
0x1c9: {  	v1 =	vld [tilespmem:$0x5F0];
	_ =	sdelay $0x4  }
0x1ca: {  	v1 =	vshll.u32 v1, $0x6  }
0x1cb: {  	v2 =	vor.u32 $0x30, v1;
	_ =	sdelay $0x1  }
0x1cc: {  	v0 =	vld [tilespmem:$0x1FFD0];
	_ =	sdelay $0x1  }
0x1cd: {  	v1 =	vor.u32 $0x31, v1  }
0x1ce: {  	v2 =	vld.idx.msk [tilespmem:v2+s16+$0x0], $0xffff;
	_ =	sdelay $0x3  }
0x1cf: {  	v1 =	vld.idx.msk [tilespmem:v1+s16+$0x0], $0xffff  }
0x1d0: {  	[tilespmem:v0+s28+$0x0] =	vst.idx.msk $0xffff, v2;
	v2 =	vld [tilespmem:$0x1FFF0];
	_ =	sdelay $0x7  }
0x1d1: {  	[tilespmem:v2+s28+$0x0] =	vst.idx.msk $0xffff, v1  }
0x1d2: {  	_ =	swait.ge [sflag:s29], $0x2000  }
0x1d3: {  	[sflag:s29] =	ssyncset.done $0x0  }
0x1d4: {  	[sflag:s29] =	ssyncadd.s32 $0xFFFFE000  }
0x1d5: {  	_ =	swait.ge [sflag:s6], $0x1800  }
0x1d6: {  	[sflag:s6] =	ssyncset.done $0x0  }
0x1d7: {  	[sflag:s6] =	ssyncadd.s32 $0xFFFFE800  }
0x1d8: {  	_ =	swait.ge [sflag:s29], $0x2000  }
0x1d9: {  	[sflag:s29] =	ssyncset.done $0x0  }
0x1da: {  	[sflag:s29] =	ssyncadd.s32 $0xFFFFE000  }
0x1db: {  	_ =	swait.ge [sflag:s6], $0x1800  }
0x1dc: {  	[sflag:s6] =	ssyncset.done $0x0  }
0x1dd: {  	[sflag:s6] =	ssyncadd.s32 $0xFFFFE800  }
0x1de: {  	_ =	swait.ge [sflag:s29], $0x2000  }
0x1df: {  	[sflag:s29] =	ssyncset.done $0x0  }
0x1e0: {  	[sflag:s29] =	ssyncadd.s32 $0xFFFFE000  }
0x1e1: {  	_ =	swait.ge [sflag:s6], $0x1800  }
0x1e2: {  	[sflag:s6] =	ssyncset.done $0x0  }
0x1e3: {  	[sflag:s6] =	ssyncadd.s32 $0xFFFFE800  }
0x1e4: {  	_ =	swait.ge [sflag:s29], $0x2000  }
0x1e5: {  	[sflag:s29] =	ssyncset.done $0x0  }
0x1e6: {  	[sflag:s29] =	ssyncadd.s32 $0xFFFFE000  }
0x1e7: {  	_ =	swait.ge [sflag:s6], $0x1800  }
0x1e8: {  	s13 =	rddreg [dreg:$0x8];
	[sflag:s6] =	ssyncset.done $0x0  }
0x1e9: {  	[sflag:s6] =	ssyncadd.s32 $0xFFFFE800;
	s22 =	sadd.s32 s18, s13  }
0x1ea: {  	[hbm4b:s22+s7] =	stream.strided.scatter [tilespmem:s24], [sflag:$0x7], $0x8000, s8, s7, $0x38;
	[tilespmem:$0x1F908] =	vst v63  }
0x1eb: {  	_ =	swait.ge [sflag:s31], $0x8000  }
0x1ec: {  	[sflag:s31] =	ssyncset.done $0x0  }
0x1ed: {  	s21 =	simm.s32 $0x10880;
	s0 =	sadd.s32 $0x8, s22;
	[sflag:s31] =	ssyncadd.s32 $0xFFFF8000  }
0x1ee: {  	[hbm4b:s0+s9] =	stream.strided.scatter [tilespmem:s21], [sflag:$0x7], $0x6000, s8, s9, $0x38;
	[tilespmem:$0x1F908] =	vst v63  }
0x1ef: {  	_ =	swait.ge [sflag:s31], $0x6000  }
0x1f0: {  	[sflag:s31] =	ssyncset.done $0x0  }
0x1f1: {  	s24 =	sadd.s32 $0xE, s22;
	[sflag:s31] =	ssyncadd.s32 $0xFFFFA000  }
0x1f2: {  	[hbm4b:s24+s10] =	stream.strided.scatter [tilespmem:s28], [sflag:$0x7], $0x1000, s8, s10, $0x38;
	[tilespmem:$0x1F908] =	vst v63  }
0x1f3: {  	p1 =	seq.s32 s18, $0x5A000;
	_ =	swait.ge [sflag:s31], $0x1000  }
0x1f4: {  	s0 =	sshrl.u32 @!p1 s20, $0x3;
	[sflag:s31] =	ssyncset.done $0x0  }
0x1f5: {  	s21 =	simm.s32 @!p1 $0x0;
	s13 =	sadd.s32 @!p1 s1, s0;
	[sflag:s31] =	ssyncadd.s32 $0xFFFFF000  }
0x1f6: {  	[tilespmem:s21], [sflag:$0x7] =	stream.linear.gather @!p1 [hbm4b:s13+s21], $0x200, $0x38;
	[tilespmem:$0x1F908] =	vst v63  }
0x1f7: {  	s13 =	simm.s32 @!p1 $0x7  }
0x1f8: {  	_ =	swait.ge @!p1 [sflag:s13], $0x200  }
0x1f9: {  	s0 =	sadd.s32 @!p1 s23, s0;
	s24 =	smov.u32 s23;
	[sflag:s13] =	ssyncset.done @!p1 $0x0  }
0x1fa: {  	s23 =	smov.u32 s1;
	s1 =	simm.s32 @!p1 $0x400;
	[sflag:s13] =	ssyncadd.s32 @!p1 $0xFFFFFE00  }
0x1fb: {  	[tilespmem:s1], [sflag:$0x7] =	stream.linear.gather @!p1 [hbm4b:s0+s21], $0x200, $0x38;
	[tilespmem:$0x1F908] =	vst v63  }
0x1fc: {  	_ =	swait.ge @!p1 [sflag:s13], $0x200  }
0x1fd: {  	[sflag:s13] =	ssyncset.done @!p1 $0x0  }
0x1fe: {  	s0 =	simm.s32 @!p1 $0x80;
	[sflag:s13] =	ssyncadd.s32 @!p1 $0xFFFFFE00;
	s13 =	simm.s32 @!p1 $0x880  }
0x1ff: {  	[tilespmem:s13], [sflag:$0x1] =	stream.indirect.gather @!p1 [hbm4b:s5+s0], $0x40, s21, s0, $0xb8;
	[tilespmem:$0x1F908] =	vst v63  }
0x200: {  	s13 =	simm.s32 @!p1 $0x10880  }
0x201: {  	[tilespmem:s13], [sflag:$0x3] =	stream.indirect.gather @!p1 [spmem:s3], $0x30, s1, s0, $0xb8;
	[tilespmem:$0x1F908] =	vst v63  }
0x202: {  	s1 =	simm.s32 @!p1 $0x2880  }
0x203: {  	[tilespmem:s1], [sflag:$0x1] =	stream.indirect.gather @!p1 [hbm4b:s5+s0], $0x40, s0, s0, $0xb8;
	[tilespmem:$0x1F908] =	vst v63  }
0x204: {  	s13 =	simm.s32 @!p1 $0x12080;
	s1 =	simm.s32 @!p1 $0x480  }
0x205: {  	[tilespmem:s13], [sflag:$0x3] =	stream.indirect.gather @!p1 [spmem:s3], $0x30, s1, s0, $0xb8;
	[tilespmem:$0x1F908] =	vst v63  }
0x206: {  	s1 =	simm.s32 @!p1 $0x100;
	s13 =	simm.s32 @!p1 $0x4880  }
0x207: {  	[tilespmem:s13], [sflag:$0x1] =	stream.indirect.gather @!p1 [hbm4b:s5+s0], $0x40, s1, s0, $0xb8;
	[tilespmem:$0x1F908] =	vst v63  }
0x208: {  	s1 =	simm.s32 @!p1 $0x500;
	s13 =	simm.s32 @!p1 $0x13880  }
0x209: {  	[tilespmem:s13], [sflag:$0x3] =	stream.indirect.gather @!p1 [spmem:s3], $0x30, s1, s0, $0xb8;
	[tilespmem:$0x1F908] =	vst v63  }
0x20a: {  	s1 =	simm.s32 @!p1 $0x180;
	s13 =	simm.s32 @!p1 $0x6880  }
0x20b: {  	[tilespmem:s13], [sflag:$0x1] =	stream.indirect.gather @!p1 [hbm4b:s5+s0], $0x40, s1, s0, $0xb8;
	[tilespmem:$0x1F908] =	vst v63  }
0x20c: {  	s1 =	simm.s32 @!p1 $0x580;
	s13 =	simm.s32 @!p1 $0x15080  }
0x20d: {  	[tilespmem:s13], [sflag:$0x3] =	stream.indirect.gather @!p1 [spmem:s3], $0x30, s1, s0, $0xb8;
	[tilespmem:$0x1F908] =	vst v63  }
0x20e: {  	v1 =	vld [tilespmem:$0x600];
	_ =	sdelay $0x4  }
0x20f: {  	v1 =	vshll.u32 v1, $0x6  }
0x210: {  	v2 =	vor.u32 $0x30, v1  }
0x211: {  	v1 =	vor.u32 $0x31, v1;
	_ =	sdelay $0x3  }
0x212: {  	v2 =	vld.idx.msk [tilespmem:v2+s16+$0x0], $0xffff  }
0x213: {  	v1 =	vld.idx.msk [tilespmem:v1+s16+$0x0], $0xffff;
	_ =	sdelay $0x3  }
0x214: {  	[tilespmem:v13+s28+$0x0] =	vst.idx.msk $0xffff, v2  }
0x215: {  	[tilespmem:v5+s28+$0x0] =	vst.idx.msk $0xffff, v1  }
0x216: {  	v1 =	vld [tilespmem:$0x610];
	_ =	sdelay $0x4  }
0x217: {  	v1 =	vshll.u32 v1, $0x6  }
0x218: {  	v5 =	vor.u32 $0x30, v1  }
0x219: {  	v1 =	vor.u32 $0x31, v1;
	_ =	sdelay $0x3  }
0x21a: {  	v2 =	vld.idx.msk [tilespmem:v5+s16+$0x0], $0xffff  }
0x21b: {  	v1 =	vld.idx.msk [tilespmem:v1+s16+$0x0], $0xffff;
	_ =	sdelay $0x3  }
0x21c: {  	[tilespmem:v6+s28+$0x0] =	vst.idx.msk $0xffff, v2  }
0x21d: {  	[tilespmem:v7+s28+$0x0] =	vst.idx.msk $0xffff, v1  }
0x21e: {  	v1 =	vld [tilespmem:$0x620];
	_ =	sdelay $0x4  }
0x21f: {  	v1 =	vshll.u32 v1, $0x6  }
0x220: {  	v7 =	vor.u32 $0x30, v1  }
0x221: {  	v1 =	vor.u32 $0x31, v1;
	_ =	sdelay $0x3  }
0x222: {  	v2 =	vld.idx.msk [tilespmem:v7+s16+$0x0], $0xffff  }
0x223: {  	v1 =	vld.idx.msk [tilespmem:v1+s16+$0x0], $0xffff;
	_ =	sdelay $0x3  }
0x224: {  	[tilespmem:v8+s28+$0x0] =	vst.idx.msk $0xffff, v2  }
0x225: {  	[tilespmem:v9+s28+$0x0] =	vst.idx.msk $0xffff, v1  }
0x226: {  	v1 =	vld [tilespmem:$0x630];
	_ =	sdelay $0x4  }
0x227: {  	v1 =	vshll.u32 v1, $0x6  }
0x228: {  	v9 =	vor.u32 $0x30, v1  }
0x229: {  	v1 =	vor.u32 $0x31, v1;
	_ =	sdelay $0x3  }
0x22a: {  	v2 =	vld.idx.msk [tilespmem:v9+s16+$0x0], $0xffff  }
0x22b: {  	v1 =	vld.idx.msk [tilespmem:v1+s16+$0x0], $0xffff;
	_ =	sdelay $0x3  }
0x22c: {  	[tilespmem:v10+s28+$0x0] =	vst.idx.msk $0xffff, v2  }
0x22d: {  	[tilespmem:v3+s28+$0x0] =	vst.idx.msk $0xffff, v1  }
0x22e: {  	v1 =	vld [tilespmem:$0x640];
	_ =	sdelay $0x4  }
0x22f: {  	v1 =	vshll.u32 v1, $0x6  }
0x230: {  	v10 =	vor.u32 $0x30, v1  }
0x231: {  	v1 =	vor.u32 $0x31, v1;
	_ =	sdelay $0x3  }
0x232: {  	v2 =	vld.idx.msk [tilespmem:v10+s16+$0x0], $0xffff  }
0x233: {  	v1 =	vld.idx.msk [tilespmem:v1+s16+$0x0], $0xffff;
	_ =	sdelay $0x3  }
0x234: {  	[tilespmem:v11+s28+$0x0] =	vst.idx.msk $0xffff, v2  }
0x235: {  	[tilespmem:v12+s28+$0x0] =	vst.idx.msk $0xffff, v1  }
0x236: {  	v1 =	vld [tilespmem:$0x650];
	_ =	sdelay $0x4  }
0x237: {  	v1 =	vshll.u32 v1, $0x6  }
0x238: {  	v13 =	vor.u32 $0x30, v1  }
0x239: {  	v1 =	vor.u32 $0x31, v1;
	_ =	sdelay $0x3  }
0x23a: {  	v2 =	vld.idx.msk [tilespmem:v13+s16+$0x0], $0xffff  }
0x23b: {  	v1 =	vld.idx.msk [tilespmem:v1+s16+$0x0], $0xffff;
	_ =	sdelay $0x3  }
0x23c: {  	[tilespmem:v14+s28+$0x0] =	vst.idx.msk $0xffff, v2  }
0x23d: {  	[tilespmem:v15+s28+$0x0] =	vst.idx.msk $0xffff, v1  }
0x23e: {  	v1 =	vld [tilespmem:$0x660];
	_ =	sdelay $0x4  }
0x23f: {  	v1 =	vshll.u32 v1, $0x6  }
0x240: {  	v15 =	vor.u32 $0x30, v1  }
0x241: {  	v1 =	vor.u32 $0x31, v1;
	_ =	sdelay $0x3  }
0x242: {  	v2 =	vld.idx.msk [tilespmem:v15+s16+$0x0], $0xffff  }
0x243: {  	v1 =	vld.idx.msk [tilespmem:v1+s16+$0x0], $0xffff;
	_ =	sdelay $0x3  }
0x244: {  	[tilespmem:v16+s28+$0x0] =	vst.idx.msk $0xffff, v2  }
0x245: {  	[tilespmem:v17+s28+$0x0] =	vst.idx.msk $0xffff, v1  }
0x246: {  	v1 =	vld [tilespmem:$0x670];
	_ =	sdelay $0x4  }
0x247: {  	v1 =	vshll.u32 v1, $0x6  }
0x248: {  	v17 =	vor.u32 $0x30, v1  }
0x249: {  	v1 =	vor.u32 $0x31, v1;
	_ =	sdelay $0x3  }
0x24a: {  	v2 =	vld.idx.msk [tilespmem:v17+s16+$0x0], $0xffff  }
0x24b: {  	v1 =	vld.idx.msk [tilespmem:v1+s16+$0x0], $0xffff;
	_ =	sdelay $0x3  }
0x24c: {  	[tilespmem:v18+s28+$0x0] =	vst.idx.msk $0xffff, v2  }
0x24d: {  	[tilespmem:v19+s28+$0x0] =	vst.idx.msk $0xffff, v1  }
0x24e: {  	v1 =	vld [tilespmem:$0x680];
	_ =	sdelay $0x4  }
0x24f: {  	v1 =	vshll.u32 v1, $0x6  }
0x250: {  	v19 =	vor.u32 $0x30, v1  }
0x251: {  	v1 =	vor.u32 $0x31, v1;
	_ =	sdelay $0x3  }
0x252: {  	v2 =	vld.idx.msk [tilespmem:v19+s16+$0x0], $0xffff  }
0x253: {  	v1 =	vld.idx.msk [tilespmem:v1+s16+$0x0], $0xffff;
	_ =	sdelay $0x3  }
0x254: {  	[tilespmem:v20+s28+$0x0] =	vst.idx.msk $0xffff, v2  }
0x255: {  	[tilespmem:v21+s28+$0x0] =	vst.idx.msk $0xffff, v1  }
0x256: {  	v1 =	vld [tilespmem:$0x690];
	_ =	sdelay $0x4  }
0x257: {  	v1 =	vshll.u32 v1, $0x6  }
0x258: {  	v21 =	vor.u32 $0x30, v1  }
0x259: {  	v1 =	vor.u32 $0x31, v1;
	_ =	sdelay $0x3  }
0x25a: {  	v2 =	vld.idx.msk [tilespmem:v21+s16+$0x0], $0xffff  }
0x25b: {  	v1 =	vld.idx.msk [tilespmem:v1+s16+$0x0], $0xffff;
	_ =	sdelay $0x3  }
0x25c: {  	[tilespmem:v22+s28+$0x0] =	vst.idx.msk $0xffff, v2  }
0x25d: {  	[tilespmem:v23+s28+$0x0] =	vst.idx.msk $0xffff, v1  }
0x25e: {  	v1 =	vld [tilespmem:$0x6A0];
	_ =	sdelay $0x4  }
0x25f: {  	v1 =	vshll.u32 v1, $0x6  }
0x260: {  	v23 =	vor.u32 $0x30, v1  }
0x261: {  	v1 =	vor.u32 $0x31, v1;
	_ =	sdelay $0x3  }
0x262: {  	v2 =	vld.idx.msk [tilespmem:v23+s16+$0x0], $0xffff  }
0x263: {  	v1 =	vld.idx.msk [tilespmem:v1+s16+$0x0], $0xffff;
	_ =	sdelay $0x3  }
0x264: {  	[tilespmem:v24+s28+$0x0] =	vst.idx.msk $0xffff, v2  }
0x265: {  	[tilespmem:v25+s28+$0x0] =	vst.idx.msk $0xffff, v1  }
0x266: {  	v1 =	vld [tilespmem:$0x6B0];
	_ =	sdelay $0x4  }
0x267: {  	v1 =	vshll.u32 v1, $0x6  }
0x268: {  	v25 =	vor.u32 $0x30, v1  }
0x269: {  	v1 =	vor.u32 $0x31, v1;
	_ =	sdelay $0x3  }
0x26a: {  	v2 =	vld.idx.msk [tilespmem:v25+s16+$0x0], $0xffff  }
0x26b: {  	v1 =	vld.idx.msk [tilespmem:v1+s16+$0x0], $0xffff;
	_ =	sdelay $0x3  }
0x26c: {  	[tilespmem:v26+s28+$0x0] =	vst.idx.msk $0xffff, v2  }
0x26d: {  	[tilespmem:v27+s28+$0x0] =	vst.idx.msk $0xffff, v1  }
0x26e: {  	v1 =	vld [tilespmem:$0x6C0];
	_ =	sdelay $0x4  }
0x26f: {  	v1 =	vshll.u32 v1, $0x6  }
0x270: {  	v27 =	vor.u32 $0x30, v1  }
0x271: {  	v1 =	vor.u32 $0x31, v1;
	_ =	sdelay $0x3  }
0x272: {  	v2 =	vld.idx.msk [tilespmem:v27+s16+$0x0], $0xffff  }
0x273: {  	v1 =	vld.idx.msk [tilespmem:v1+s16+$0x0], $0xffff;
	_ =	sdelay $0x3  }
0x274: {  	[tilespmem:v28+s28+$0x0] =	vst.idx.msk $0xffff, v2  }
0x275: {  	[tilespmem:v29+s28+$0x0] =	vst.idx.msk $0xffff, v1  }
0x276: {  	v1 =	vld [tilespmem:$0x6D0];
	_ =	sdelay $0x4  }
0x277: {  	v1 =	vshll.u32 v1, $0x6  }
0x278: {  	v29 =	vor.u32 $0x30, v1  }
0x279: {  	v1 =	vor.u32 $0x31, v1;
	_ =	sdelay $0x3  }
0x27a: {  	v2 =	vld.idx.msk [tilespmem:v29+s16+$0x0], $0xffff  }
0x27b: {  	v1 =	vld.idx.msk [tilespmem:v1+s16+$0x0], $0xffff;
	_ =	sdelay $0x3  }
0x27c: {  	[tilespmem:v30+s28+$0x0] =	vst.idx.msk $0xffff, v2  }
0x27d: {  	[tilespmem:v31+s28+$0x0] =	vst.idx.msk $0xffff, v1  }
0x27e: {  	v1 =	vld [tilespmem:$0x6E0];
	_ =	sdelay $0x4  }
0x27f: {  	v1 =	vshll.u32 v1, $0x6  }
0x280: {  	v31 =	vor.u32 $0x30, v1  }
0x281: {  	v1 =	vor.u32 $0x31, v1;
	_ =	sdelay $0x3  }
0x282: {  	v2 =	vld.idx.msk [tilespmem:v31+s16+$0x0], $0xffff  }
0x283: {  	v1 =	vld.idx.msk [tilespmem:v1+s16+$0x0], $0xffff;
	_ =	sdelay $0x3  }
0x284: {  	[tilespmem:v32+s28+$0x0] =	vst.idx.msk $0xffff, v2  }
0x285: {  	[tilespmem:v33+s28+$0x0] =	vst.idx.msk $0xffff, v1  }
0x286: {  	v1 =	vld [tilespmem:$0x6F0];
	_ =	sdelay $0x4  }
0x287: {  	v1 =	vshll.u32 v1, $0x6  }
0x288: {  	v33 =	vor.u32 $0x30, v1  }
0x289: {  	v1 =	vor.u32 $0x31, v1;
	_ =	sdelay $0x3  }
0x28a: {  	v2 =	vld.idx.msk [tilespmem:v33+s16+$0x0], $0xffff  }
0x28b: {  	v1 =	vld.idx.msk [tilespmem:v1+s16+$0x0], $0xffff;
	_ =	sdelay $0x3  }
0x28c: {  	[tilespmem:v34+s28+$0x0] =	vst.idx.msk $0xffff, v2  }
0x28d: {  	[tilespmem:v35+s28+$0x0] =	vst.idx.msk $0xffff, v1  }
0x28e: {  	v1 =	vld [tilespmem:$0x700];
	_ =	sdelay $0x4  }
0x28f: {  	v1 =	vshll.u32 v1, $0x6  }
0x290: {  	v35 =	vor.u32 $0x30, v1  }
0x291: {  	v1 =	vor.u32 $0x31, v1;
	_ =	sdelay $0x3  }
0x292: {  	v2 =	vld.idx.msk [tilespmem:v35+s16+$0x0], $0xffff  }
0x293: {  	v1 =	vld.idx.msk [tilespmem:v1+s16+$0x0], $0xffff;
	_ =	sdelay $0x3  }
0x294: {  	[tilespmem:v36+s28+$0x0] =	vst.idx.msk $0xffff, v2  }
0x295: {  	[tilespmem:v37+s28+$0x0] =	vst.idx.msk $0xffff, v1  }
0x296: {  	v1 =	vld [tilespmem:$0x710];
	_ =	sdelay $0x4  }
0x297: {  	v1 =	vshll.u32 v1, $0x6  }
0x298: {  	v37 =	vor.u32 $0x30, v1  }
0x299: {  	v1 =	vor.u32 $0x31, v1;
	_ =	sdelay $0x3  }
0x29a: {  	v2 =	vld.idx.msk [tilespmem:v37+s16+$0x0], $0xffff  }
0x29b: {  	v1 =	vld.idx.msk [tilespmem:v1+s16+$0x0], $0xffff;
	_ =	sdelay $0x3  }
0x29c: {  	[tilespmem:v38+s28+$0x0] =	vst.idx.msk $0xffff, v2  }
0x29d: {  	[tilespmem:v39+s28+$0x0] =	vst.idx.msk $0xffff, v1  }
0x29e: {  	v1 =	vld [tilespmem:$0x720];
	_ =	sdelay $0x4  }
0x29f: {  	v1 =	vshll.u32 v1, $0x6  }
0x2a0: {  	v39 =	vor.u32 $0x30, v1  }
0x2a1: {  	v1 =	vor.u32 $0x31, v1;
	_ =	sdelay $0x3  }
0x2a2: {  	v2 =	vld.idx.msk [tilespmem:v39+s16+$0x0], $0xffff  }
0x2a3: {  	v1 =	vld.idx.msk [tilespmem:v1+s16+$0x0], $0xffff;
	_ =	sdelay $0x3  }
0x2a4: {  	[tilespmem:v40+s28+$0x0] =	vst.idx.msk $0xffff, v2  }
0x2a5: {  	[tilespmem:v41+s28+$0x0] =	vst.idx.msk $0xffff, v1  }
0x2a6: {  	v1 =	vld [tilespmem:$0x730];
	_ =	sdelay $0x4  }
0x2a7: {  	v1 =	vshll.u32 v1, $0x6  }
0x2a8: {  	v41 =	vor.u32 $0x30, v1  }
0x2a9: {  	v1 =	vor.u32 $0x31, v1;
	_ =	sdelay $0x3  }
0x2aa: {  	v2 =	vld.idx.msk [tilespmem:v41+s16+$0x0], $0xffff  }
0x2ab: {  	v1 =	vld.idx.msk [tilespmem:v1+s16+$0x0], $0xffff;
	_ =	sdelay $0x3  }
0x2ac: {  	[tilespmem:v42+s28+$0x0] =	vst.idx.msk $0xffff, v2  }
0x2ad: {  	[tilespmem:v43+s28+$0x0] =	vst.idx.msk $0xffff, v1  }
0x2ae: {  	v1 =	vld [tilespmem:$0x740];
	_ =	sdelay $0x4  }
0x2af: {  	v1 =	vshll.u32 v1, $0x6  }
0x2b0: {  	v43 =	vor.u32 $0x30, v1  }
0x2b1: {  	v1 =	vor.u32 $0x31, v1;
	_ =	sdelay $0x3  }
0x2b2: {  	v2 =	vld.idx.msk [tilespmem:v43+s16+$0x0], $0xffff  }
0x2b3: {  	v1 =	vld.idx.msk [tilespmem:v1+s16+$0x0], $0xffff;
	_ =	sdelay $0x3  }
0x2b4: {  	[tilespmem:v44+s28+$0x0] =	vst.idx.msk $0xffff, v2  }
0x2b5: {  	[tilespmem:v45+s28+$0x0] =	vst.idx.msk $0xffff, v1  }
0x2b6: {  	v1 =	vld [tilespmem:$0x750];
	_ =	sdelay $0x4  }
0x2b7: {  	v1 =	vshll.u32 v1, $0x6  }
0x2b8: {  	v45 =	vor.u32 $0x30, v1  }
0x2b9: {  	v1 =	vor.u32 $0x31, v1;
	_ =	sdelay $0x3  }
0x2ba: {  	v2 =	vld.idx.msk [tilespmem:v45+s16+$0x0], $0xffff  }
0x2bb: {  	v1 =	vld.idx.msk [tilespmem:v1+s16+$0x0], $0xffff;
	_ =	sdelay $0x3  }
0x2bc: {  	[tilespmem:v46+s28+$0x0] =	vst.idx.msk $0xffff, v2  }
0x2bd: {  	[tilespmem:v47+s28+$0x0] =	vst.idx.msk $0xffff, v1  }
0x2be: {  	v1 =	vld [tilespmem:$0x760];
	_ =	sdelay $0x4  }
0x2bf: {  	v1 =	vshll.u32 v1, $0x6  }
0x2c0: {  	v47 =	vor.u32 $0x30, v1  }
0x2c1: {  	v1 =	vor.u32 $0x31, v1;
	_ =	sdelay $0x3  }
0x2c2: {  	v2 =	vld.idx.msk [tilespmem:v47+s16+$0x0], $0xffff  }
0x2c3: {  	v1 =	vld.idx.msk [tilespmem:v1+s16+$0x0], $0xffff;
	_ =	sdelay $0x3  }
0x2c4: {  	[tilespmem:v48+s28+$0x0] =	vst.idx.msk $0xffff, v2  }
0x2c5: {  	[tilespmem:v49+s28+$0x0] =	vst.idx.msk $0xffff, v1  }
0x2c6: {  	v1 =	vld [tilespmem:$0x770];
	_ =	sdelay $0x4  }
0x2c7: {  	v1 =	vshll.u32 v1, $0x6  }
0x2c8: {  	v49 =	vor.u32 $0x30, v1  }
0x2c9: {  	v1 =	vor.u32 $0x31, v1;
	_ =	sdelay $0x3  }
0x2ca: {  	v2 =	vld.idx.msk [tilespmem:v49+s16+$0x0], $0xffff  }
0x2cb: {  	v1 =	vld.idx.msk [tilespmem:v1+s16+$0x0], $0xffff;
	_ =	sdelay $0x3  }
0x2cc: {  	[tilespmem:v50+s28+$0x0] =	vst.idx.msk $0xffff, v2  }
0x2cd: {  	[tilespmem:v52+s28+$0x0] =	vst.idx.msk $0xffff, v1  }
0x2ce: {  	v1 =	vld [tilespmem:$0x780];
	_ =	sdelay $0x4  }
0x2cf: {  	v1 =	vshll.u32 v1, $0x6  }
0x2d0: {  	v52 =	vor.u32 $0x30, v1  }
0x2d1: {  	v1 =	vor.u32 $0x31, v1;
	_ =	sdelay $0x3  }
0x2d2: {  	v2 =	vld.idx.msk [tilespmem:v52+s16+$0x0], $0xffff  }
0x2d3: {  	v1 =	vld.idx.msk [tilespmem:v1+s16+$0x0], $0xffff;
	_ =	sdelay $0x3  }
0x2d4: {  	[tilespmem:v51+s28+$0x0] =	vst.idx.msk $0xffff, v2  }
0x2d5: {  	[tilespmem:v53+s28+$0x0] =	vst.idx.msk $0xffff, v1  }
0x2d6: {  	v1 =	vld [tilespmem:$0x790];
	_ =	sdelay $0x4  }
0x2d7: {  	v1 =	vshll.u32 v1, $0x6  }
0x2d8: {  	v53 =	vor.u32 $0x30, v1  }
0x2d9: {  	v1 =	vor.u32 $0x31, v1;
	_ =	sdelay $0x3  }
0x2da: {  	v2 =	vld.idx.msk [tilespmem:v53+s16+$0x0], $0xffff  }
0x2db: {  	v1 =	vld.idx.msk [tilespmem:v1+s16+$0x0], $0xffff;
	_ =	sdelay $0x3  }
0x2dc: {  	[tilespmem:v54+s28+$0x0] =	vst.idx.msk $0xffff, v2  }
0x2dd: {  	[tilespmem:v55+s28+$0x0] =	vst.idx.msk $0xffff, v1  }
0x2de: {  	v1 =	vld [tilespmem:$0x7A0];
	_ =	sdelay $0x4  }
0x2df: {  	v1 =	vshll.u32 v1, $0x6  }
0x2e0: {  	v55 =	vor.u32 $0x30, v1  }
0x2e1: {  	v1 =	vor.u32 $0x31, v1;
	_ =	sdelay $0x3  }
0x2e2: {  	v2 =	vld.idx.msk [tilespmem:v55+s16+$0x0], $0xffff  }
0x2e3: {  	v1 =	vld.idx.msk [tilespmem:v1+s16+$0x0], $0xffff;
	_ =	sdelay $0x3  }
0x2e4: {  	[tilespmem:v56+s28+$0x0] =	vst.idx.msk $0xffff, v2  }
0x2e5: {  	[tilespmem:v57+s28+$0x0] =	vst.idx.msk $0xffff, v1  }
0x2e6: {  	v1 =	vld [tilespmem:$0x7B0];
	_ =	sdelay $0x4  }
0x2e7: {  	v1 =	vshll.u32 v1, $0x6  }
0x2e8: {  	v57 =	vor.u32 $0x30, v1  }
0x2e9: {  	v1 =	vor.u32 $0x31, v1;
	_ =	sdelay $0x3  }
0x2ea: {  	v2 =	vld.idx.msk [tilespmem:v57+s16+$0x0], $0xffff  }
0x2eb: {  	v1 =	vld.idx.msk [tilespmem:v1+s16+$0x0], $0xffff;
	_ =	sdelay $0x3  }
0x2ec: {  	[tilespmem:v58+s28+$0x0] =	vst.idx.msk $0xffff, v2  }
0x2ed: {  	[tilespmem:v59+s28+$0x0] =	vst.idx.msk $0xffff, v1  }
0x2ee: {  	v1 =	vld [tilespmem:$0x7C0];
	_ =	sdelay $0x4  }
0x2ef: {  	v1 =	vshll.u32 v1, $0x6  }
0x2f0: {  	v58 =	vor.u32 $0x30, v1  }
0x2f1: {  	v1 =	vor.u32 $0x31, v1;
	_ =	sdelay $0x3  }
0x2f2: {  	v2 =	vld.idx.msk [tilespmem:v58+s16+$0x0], $0xffff  }
0x2f3: {  	v1 =	vld.idx.msk [tilespmem:v1+s16+$0x0], $0xffff;
	_ =	sdelay $0x3  }
0x2f4: {  	[tilespmem:v60+s28+$0x0] =	vst.idx.msk $0xffff, v2  }
0x2f5: {  	[tilespmem:v61+s28+$0x0] =	vst.idx.msk $0xffff, v1  }
0x2f6: {  	v1 =	vld [tilespmem:$0x7D0];
	_ =	sdelay $0x4  }
0x2f7: {  	v1 =	vshll.u32 v1, $0x6  }
0x2f8: {  	v59 =	vor.u32 $0x30, v1  }
0x2f9: {  	v1 =	vor.u32 $0x31, v1;
	_ =	sdelay $0x3  }
0x2fa: {  	v2 =	vld.idx.msk [tilespmem:v59+s16+$0x0], $0xffff  }
0x2fb: {  	v1 =	vld.idx.msk [tilespmem:v1+s16+$0x0], $0xffff;
	_ =	sdelay $0x3  }
0x2fc: {  	[tilespmem:v62+s28+$0x0] =	vst.idx.msk $0xffff, v2  }
0x2fd: {  	[tilespmem:v63+s28+$0x0] =	vst.idx.msk $0xffff, v1  }
0x2fe: {  	v1 =	vld [tilespmem:$0x7E0];
	_ =	sdelay $0x4  }
0x2ff: {  	v1 =	vshll.u32 v1, $0x6  }
0x300: {  	v60 =	vor.u32 $0x30, v1  }
0x301: {  	v1 =	vor.u32 $0x31, v1  }
0x302: {  	v61 =	vld [tilespmem:$0x1FFB0];
	_ =	sdelay $0x2  }
0x303: {  	v2 =	vld.idx.msk [tilespmem:v60+s16+$0x0], $0xffff  }
0x304: {  	v1 =	vld.idx.msk [tilespmem:v1+s16+$0x0], $0xffff;
	_ =	sdelay $0x3  }
0x305: {  	[tilespmem:v61+s28+$0x0] =	vst.idx.msk $0xffff, v2  }
0x306: {  	[tilespmem:v4+s28+$0x0] =	vst.idx.msk $0xffff, v1  }
0x307: {  	v1 =	vld [tilespmem:$0x7F0];
	_ =	sdelay $0x4  }
0x308: {  	v1 =	vshll.u32 v1, $0x6  }
0x309: {  	v62 =	vor.u32 $0x30, v1  }
0x30a: {  	v1 =	vor.u32 $0x31, v1;
	_ =	sdelay $0x1  }
0x30b: {  	v63 =	vld [tilespmem:$0x1FFF0];
	_ =	sdelay $0x1  }
0x30c: {  	v2 =	vld.idx.msk [tilespmem:v62+s16+$0x0], $0xffff  }
0x30d: {  	v1 =	vld.idx.msk [tilespmem:v1+s16+$0x0], $0xffff;
	_ =	sdelay $0x3  }
0x30e: {  	[tilespmem:v0+s28+$0x0] =	vst.idx.msk $0xffff, v2  }
0x30f: {  	[tilespmem:v63+s28+$0x0] =	vst.idx.msk $0xffff, v1  }
0x310: {  	_ =	swait.ge [sflag:s11], $0x2000  }
0x311: {  	[sflag:s11] =	ssyncset.done $0x0  }
0x312: {  	[sflag:s11] =	ssyncadd.s32 $0xFFFFE000  }
0x313: {  	_ =	swait.ge [sflag:s12], $0x1800  }
0x314: {  	[sflag:s12] =	ssyncset.done $0x0  }
0x315: {  	[sflag:s12] =	ssyncadd.s32 $0xFFFFE800  }
0x316: {  	_ =	swait.ge [sflag:s11], $0x2000  }
0x317: {  	[sflag:s11] =	ssyncset.done $0x0  }
0x318: {  	[sflag:s11] =	ssyncadd.s32 $0xFFFFE000  }
0x319: {  	_ =	swait.ge [sflag:s12], $0x1800  }
0x31a: {  	[sflag:s12] =	ssyncset.done $0x0  }
0x31b: {  	[sflag:s12] =	ssyncadd.s32 $0xFFFFE800  }
0x31c: {  	_ =	swait.ge [sflag:s11], $0x2000  }
0x31d: {  	[sflag:s11] =	ssyncset.done $0x0  }
0x31e: {  	[sflag:s11] =	ssyncadd.s32 $0xFFFFE000  }
0x31f: {  	_ =	swait.ge [sflag:s12], $0x1800  }
0x320: {  	[sflag:s12] =	ssyncset.done $0x0  }
0x321: {  	[sflag:s12] =	ssyncadd.s32 $0xFFFFE800  }
0x322: {  	_ =	swait.ge [sflag:s11], $0x2000  }
0x323: {  	[sflag:s11] =	ssyncset.done $0x0  }
0x324: {  	[sflag:s11] =	ssyncadd.s32 $0xFFFFE000  }
0x325: {  	_ =	swait.ge [sflag:s12], $0x1800  }
0x326: {  	[sflag:s12] =	ssyncset.done $0x0  }
0x327: {  	s13 =	sadd.s32 $0x1E00, s22;
	[sflag:s12] =	ssyncadd.s32 $0xFFFFE800  }
0x328: {  	[hbm4b:s13+s7] =	stream.strided.scatter [tilespmem:s25], [sflag:$0x7], $0x8000, s8, s7, $0x38;
	[tilespmem:$0x1F908] =	vst v63  }
0x329: {  	_ =	swait.ge [sflag:s31], $0x8000  }
0x32a: {  	[sflag:s31] =	ssyncset.done $0x0  }
0x32b: {  	s21 =	sadd.s32 $0x1E08, s22;
	[sflag:s31] =	ssyncadd.s32 $0xFFFF8000  }
0x32c: {  	[hbm4b:s21+s9] =	stream.strided.scatter [tilespmem:s26], [sflag:$0x7], $0x6000, s8, s9, $0x38;
	[tilespmem:$0x1F908] =	vst v63  }
0x32d: {  	s18 =	sadd.s32 $0x3C00, s18;
	_ =	swait.ge [sflag:s31], $0x6000  }
0x32e: {  	p1 =	sne.s32 s18, $0x5DC00;
	[sflag:s31] =	ssyncset.done $0x0  }
.Ltmp0:
0x32f: {  	s22 =	sadd.s32 $0x1E0E, s22;
	[sflag:s31] =	ssyncadd.s32 $0xFFFFA000;
	(pc) =	sbr.rel @p1 .LBB2_2-.Ltmp0, $4  }
0x330: {  	[hbm4b:s22+s10] =	stream.strided.scatter [tilespmem:s28], [sflag:$0x6], $0x1000, s8, s10, $0x38;
	[tilespmem:$0x1F908] =	vst v63  }
0x331: {  	s15 =	sadd.s32 $0x80, s15;
	s14 =	sadd.s32 $0x80, s14;
	_ =	swait.ge [sflag:s17], $0x1000  }
0x332: {  	s20 =	sadd.s32 $0x400, s20;
	s1 =	smov.u32 s23;
	[sflag:s17] =	ssyncset.done $0x0  }
0x333: {  	s23 =	smov.u32 s24;
	s24 =	simm.s32 $0x880;
	[sflag:s17] =	ssyncadd.s32 $0xFFFFF000  }
0x334: {  	s13 =	rddreg [dreg:$0x1f]  }
0x335: {  	s0 =	rddreg [dreg:$0x1a];
	s13 =	sadd.s32 $0x1, s13  }
0x336: {  	p1 =	sne.s32 s13, s0  }
.Ltmp1:
0x337: {  	_ = 	snop;
	(pc) =	sbr.rel @p1 .LBB2_1-.Ltmp1, $2  }
0x338: {  	_ =	sdelay $0x2  }
0x339: {  	s15 =	simm.s32 $0x10880  }
0x33a: {  	_ =	sfence.sel $0x180000  }
0x33b: {  	[bflag:$0x0] =	sbarrier.arrive $0xFFFF  }
0x33c: {  	_ =	strace $0x90000047  }
0x33d: {  	[bflag:$0x2] =	sbarrier.arrive $0xFFFF  }
0x33e: {  	s0 =	rddreg [dreg:$0x7]  }
0x33f: {  	s0 =	sadd.s32 @!p0 $0x100000, s0  }
0x340: {  	[sflag:s0] =	ssyncadd.tile.s32 @!p0 $0x1;
	_ =	shalt  }
.Lfunc_end2:
_tile_overlayer_lowered:
.L_overlay_start_2:
0x341: {  	(tag) =	ssettag $0x2  }
0x342: {  	s0 =	rddreg [dreg:$0x0];
	s2 =	stileid.u32  }
0x343: {  	s1 =	rddreg [dreg:$0x1];
	p0 =	sne.s32 s2, $0x0  }
0x344: {  	s3 =	rddreg [dreg:$0x2];
	[bflag:$0x3] =	sbarrier.arrive $0xFFFF;
	s2 =	simm.s32 @!p0 $0x1C06  }
0x345: {  	[timem:s3], [sflag:s2] =	dma.local @!p0 [hbm:s0], s1  }
0x346: {  	s0 =	simm.s32 @!p0 $0x6  }
0x347: {  	_ =	swait.ge @!p0 [sflag:s0], s1  }
0x348: {  	s1 =	ssub.s32 @!p0 $0x0, s1;
	[sflag:s0] =	ssyncset.done @!p0 $0x0  }
0x349: {  	[sflag:s0] =	ssyncadd.s32 @!p0 s1  }
0x34a: {  	[bflag:$0x3] =	sbarrier.arrive $0xFFFF  }
0x34b: {  	_ =	shalt  }

// kernel: sparse-core-data-format-call.cloned.1.call-start
scs
called_computation_lowered:
.L_overlay_start_0:
0x0: {  	s2 =	sld [smem:$0x3FD9]  }
0x1: {  	s3 =	sld [smem:$0x3FFE];
	_ =	sdelay $0x1  }
0x2: {  	s1 =	srdreg.scid  }
0x3: {  	s0 =	sand.u32 $0x1, s1  }
0x4: {  	s15 =	sshll.u32 s0, $0xA;
	s2 =	sadd.s32 s3, s2  }
0x5: {  	s2 =	sadd.s32 s2, s15  }
0x6: {  	[smem:$0x3FC3] =	sst s2  }
0x7: {  	_ = 	snop  }
0x8: {  	s2 =	sld [smem:$0x3FD0];
	_ =	sdelay $0x2  }
0x9: {  	s16 =	simm.s32 $0xA;
	s4 =	simm.s32 $0x10  }
0xa: {  	[smem:s4], [sflag:s16] =	dma.local [hbm:s2], $0x1  }
0xb: {  	_ =	swait.eq [sflag:s16], $0x1  }
0xc: {  	[sflag:s16] =	ssyncset.done $0x0  }
0xd: {  	[sflag:s16] =	ssyncadd.s32 $0xFFFFFFFF  }
0xe: {  	s17 =	sld [smem:$0x10];
	(tm) =	ssettm $0x1  }
0xf: {  	s18 =	sld [smem:$0x3FFB];
	_ =	sdelay $0x3  }
0x10: {  	_ =	strace s18  }
0x11: {  	s3 =	sld [smem:$0x3FFC];
	_ =	sdelay $0x3  }
0x12: {  	_ =	strace s3  }
0x13: {  	s3 =	sld [smem:$0x3FFD];
	_ =	sdelay $0x3  }
0x14: {  	_ =	strace s3  }
0x15: {  	_ =	strace $0x8FFFFFFF  }
0x16: {  	s19 =	sld [smem:$0x3FDB];
	_ =	sdelay $0x1  }
0x17: {  	s20 =	simm.s32 $_scs_section_size  }
0x18: {  	s5 =	simm.s32 $_size__tile_overlayer_lowered;
	s6 =	simm.s32 $_tile_overlayer_lowered  }
0x19: {  	s23 =	simm.s32 $0x1BFF;
	s22 =	sshll.u32 s6, $0x1;
	s3 =	sadd.s32 s20, s19  }
0x1a: {  	s7 =	simm.s32 $0x0;
	s21 =	sshll.u32 s5, $0x1;
	s5 =	sadd.s32 s22, s3  }
0x1b: {  	[timem:s7], [sflag:s23] =	dma.local [hbm:s5], s21  }
0x1c: {  	_ =	swait.ge [sflag:s23], s21  }
0x1d: {  	s4 =	ssub.s32 $0x0, s21;
	[sflag:s23] =	ssyncset.done $0x0  }
0x1e: {  	[sflag:s23] =	ssyncadd.s32 s4;
	_ =	sdelay $0x1  }
0x1f: {  	s24 =	simm.s32 $0x1B8B  }
0x20: {  	_ =	swait.ge [sflag:s24], $0x1  }
0x21: {  	[sflag:s24] =	ssyncset.done $0x0  }
0x22: {  	s26 =	simm.s32 $0x1B8E;
	s25 =	sld [smem:$0x3FFE];
	[sflag:s24] =	ssyncadd.s32 $0xFFFFFFFF  }
0x23: {  	s27 =	simm.s32 $execute0_lowered;
	[smem:$0x3FD2] =	sst s26  }
0x24: {  	s5 =	sshll.u32 s27, $0x1;
	_ =	strace $0x80000049;
	[dreg:$0x1] =	wrdreg $0xFFFFFFFF  }
0x25: {  	s28 =	simm.s32 $_size_execute0_lowered;
	s3 =	sadd.s32 s3, s5;
	[dreg:$0x0] =	wrdreg $0x0  }
0x26: {  	s5 =	sshll.u32 s28, $0x1;
	[dreg:$0x2] =	wrdreg s3  }
0x27: {  	[dreg:$0x3] =	wrdreg s5  }
0x28: {  	[dreg:$0x4] =	wrdreg $0xC0  }
0x29: {  	_ =	task [dreg:s7], $0x5FFFF  }
0x2a: {  	[dreg:$0x1] =	wrdreg $0xFFFFFFFF  }
0x2b: {  	[dreg:$0x0] =	wrdreg $0x60  }
0x2c: {  	[dreg:$0x2] =	wrdreg s25  }
0x2d: {  	[dreg:$0x3] =	wrdreg s17  }
0x2e: {  	[dreg:$0x4] =	wrdreg $0x9  }
0x2f: {  	_ =	task.clear_ibuf [dreg:s7], $0x5FFFF;
	_ =	strace $0x90000049  }
0x30: {  	s29 =	simm.s32 $0x9;
	_ =	strace $0x8000004B  }
0x31: {  	_ =	swait.ge [sflag:s29], $0x1  }
0x32: {  	[sflag:s29] =	ssyncadd.s32 $0xFFFFFFFF  }
0x33: {  	_ =	strace $0x9000004B  }
0x34: {  	_ =	sfence  }
0x35: {  	s30 =	sld [smem:$0x0];
	_ =	sdelay $0x2  }
0x36: {  	s31 =	sshll.u32 s1, $0xD;
	s1 =	sshrl.u32 s1, $0x2  }
0x37: {  	s3 =	sand.u32 $0x4000, s31;
	s1 =	sadd.s32 s1, s30  }
0x38: {  	s0 =	sor.u32 s3, s0;
	s1 =	sshll.u32 s1, $0x11  }
0x39: {  	s0 =	sor.u32 s1, s0  }
0x3a: {  	s0 =	sadd.s32 $0x8F2B, s0  }
0x3b: {  	[sflag:s0] =	ssyncadd.remote.s32 $0x1  }
0x3c: {  	_ =	sfence.sel $0xFFFF  }
0x3d: {  	[dreg:$0x0] =	wrdreg $0xFFFFFFFF;
	(pc) =	sbr.abs _section_cstart, $3  }
0x3e: {  	[dreg:$0x1] =	wrdreg $0xFFFFFFFF  }
0x3f: {  	_ =	task.clear_ibuf [dreg:s7], $0x2FFFF;
	_ =	strace $0x9FFFFFFF  }
0x40: {  	(tm) =	ssettm $0x7FFFFFFF  }
0x41: {  	_ =	shalt  }
tec
execute0_lowered:
.L_overlay_start_1:
0x0: {  	(tag) =	ssettag $0x1  }
0x1: {  	s0 =	srdreg.scid  }
0x2: {  	s5 =	rddreg [dreg:$0x0];
	s1 =	sshll.u32 s0, $0x4  }
0x3: {  	s2 =	rddreg [dreg:$0x1];
	s0 =	stileid.u32;
	s1 =	sand.u32 $0x10, s1  }
0x4: {  	s4 =	simm.s32 $0x1;
	s8 =	simm.s32 $0x2;
	s1 =	sor.u32 s0, s1  }
0x5: {  	s12 =	simm.s32 $0x0;
	s9 =	simm.s32 $0x0;
	s3 =	sshll.u32 s1, $0x7  }
0x6: {  	s11 =	simm.s32 $0x0;
	s5 =	sadd.s32 $0xE00, s5;
	s6 =	ssub.s32 $0xC8000, s3  }
.Ltmp0:
0x7: {  	s1 =	rddreg [dreg:$0x2];
	s7 =	sand.u32 $0xF80, s6;
	(pc) =	sbr.rel .LBB1_1-.Ltmp0, $4  }
0x8: {  	_ =	strace $0x8000004A;
	p0 =	sne.s32 s7, $0x0;
	s7 =	simm.s32 $0x1  }
0x9: {  	[sflag:s4] =	ssyncpa.u1 $0x0;
	s6 =	sshrl.u32 s6, $0xC;
	s7 =	simm.s32 @!p0 $0x0  }
0xa: {  	s10 =	smov.u32 s3;
	[sflag:s8] =	ssyncpa.u1 $0x0;
	s6 =	sadd.s32 s7, s6  }
0xb: {  	s8 =	simm.s32 $0x640000;
	p0 =	por $0x0, $0x0;
	s7 =	sadd.s32 $0x1, s6  }
.LBB1_4:
0xc: {  	s18 =	sshll.u32 s9, $0x3  }
0xd: {  	s19 =	sand.u32 $0x7F, s9;
	s20 =	sand.u32 $0xFFFFFC00, s18;
	s18 =	smulhi.u32 $0x51EB851F, s18  }
0xe: {  	v5 =	vld [tilespmem:s14+$0xFFFFFFD0];
	[tilespmem:s16+$0x2040 ss:$0x81] =	vst.msk $0xffff, v3;
	s19 =	sor.u32 s19, s20  }
0xf: {  	v58 =	vld [tilespmem:s14+$0xFFFFFFE0];
	[tilespmem:s16+$0x2850 ss:$0x81] =	vst.msk $0xffff, v4;
	s20 =	smulhi.u32 $0x51EB851F, s19;
	s18 =	sshrl.u32 s18, $0x12  }
0x10: {  	s17 =	sshra.s32 s17, $0x2;
	v59 =	vld [tilespmem:s14+$0xFFFFFFF0];
	[tilespmem:s16+$0x3060 ss:$0x81] =	vst.msk $0xffff, v2;
	p1 =	sgt.s32 s9, $0xC7F80;
	s21 =	smul.u32 $0x2223, s18  }
0x11: {  	v60 =	vld [tilespmem:s14+$0x0];
	[tilespmem:s16+$0x0 ss:$0x81] =	vst.msk $0xffff, v0;
	s26 =	sshra.s32 s9, $0x1F;
	s15 =	sadd.s32 s17, s15;
	s20 =	sshrl.u32 s20, $0x12  }
0x12: {  	v61 =	vld [tilespmem:s14+$0x10];
	[tilespmem:s15+$0x3870 ss:$0x81] =	vst.msk $0xffff, v1;
	s24 =	smul.u32 $0xC8000, s20;
	s25 =	sshrl.u32 s21, $0x14;
	s20 =	smov.u32 s9  }
0x13: {  	v62 =	vld [tilespmem:s14+$0x20];
	[tilespmem:s15+$0x810 ss:$0x81] =	vst.msk $0xffff, v5;
	s21 =	sand.u32 s26, s9;
	s17 =	smul.u32 $0x78, s25;
	s20 =	simm.s32 @!p1 $0xC7F80  }
0x14: {  	v63 =	vld [tilespmem:s14+$0xFFFFFFC0];
	[tilespmem:s15+$0x1020 ss:$0x81] =	vst.msk $0xffff, v58;
	s27 =	ssub.s32 s19, s24;
	s28 =	ssub.s32 s20, s21  }
0x15: {  	[tilespmem:s15+$0x1830 ss:$0x81] =	vst.msk $0xffff, v59;
	s17 =	ssub.s32 s18, s17;
	s29 =	sadd.s32 $0xFFF38080, s28;
	s16 =	ssub.s32 $0xC8000, s28  }
0x16: {  	[tilespmem:s15+$0x2040 ss:$0x81] =	vst.msk $0xffff, v60;
	s30 =	sshrl.u32 s27, $0x3;
	s17 =	sand.u32 $0xFFFF, s17;
	s16 =	smul.u32 $0x1E0, s16  }
0x17: {  	[tilespmem:s15+$0x2850 ss:$0x81] =	vst.msk $0xffff, v61;
	s14 =	sand.u32 $0x7, s27;
	p1 =	sgt.s32 s29, $0x7F;
	s17 =	smul.u32 $0x19000, s17  }
0x18: {  	[tilespmem:s15+$0x3060 ss:$0x81] =	vst.msk $0xffff, v62;
	s18 =	sadd.s32 s2, s30;
	s14 =	sshll.u32 s14, $0x12;
	s16 =	sshrl.u32 s16, $0x2  }
0x19: {  	[tilespmem:s15+$0x0 ss:$0x81] =	vst.msk $0xffff, v63;
	s14 =	sor.u32 $0x400, s14;
	s16 =	simm.s32 @p1 $0x0;
	s31 =	sadd.s32 s17, s18  }
0x1a: {  	[hbm4b:s31+s14] =	stream.strided.scatter [tilespmem:s13], [sflag:$0x2], s16, s8, s14, $0x20;
	[tilespmem:$0x10100] =	vst v63  }
.LBB1_5:
0x1b: {  	p1 =	slt.u32 s11, $0x2  }
0x1c: {  	p2 =	sgt.s32 @!p1 s12, $0xC7F80  }
0x1d: {  	s13 =	smov.u32 s12;
	s14 =	sshra.s32 @!p1 s12, $0x1F;
	p2 =	por !p2, p1  }
0x1e: {  	s12 =	sand.u32 @!p1 s14, s12;
	s13 =	simm.s32 @p2 $0xC7F80  }
0x1f: {  	s12 =	ssub.s32 @!p1 s13, s12  }
0x20: {  	s13 =	ssub.s32 @!p1 $0xC8000, s12  }
0x21: {  	s12 =	sadd.s32 @!p1 $0xFFF38080, s12;
	s13 =	smul.u32 @!p1 $0x1E0, s13  }
0x22: {  	p2 =	sgt.s32 @!p1 s12, $0x7F  }
0x23: {  	s14 =	sadd.s32 $0x1000, s10;
	p2 =	por !p2, p1;
	s12 =	sshrl.u32 @!p1 s13, $0x2  }
0x24: {  	s12 =	simm.s32 @!p2 $0x0;
	p2 =	sgt.s32 s14, $0xC7FFF  }
0x25: {  	s14 =	smov.u32 @p2 s3;
	p2 =	sne.s32 s11, s7  }
.Ltmp1:
0x26: {  	_ = 	snop;
	(pc) =	sbr.rel @!p2 .LBB1_6-.Ltmp1, $4  }
0x27: {  	s13 =	simm.s32 @!p1 $0x2  }
0x28: {  	p0 =	por !p0, !p0;
	_ =	swait.ge @!p1 [sflag:s13], s12;
	s15 =	ssub.s32 @!p1 $0x0, s12  }
0x29: {  	s12 =	smov.u32 s9;
	s11 =	sadd.s32 $0x1, s11;
	[sflag:s13] =	ssyncset.done @!p1 $0x0  }
0x2a: {  	s9 =	smov.u32 s10;
	s10 =	smov.u32 s14;
	[sflag:s13] =	ssyncadd.s32 @!p1 s15  }
.LBB1_1:
0x2b: {  	p1 =	sge.u32 s11, s6  }
0x2c: {  	s13 =	sand.u32 @!p1 $0x1FFFFFF, s10  }
0x2d: {  	s14 =	smulhi.u32 @!p1 $0x147AE15, s13;
	_ =	sdelay $0x1  }
0x2e: {  	s14 =	sshrl.u32 @!p1 s14, $0xC  }
0x2f: {  	s14 =	smul.u32 @!p1 $0xC8000, s14;
	_ =	sdelay $0x1  }
0x30: {  	s15 =	sxor.u32 @!p1 $0xFFFFFFFF, s11;
	s13 =	ssub.s32 @!p1 s13, s14  }
0x31: {  	s31 =	sadd.s32 $0xFFFFFFFF, s11;
	s14 =	sshll.u32 @!p1 s15, $0xE;
	s13 =	sshll.u32 @!p1 s13, $0x4  }
0x32: {  	s15 =	simm.s32 @!p1 $0x0;
	s14 =	sand.u32 @!p1 $0x4000, s14;
	s13 =	sadd.s32 @!p1 s5, s13  }
0x33: {  	[tilespmem:s14], [sflag:$0x1] =	stream.linear.gather @!p1 [hbm4b:s13+s15], $0x4000, $0x38;
	[tilespmem:$0x10100] =	vst v63  }
0x34: {  	p1 =	sge.u32 s31, s6  }
.Ltmp2:
0x35: {  	_ = 	snop;
	(pc) =	sbr.rel @p1 .LBB1_5-.Ltmp2, $1  }
0x36: {  	_ =	sdelay $0x3  }
0x37: {  	s13 =	simm.s32 $0x1  }
0x38: {  	_ =	swait.ge [sflag:s4], $0x4000;
	s13 =	simm.s32 @!p0 $0x0  }
0x39: {  	[sflag:s4] =	ssyncset.done $0x0;
	s14 =	sshll.u32 s13, $0xE  }
0x3a: {  	[sflag:s4] =	ssyncadd.s32 $0xFFFFC000;
	s14 =	sor.u32 $0x40, s14  }
0x3b: {  	s13 =	smul.u32 $0x10200, s13;
	v0 =	vld [tilespmem:s14+$0x30]  }
0x3c: {  	v1 =	vld [tilespmem:s14+$0xFFFFFFD0]  }
0x3d: {  	s13 =	sshrl.u32 s13, $0x2;
	v5 =	vld [tilespmem:s14+$0xFFFFFFE0]  }
0x3e: {  	v6 =	vld [tilespmem:s14+$0xFFFFFFF0];
	s15 =	sor.u32 $0x8000, s13  }
0x3f: {  	s31 =	sand.u32 $0x1, s11;
	v3 =	vld [tilespmem:s14+$0x0];
	s16 =	sadd.s32 $0x0, s15  }
0x40: {  	v4 =	vld [tilespmem:s14+$0x10];
	s13 =	smul.u32 $0x10200, s31;
	[tilespmem:s16+$0x3870 ss:$0x81] =	vst.msk $0xffff, v0  }
0x41: {  	v2 =	vld [tilespmem:s14+$0x20];
	[tilespmem:s16+$0x810 ss:$0x81] =	vst.msk $0xffff, v1  }
0x42: {  	s13 =	sshrl.u32 s13, $0x2;
	v0 =	vld [tilespmem:s14+$0xFFFFFFC0];
	[tilespmem:s16+$0x1020 ss:$0x81] =	vst.msk $0xffff, v5;
	s14 =	sadd.s32 $0x80, s14  }
0x43: {  	s17 =	simm.s32 $0x4;
	s18 =	simm.s32 $0x8;
	s13 =	sor.u32 $0x8000, s13;
	[tilespmem:s16+$0x1830 ss:$0x81] =	vst.msk $0xffff, v6;
	v1 =	vld [tilespmem:s14+$0x30]  }
.LBB1_3:
0x44: {  	p1 =	sne.s32 s18, $0x1FC;
	v5 =	vld [tilespmem:s14+$0xFFFFFFD0];
	[tilespmem:s16+$0x2040 ss:$0x81] =	vst.msk $0xffff, v3  }
0x45: {  	v6 =	vld [tilespmem:s14+$0xFFFFFFE0];
	[tilespmem:s16+$0x2850 ss:$0x81] =	vst.msk $0xffff, v4  }
0x46: {  	s19 =	sshra.s32 s17, $0x2;
	s17 =	smov.u32 s18;
	v7 =	vld [tilespmem:s14+$0xFFFFFFF0];
	[tilespmem:s16+$0x3060 ss:$0x81] =	vst.msk $0xffff, v2  }
.Ltmp3:
0x47: {  	v3 =	vld [tilespmem:s14+$0x0];
	[tilespmem:s16+$0x0 ss:$0x81] =	vst.msk $0xffff, v0;
	s16 =	sadd.s32 s19, s15;
	(pc) =	sbr.rel @p1 .LBB1_3-.Ltmp3, $4  }
0x48: {  	v4 =	vld [tilespmem:s14+$0x10];
	[tilespmem:s16+$0x3870 ss:$0x81] =	vst.msk $0xffff, v1  }
0x49: {  	[tilespmem:s16+$0x810 ss:$0x81] =	vst.msk $0xffff, v5;
	v2 =	vld [tilespmem:s14+$0x20]  }
0x4a: {  	v0 =	vld [tilespmem:s14+$0xFFFFFFC0];
	[tilespmem:s16+$0x1020 ss:$0x81] =	vst.msk $0xffff, v6;
	s14 =	sadd.s32 $0x80, s14  }
0x4b: {  	s18 =	sadd.s32 $0x4, s18;
	v1 =	vld [tilespmem:s14+$0x30];
	[tilespmem:s16+$0x1830 ss:$0x81] =	vst.msk $0xffff, v7  }
.Ltmp4:
0x4c: {  	_ = 	snop;
	(pc) =	sbr.rel .LBB1_4-.Ltmp4, $1  }
0x4d: {  	_ =	sdelay $0x3  }
.LBB1_6:
0x4e: {  	_ =	sfence.sel $0x180000  }
0x4f: {  	s2 =	simm.s32 $0x1;
	[bflag:$0x0] =	sbarrier.arrive $0xFFFF  }
0x50: {  	s31 =	simm.s32 $0x2;
	[sflag:s2] =	ssyncpa.u1 $0x1  }
0x51: {  	[sflag:s31] =	ssyncpa.u1 $0x1  }
0x52: {  	p0 =	sne.s32 s0, $0x0;
	_ =	strace $0x9000004A  }
0x53: {  	s0 =	sadd.s32 @!p0 $0x100000, s1;
	[bflag:$0x2] =	sbarrier.arrive $0xFFFF  }
0x54: {  	[sflag:s0] =	ssyncadd.tile.s32 @!p0 $0x1;
	_ =	shalt  }
.Lfunc_end1:
_tile_overlayer_lowered:
.L_overlay_start_2:
0x55: {  	(tag) =	ssettag $0x2  }
0x56: {  	s0 =	rddreg [dreg:$0x0];
	s2 =	stileid.u32  }
0x57: {  	s1 =	rddreg [dreg:$0x1];
	p0 =	sne.s32 s2, $0x0  }
0x58: {  	s3 =	rddreg [dreg:$0x2];
	[bflag:$0x3] =	sbarrier.arrive $0xFFFF;
	s2 =	simm.s32 @!p0 $0x1C01  }
0x59: {  	[timem:s3], [sflag:s2] =	dma.local @!p0 [hbm:s0], s1  }
0x5a: {  	s0 =	simm.s32 @!p0 $0x1  }
0x5b: {  	_ =	swait.ge @!p0 [sflag:s0], s1  }
0x5c: {  	s1 =	ssub.s32 @!p0 $0x0, s1;
	[sflag:s0] =	ssyncset.done @!p0 $0x0  }
0x5d: {  	[sflag:s0] =	ssyncadd.s32 @!p0 s1  }
0x5e: {  	[bflag:$0x3] =	sbarrier.arrive $0xFFFF  }
0x5f: {  	_ =	shalt  }

</sc_bundles>
